<compile_context>
chip_gen: v7x
topology: tpu7x:2x2x1
jax: 0.10.2.dev20260603
libtpu: 0.0.44.dev20260713+nightly
codegen_flags: <defaults>
</compile_context>

<pallas_src>
import jax
import jax.numpy as jnp
from jax import lax
from jax.experimental import pallas as pl
from jax.experimental.pallas import tpu as pltpu
from jax.experimental.pallas import tpu_sc as plsc

N = 10000
D = 128
E = 320000
NC = 2
NS = 16
NW = NC * NS
L = 16
EPW = E // NW
C = 192
NCHUNK = EPW // C
TAIL = EPW - NCHUNK * C


def _norm_body(mult_ref, x1_ref, x2_ref, o1_ref, o2_ref):
    for x_ref, o_ref, m in ((x1_ref, o1_ref, 0), (x2_ref, o2_ref, 1)):
        x = x_ref[...]
        n2 = jnp.sum(x * x, axis=1, keepdims=True)
        r = jnp.maximum(jnp.sqrt(n2), 1e-8)
        o_ref[...] = x * (mult_ref[0, m] / r)


def _normalize2(t1, t2, scale):
    mult = jnp.stack([jnp.asarray(scale, jnp.float32),
                      jnp.float32(1.0)]).reshape(1, 2)
    blk = pl.BlockSpec((N // 10, D), lambda i: (i, 0))
    return pl.pallas_call(
        _norm_body,
        grid=(10,),
        in_specs=[pl.BlockSpec(memory_space=pltpu.SMEM), blk, blk],
        out_specs=[blk, blk],
        out_shape=[jax.ShapeDtypeStruct((N, D), jnp.float32)] * 2,
    )(mult, t1, t2)


def _sc_body(pn_hbm, cn_hbm, ei_hbm, bias_hbm, out_hbm,
             sidx, didx, srowsA, drowsA, srowsB, drowsB, outv, biasv,
             semA, semB, semI):
    cid = lax.axis_index("c")
    sid = lax.axis_index("s")
    wid = sid * NC + cid
    base = wid * EPW

    pltpu.sync_copy(bias_hbm, biasv)
    c1 = pltpu.async_copy(ei_hbm.at[pl.ds(base, EPW)], sidx, semI)
    c2 = pltpu.async_copy(ei_hbm.at[pl.ds(E + base, EPW)], didx, semI)
    c1.wait()
    c2.wait()
    bvec = biasv[...]

    def _issue(ci, srows, drows, sem):
        off = ci * C
        pltpu.async_copy(pn_hbm.at[sidx.at[pl.ds(off, C)]], srows, sem)
        pltpu.async_copy(cn_hbm.at[didx.at[pl.ds(off, C)]], drows, sem)

    def _wait(srows, drows, sem):
        pltpu.make_async_copy(pn_hbm.at[pl.ds(0, C)], srows, sem).wait()
        pltpu.make_async_copy(cn_hbm.at[pl.ds(0, C)], drows, sem).wait()

    lane = lax.iota(jnp.int32, L)

    def _dot_group(srows, drows, rows):
        def _k(k, acc):
            kv = (lane + k) & (D - 1)
            sv = plsc.load_gather(srows, [rows, kv])
            dv = plsc.load_gather(drows, [rows, kv])
            return acc + sv * dv

        return lax.fori_loop(0, D, _k, jnp.zeros((L,), jnp.float32),
                             unroll=16)

    def _compute(ci, srows, drows):
        @pl.loop(0, C // L)
        def _grp(g):
            acc = _dot_group(srows, drows, g * L + lane)
            outv[pl.ds(ci * C + g * L, L)] = acc + bvec

    _issue(0, srowsA, drowsA, semA)

    @pl.loop(0, (NCHUNK - 2) // 2)
    def _pair(i):
        ci = 1 + 2 * i
        _issue(ci, srowsB, drowsB, semB)
        _wait(srowsA, drowsA, semA)
        _compute(ci - 1, srowsA, drowsA)
        _issue(ci + 1, srowsA, drowsA, semA)
        _wait(srowsB, drowsB, semB)
        _compute(ci, srowsB, drowsB)

    _issue(NCHUNK - 1, srowsB, drowsB, semB)
    _wait(srowsA, drowsA, semA)
    _compute(NCHUNK - 2, srowsA, drowsA)
    toff = NCHUNK * C
    pltpu.async_copy(pn_hbm.at[sidx.at[pl.ds(toff, TAIL)]],
                     srowsA.at[pl.ds(0, TAIL), :], semA)
    pltpu.async_copy(cn_hbm.at[didx.at[pl.ds(toff, TAIL)]],
                     drowsA.at[pl.ds(0, TAIL), :], semA)
    _wait(srowsB, drowsB, semB)
    _compute(NCHUNK - 1, srowsB, drowsB)
    pltpu.make_async_copy(pn_hbm.at[pl.ds(0, TAIL)],
                          srowsA.at[pl.ds(0, TAIL), :], semA).wait()
    pltpu.make_async_copy(cn_hbm.at[pl.ds(0, TAIL)],
                          drowsA.at[pl.ds(0, TAIL), :], semA).wait()
    acc = _dot_group(srowsA, drowsA, lane)
    outv[pl.ds(toff, L)] = acc + bvec

    pltpu.sync_copy(outv, out_hbm.at[pl.ds(base, EPW)])


def _sc_call(pn, cn, ei, bias16):
    mesh = plsc.VectorSubcoreMesh(core_axis_name="c", subcore_axis_name="s",
                                  num_cores=NC, num_subcores=NS)
    f = pl.kernel(
        _sc_body,
        out_type=jax.ShapeDtypeStruct((E,), jnp.float32),
        mesh=mesh,
        compiler_params=pltpu.CompilerParams(needs_layout_passes=False),
        scratch_types=[
            pltpu.VMEM((EPW,), jnp.int32),
            pltpu.VMEM((EPW,), jnp.int32),
            pltpu.VMEM((C, D), jnp.float32),
            pltpu.VMEM((C, D), jnp.float32),
            pltpu.VMEM((C, D), jnp.float32),
            pltpu.VMEM((C, D), jnp.float32),
            pltpu.VMEM((EPW,), jnp.float32),
            pltpu.VMEM((L,), jnp.float32),
            pltpu.SemaphoreType.DMA,
            pltpu.SemaphoreType.DMA,
            pltpu.SemaphoreType.DMA,
        ],
    )
    return f(pn, cn, ei, bias16)


def kernel(patient_embeds, condition_embeds, edge_index, scale, bias):
    pn, cn = _normalize2(patient_embeds, condition_embeds, scale)
    ei = edge_index.astype(jnp.int32).reshape(2 * E)
    bias16 = jnp.broadcast_to(bias.astype(jnp.float32), (16,))
    return _sc_call(pn, cn, ei, bias16)

# --- scband reference (transcript-rebuilt; emitter-appended) ---
"""Pipeline reference for scband-cosine-link-predictor-19198503813745 (READ-ONLY COPY).

The authoritative reference and input builder live on the scoring server;
editing this copy changes nothing except your own understanding.
"""

import jax, jax.numpy as jnp
import numpy as np


def setup_inputs(seed: int = 0) -> dict:
    key = jax.random.key(seed)
    k1, k2, k3 = jax.random.split(key, 3)
    patient_embeds = jax.random.normal(k1, (10000, 128), dtype=jnp.float32)
    condition_embeds = jax.random.normal(k2, (10000, 128), dtype=jnp.float32)
    edge_index = jax.random.randint(k3, (2, 320000), 0, 10000, dtype=jnp.int64)
    # learned parameters per init_kwargs (init_scale=10.0, use_bias=True)
    scale = jnp.asarray(10.0, dtype=jnp.float32)
    bias = jnp.zeros((1,), dtype=jnp.float32)
    return {
        "patient_embeds": patient_embeds,
        "condition_embeds": condition_embeds,
        "edge_index": edge_index,
        "scale": scale,
        "bias": bias,
    }


def reference(patient_embeds, condition_embeds, edge_index, scale, bias):
    eps = 1e-8
    # gather endpoint embeddings (SparseCore-friendly gather)
    src = jnp.take(patient_embeds, edge_index[0], axis=0)   # [E, d]
    dst = jnp.take(condition_embeds, edge_index[1], axis=0) # [E, d]
    # cosine similarity along dim=1 (torch.nn.functional.cosine_similarity semantics)
    dot = jnp.sum(src * dst, axis=1)
    src_norm = jnp.sqrt(jnp.sum(src * src, axis=1))
    dst_norm = jnp.sqrt(jnp.sum(dst * dst, axis=1))
    denom = jnp.maximum(src_norm, eps) * jnp.maximum(dst_norm, eps)
    cos = dot / denom
    logits = cos * scale
    logits = logits + bias
    return logits

if __name__ == "__main__":
    import jax
    _d = setup_inputs()
    print(jax.jit(kernel)(*tuple(_d.values())))

</pallas_src>

<mosaic_0001>
#map = affine_map<(d0, d1) -> (0, 0)>
#map1 = affine_map<(d0, d1) -> (0)>
module attributes {stable_mosaic.version = 14 : i64} {
  func.func @_sc_body(%arg0: i32, %arg1: i32, %arg2: memref<10000x128xf32, #tpu.memory_space<hbm>>, %arg3: memref<10000x128xf32, #tpu.memory_space<hbm>>, %arg4: memref<640000xi32, #tpu.memory_space<hbm>>, %arg5: memref<16xf32, #tpu.memory_space<hbm>>, %arg6: memref<320000xf32, #tpu.memory_space<hbm>>, %arg7: memref<10000xi32, #tpu.memory_space<vmem>>, %arg8: memref<10000xi32, #tpu.memory_space<vmem>>, %arg9: memref<192x128xf32, #tpu.memory_space<vmem>>, %arg10: memref<192x128xf32, #tpu.memory_space<vmem>>, %arg11: memref<192x128xf32, #tpu.memory_space<vmem>>, %arg12: memref<192x128xf32, #tpu.memory_space<vmem>>, %arg13: memref<10000xf32, #tpu.memory_space<vmem>>, %arg14: memref<16xf32, #tpu.memory_space<vmem>>, %arg15: memref<!tpu.dma_semaphore, #tpu.memory_space<semaphore_mem>>, %arg16: memref<!tpu.dma_semaphore, #tpu.memory_space<semaphore_mem>>, %arg17: memref<!tpu.dma_semaphore, #tpu.memory_space<semaphore_mem>>) attributes {dimension_semantics = [#tpu.dimension_semantics<core_parallel>, #tpu.dimension_semantics<subcore_parallel>], iteration_bounds = array<i64: 2, 16>, scalar_prefetch = 0 : i64, scratch_operands = 11 : i64, tpu.core_type = #tpu.core_type<sc_vector_subcore>, window_params = [{transform_indices = #map}, {transform_indices = #map}, {transform_indices = #map1}, {transform_indices = #map1}, {transform_indices = #map1}]} {
    %mul3A = arith.constant 2 : i32
    %mul3A_0 = arith.muli %arg1, %mul3A : i32
    %add3A = arith.addi %mul3A_0, %arg0 : i32
    %mul3A_1 = arith.constant 10000 : i32
    %mul3A_2 = arith.muli %add3A, %mul3A_1 : i32
    "tpu.region"() ({
      %run_scoped3A = tpu.sem_alloc : memref<!tpu.dma_semaphore, #tpu.memory_space<semaphore_mem>>
      tpu.enqueue_dma source(%arg5 : memref<16xf32, #tpu.memory_space<hbm>>) target(%arg14 : memref<16xf32, #tpu.memory_space<vmem>>) target_semaphore(%run_scoped3A : memref<!tpu.dma_semaphore, #tpu.memory_space<semaphore_mem>>)
      tpu.wait_dma2 semaphore(%run_scoped3A : memref<!tpu.dma_semaphore, #tpu.memory_space<semaphore_mem>>) src(%arg5 : memref<16xf32, #tpu.memory_space<hbm>>) dst(%arg14 : memref<16xf32, #tpu.memory_space<vmem>>)
      tpu.yield
    }) : () -> ()
    %dma_start3A = tpu.memref_slice %arg4[%mul3A_2] : memref<640000xi32, #tpu.memory_space<hbm>> -> memref<10000xi32, #tpu.memory_space<hbm>>
    %dma_start3A_3 = tpu.memref_slice %arg4[%mul3A_2] : memref<640000xi32, #tpu.memory_space<hbm>> -> memref<10000xi32, #tpu.memory_space<hbm>>
    tpu.enqueue_dma source(%dma_start3A_3 : memref<10000xi32, #tpu.memory_space<hbm>>) target(%arg7 : memref<10000xi32, #tpu.memory_space<vmem>>) target_semaphore(%arg17 : memref<!tpu.dma_semaphore, #tpu.memory_space<semaphore_mem>>)
    %add3A_4 = arith.constant 320000 : i32
    %add3A_5 = arith.addi %add3A_4, %mul3A_2 : i32
    %dma_start3A_6 = tpu.memref_slice %arg4[%add3A_5] : memref<640000xi32, #tpu.memory_space<hbm>> -> memref<10000xi32, #tpu.memory_space<hbm>>
    %dma_start3A_7 = tpu.memref_slice %arg4[%add3A_5] : memref<640000xi32, #tpu.memory_space<hbm>> -> memref<10000xi32, #tpu.memory_space<hbm>>
    tpu.enqueue_dma source(%dma_start3A_7 : memref<10000xi32, #tpu.memory_space<hbm>>) target(%arg8 : memref<10000xi32, #tpu.memory_space<vmem>>) target_semaphore(%arg17 : memref<!tpu.dma_semaphore, #tpu.memory_space<semaphore_mem>>)
    %dma_wait3A = tpu.memref_slice %arg4[%mul3A_2] : memref<640000xi32, #tpu.memory_space<hbm>> -> memref<10000xi32, #tpu.memory_space<hbm>>
    %dma_wait3A_8 = tpu.memref_slice %arg4[%mul3A_2] : memref<640000xi32, #tpu.memory_space<hbm>> -> memref<10000xi32, #tpu.memory_space<hbm>>
    tpu.wait_dma2 semaphore(%arg17 : memref<!tpu.dma_semaphore, #tpu.memory_space<semaphore_mem>>) src(%dma_wait3A_8 : memref<10000xi32, #tpu.memory_space<hbm>>) dst(%arg7 : memref<10000xi32, #tpu.memory_space<vmem>>)
    %dma_wait3A_9 = tpu.memref_slice %arg4[%add3A_5] : memref<640000xi32, #tpu.memory_space<hbm>> -> memref<10000xi32, #tpu.memory_space<hbm>>
    %dma_wait3A_10 = tpu.memref_slice %arg4[%add3A_5] : memref<640000xi32, #tpu.memory_space<hbm>> -> memref<10000xi32, #tpu.memory_space<hbm>>
    tpu.wait_dma2 semaphore(%arg17 : memref<!tpu.dma_semaphore, #tpu.memory_space<semaphore_mem>>) src(%dma_wait3A_10 : memref<10000xi32, #tpu.memory_space<hbm>>) dst(%arg8 : memref<10000xi32, #tpu.memory_space<vmem>>)
    %get3A = arith.constant 0 : index
    %get3A_11 = tpu.vector_load %arg14[%get3A] {strides = array<i32>} : memref<16xf32, #tpu.memory_space<vmem>>, vector<16xf32>,
    %iota3A = tpu.iota {dimensions = array<i32: 0>} : vector<16xi32>
    %dma_start3A_12 = arith.constant 0 : i32
    %dma_start3A_13 = tpu.memref_slice %arg7[%dma_start3A_12] : memref<10000xi32, #tpu.memory_space<vmem>> -> memref<192xi32, #tpu.memory_space<vmem>>
    %dma_start3A_14 = arith.constant 0 : i32
    %dma_start3A_15 = arith.constant 0 : i32
    %dma_start3A_16 = tpu.memref_slice %arg2[%dma_start3A_14, %dma_start3A_15] : memref<10000x128xf32, #tpu.memory_space<hbm>> -> memref<10000x128xf32, #tpu.memory_space<hbm>>
    tpu.enqueue_indirect_dma source(%dma_start3A_16 : memref<10000x128xf32, #tpu.memory_space<hbm>>) target(%arg9 : memref<192x128xf32, #tpu.memory_space<vmem>>) offsets(%dma_start3A_13 : memref<192xi32, #tpu.memory_space<vmem>>) semaphore(%arg15 : memref<!tpu.dma_semaphore, #tpu.memory_space<semaphore_mem>>)
    %dma_start3A_17 = arith.constant 0 : i32
    %dma_start3A_18 = tpu.memref_slice %arg8[%dma_start3A_17] : memref<10000xi32, #tpu.memory_space<vmem>> -> memref<192xi32, #tpu.memory_space<vmem>>
    %dma_start3A_19 = arith.constant 0 : i32
    %dma_start3A_20 = arith.constant 0 : i32
    %dma_start3A_21 = tpu.memref_slice %arg3[%dma_start3A_19, %dma_start3A_20] : memref<10000x128xf32, #tpu.memory_space<hbm>> -> memref<10000x128xf32, #tpu.memory_space<hbm>>
    tpu.enqueue_indirect_dma source(%dma_start3A_21 : memref<10000x128xf32, #tpu.memory_space<hbm>>) target(%arg10 : memref<192x128xf32, #tpu.memory_space<vmem>>) offsets(%dma_start3A_18 : memref<192xi32, #tpu.memory_space<vmem>>) semaphore(%arg15 : memref<!tpu.dma_semaphore, #tpu.memory_space<semaphore_mem>>)
    %scan3A = arith.constant 0 : i32
    %scan3A_22 = arith.constant 25 : i32
    %scan3A_23 = arith.addi %scan3A, %scan3A_22 : i32
    %scan3A_24 = arith.constant 1 : i32
    scf.for %scan3A_119 = %scan3A to %scan3A_23 step %scan3A_24  : i32 {
      %mul3A_120 = arith.constant 1 : i32
      %mul3A_121 = arith.muli %scan3A_119, %mul3A_120 : i32
      %add3A_122 = arith.constant 0 : i32
      %add3A_123 = arith.addi %add3A_122, %mul3A_121 : i32
      %mul3A_124 = arith.constant 2 : i32
      %mul3A_125 = arith.muli %mul3A_124, %add3A_123 : i32
      %add3A_126 = arith.constant 1 : i32
      %add3A_127 = arith.addi %add3A_126, %mul3A_125 : i32
      %mul3A_128 = arith.constant 192 : i32
      %mul3A_129 = arith.muli %add3A_127, %mul3A_128 : i32
      %dma_start3A_130 = tpu.memref_slice %arg7[%mul3A_129] : memref<10000xi32, #tpu.memory_space<vmem>> -> memref<192xi32, #tpu.memory_space<vmem>>
      %dma_start3A_131 = arith.constant 0 : i32
      %dma_start3A_132 = arith.constant 0 : i32
      %dma_start3A_133 = tpu.memref_slice %arg2[%dma_start3A_131, %dma_start3A_132] : memref<10000x128xf32, #tpu.memory_space<hbm>> -> memref<10000x128xf32, #tpu.memory_space<hbm>>
      tpu.enqueue_indirect_dma source(%dma_start3A_133 : memref<10000x128xf32, #tpu.memory_space<hbm>>) target(%arg11 : memref<192x128xf32, #tpu.memory_space<vmem>>) offsets(%dma_start3A_130 : memref<192xi32, #tpu.memory_space<vmem>>) semaphore(%arg16 : memref<!tpu.dma_semaphore, #tpu.memory_space<semaphore_mem>>)
      %dma_start3A_134 = tpu.memref_slice %arg8[%mul3A_129] : memref<10000xi32, #tpu.memory_space<vmem>> -> memref<192xi32, #tpu.memory_space<vmem>>
      %dma_start3A_135 = arith.constant 0 : i32
      %dma_start3A_136 = arith.constant 0 : i32
      %dma_start3A_137 = tpu.memref_slice %arg3[%dma_start3A_135, %dma_start3A_136] : memref<10000x128xf32, #tpu.memory_space<hbm>> -> memref<10000x128xf32, #tpu.memory_space<hbm>>
      tpu.enqueue_indirect_dma source(%dma_start3A_137 : memref<10000x128xf32, #tpu.memory_space<hbm>>) target(%arg12 : memref<192x128xf32, #tpu.memory_space<vmem>>) offsets(%dma_start3A_134 : memref<192xi32, #tpu.memory_space<vmem>>) semaphore(%arg16 : memref<!tpu.dma_semaphore, #tpu.memory_space<semaphore_mem>>)
      %dma_wait3A_138 = arith.constant 0 : i32
      %dma_wait3A_139 = arith.constant 0 : i32
      %dma_wait3A_140 = tpu.memref_slice %arg2[%dma_wait3A_138, %dma_wait3A_139] : memref<10000x128xf32, #tpu.memory_space<hbm>> -> memref<192x128xf32, #tpu.memory_space<hbm>>
      %dma_wait3A_141 = arith.constant 0 : i32
      %dma_wait3A_142 = arith.constant 0 : i32
      %dma_wait3A_143 = tpu.memref_slice %arg2[%dma_wait3A_141, %dma_wait3A_142] : memref<10000x128xf32, #tpu.memory_space<hbm>> -> memref<192x128xf32, #tpu.memory_space<hbm>>
      tpu.wait_dma2 semaphore(%arg15 : memref<!tpu.dma_semaphore, #tpu.memory_space<semaphore_mem>>) src(%dma_wait3A_143 : memref<192x128xf32, #tpu.memory_space<hbm>>) dst(%arg9 : memref<192x128xf32, #tpu.memory_space<vmem>>)
      %dma_wait3A_144 = arith.constant 0 : i32
      %dma_wait3A_145 = arith.constant 0 : i32
      %dma_wait3A_146 = tpu.memref_slice %arg3[%dma_wait3A_144, %dma_wait3A_145] : memref<10000x128xf32, #tpu.memory_space<hbm>> -> memref<192x128xf32, #tpu.memory_space<hbm>>
      %dma_wait3A_147 = arith.constant 0 : i32
      %dma_wait3A_148 = arith.constant 0 : i32
      %dma_wait3A_149 = tpu.memref_slice %arg3[%dma_wait3A_147, %dma_wait3A_148] : memref<10000x128xf32, #tpu.memory_space<hbm>> -> memref<192x128xf32, #tpu.memory_space<hbm>>
      tpu.wait_dma2 semaphore(%arg15 : memref<!tpu.dma_semaphore, #tpu.memory_space<semaphore_mem>>) src(%dma_wait3A_149 : memref<192x128xf32, #tpu.memory_space<hbm>>) dst(%arg10 : memref<192x128xf32, #tpu.memory_space<vmem>>)
      %sub3A = arith.constant 1 : i32
      %sub3A_150 = arith.subi %add3A_127, %sub3A : i32
      %scan3A_151 = arith.constant 0 : i32
      %scan3A_152 = arith.constant 12 : i32
      %scan3A_153 = arith.addi %scan3A_151, %scan3A_152 : i32
      %scan3A_154 = arith.constant 1 : i32
      scf.for %scan3A_185 = %scan3A_151 to %scan3A_153 step %scan3A_154  : i32 {
        %mul3A_186 = arith.constant 1 : i32
        %mul3A_187 = arith.muli %scan3A_185, %mul3A_186 : i32
        %add3A_188 = arith.constant 0 : i32
        %add3A_189 = arith.addi %add3A_188, %mul3A_187 : i32
        %mul3A_190 = arith.constant 16 : i32
        %mul3A_191 = arith.muli %add3A_189, %mul3A_190 : i32
        %add3A_192 = vector.broadcast %mul3A_191 : i32 to vector<16xi32>
        %add3A_193 = arith.addi %add3A_192, %iota3A : vector<16xi32>
        %broadcast_in_dim3A_194 = arith.constant 0.000000e+00 : f32
        %broadcast_in_dim3A_195 = vector.broadcast %broadcast_in_dim3A_194 : f32 to vector<16xf32>
        %scan3A_196 = arith.constant 0 : i32
        %scan3A_197 = arith.constant 128 : i32
        %scan3A_198 = arith.addi %scan3A_196, %scan3A_197 : i32
        %scan3A_199 = arith.constant 16 : i32
        %scan3A_200 = scf.for %scan3A_210 = %scan3A_196 to %scan3A_198 step %scan3A_199 iter_args(%scan3A_211 = %broadcast_in_dim3A_195) -> (vector<16xf32>)  : i32 {
          %add3A_212 = vector.broadcast %scan3A_210 : i32 to vector<16xi32>
          %add3A_213 = arith.addi %iota3A, %add3A_212 : vector<16xi32>
          %and3A = arith.constant 127 : i32
          %and3A_214 = vector.broadcast %and3A : i32 to vector<16xi32>
          %and3A_215 = arith.andi %add3A_213, %and3A_214 : vector<16xi32>
          %gather3A = tpu.vector_load_idx %arg9[%add3A_193, %and3A_215] : memref<192x128xf32, #tpu.memory_space<vmem>>[vector<16xi32>, vector<16xi32>], vector<16xf32>,
          %gather3A_216 = tpu.vector_load_idx %arg10[%add3A_193, %and3A_215] : memref<192x128xf32, #tpu.memory_space<vmem>>[vector<16xi32>, vector<16xi32>], vector<16xf32>,
          %mul3A_217 = arith.mulf %gather3A, %gather3A_216 : vector<16xf32>
          %add3A_218 = arith.addf %scan3A_211, %mul3A_217 : vector<16xf32>
          %scan3A_219 = arith.constant 1 : i32
          %scan3A_220 = arith.addi %scan3A_210, %scan3A_219 : i32
          %add3A_221 = vector.broadcast %scan3A_220 : i32 to vector<16xi32>
          %add3A_222 = arith.addi %iota3A, %add3A_221 : vector<16xi32>
          %and3A_223 = arith.constant 127 : i32
          %and3A_224 = vector.broadcast %and3A_223 : i32 to vector<16xi32>
          %and3A_225 = arith.andi %add3A_222, %and3A_224 : vector<16xi32>
          %gather3A_226 = tpu.vector_load_idx %arg9[%add3A_193, %and3A_225] : memref<192x128xf32, #tpu.memory_space<vmem>>[vector<16xi32>, vector<16xi32>], vector<16xf32>,
          %gather3A_227 = tpu.vector_load_idx %arg10[%add3A_193, %and3A_225] : memref<192x128xf32, #tpu.memory_space<vmem>>[vector<16xi32>, vector<16xi32>], vector<16xf32>,
          %mul3A_228 = arith.mulf %gather3A_226, %gather3A_227 : vector<16xf32>
          %add3A_229 = arith.addf %add3A_218, %mul3A_228 : vector<16xf32>
          %scan3A_230 = arith.constant 2 : i32
          %scan3A_231 = arith.addi %scan3A_210, %scan3A_230 : i32
          %add3A_232 = vector.broadcast %scan3A_231 : i32 to vector<16xi32>
          %add3A_233 = arith.addi %iota3A, %add3A_232 : vector<16xi32>
          %and3A_234 = arith.constant 127 : i32
          %and3A_235 = vector.broadcast %and3A_234 : i32 to vector<16xi32>
          %and3A_236 = arith.andi %add3A_233, %and3A_235 : vector<16xi32>
          %gather3A_237 = tpu.vector_load_idx %arg9[%add3A_193, %and3A_236] : memref<192x128xf32, #tpu.memory_space<vmem>>[vector<16xi32>, vector<16xi32>], vector<16xf32>,
          %gather3A_238 = tpu.vector_load_idx %arg10[%add3A_193, %and3A_236] : memref<192x128xf32, #tpu.memory_space<vmem>>[vector<16xi32>, vector<16xi32>], vector<16xf32>,
          %mul3A_239 = arith.mulf %gather3A_237, %gather3A_238 : vector<16xf32>
          %add3A_240 = arith.addf %add3A_229, %mul3A_239 : vector<16xf32>
          %scan3A_241 = arith.constant 3 : i32
          %scan3A_242 = arith.addi %scan3A_210, %scan3A_241 : i32
          %add3A_243 = vector.broadcast %scan3A_242 : i32 to vector<16xi32>
          %add3A_244 = arith.addi %iota3A, %add3A_243 : vector<16xi32>
          %and3A_245 = arith.constant 127 : i32
          %and3A_246 = vector.broadcast %and3A_245 : i32 to vector<16xi32>
          %and3A_247 = arith.andi %add3A_244, %and3A_246 : vector<16xi32>
          %gather3A_248 = tpu.vector_load_idx %arg9[%add3A_193, %and3A_247] : memref<192x128xf32, #tpu.memory_space<vmem>>[vector<16xi32>, vector<16xi32>], vector<16xf32>,
          %gather3A_249 = tpu.vector_load_idx %arg10[%add3A_193, %and3A_247] : memref<192x128xf32, #tpu.memory_space<vmem>>[vector<16xi32>, vector<16xi32>], vector<16xf32>,
          %mul3A_250 = arith.mulf %gather3A_248, %gather3A_249 : vector<16xf32>
          %add3A_251 = arith.addf %add3A_240, %mul3A_250 : vector<16xf32>
          %scan3A_252 = arith.constant 4 : i32
          %scan3A_253 = arith.addi %scan3A_210, %scan3A_252 : i32
          %add3A_254 = vector.broadcast %scan3A_253 : i32 to vector<16xi32>
          %add3A_255 = arith.addi %iota3A, %add3A_254 : vector<16xi32>
          %and3A_256 = arith.constant 127 : i32
          %and3A_257 = vector.broadcast %and3A_256 : i32 to vector<16xi32>
          %and3A_258 = arith.andi %add3A_255, %and3A_257 : vector<16xi32>
          %gather3A_259 = tpu.vector_load_idx %arg9[%add3A_193, %and3A_258] : memref<192x128xf32, #tpu.memory_space<vmem>>[vector<16xi32>, vector<16xi32>], vector<16xf32>,
          %gather3A_260 = tpu.vector_load_idx %arg10[%add3A_193, %and3A_258] : memref<192x128xf32, #tpu.memory_space<vmem>>[vector<16xi32>, vector<16xi32>], vector<16xf32>,
          %mul3A_261 = arith.mulf %gather3A_259, %gather3A_260 : vector<16xf32>
          %add3A_262 = arith.addf %add3A_251, %mul3A_261 : vector<16xf32>
          %scan3A_263 = arith.constant 5 : i32
          %scan3A_264 = arith.addi %scan3A_210, %scan3A_263 : i32
          %add3A_265 = vector.broadcast %scan3A_264 : i32 to vector<16xi32>
          %add3A_266 = arith.addi %iota3A, %add3A_265 : vector<16xi32>
          %and3A_267 = arith.constant 127 : i32
          %and3A_268 = vector.broadcast %and3A_267 : i32 to vector<16xi32>
          %and3A_269 = arith.andi %add3A_266, %and3A_268 : vector<16xi32>
          %gather3A_270 = tpu.vector_load_idx %arg9[%add3A_193, %and3A_269] : memref<192x128xf32, #tpu.memory_space<vmem>>[vector<16xi32>, vector<16xi32>], vector<16xf32>,
          %gather3A_271 = tpu.vector_load_idx %arg10[%add3A_193, %and3A_269] : memref<192x128xf32, #tpu.memory_space<vmem>>[vector<16xi32>, vector<16xi32>], vector<16xf32>,
          %mul3A_272 = arith.mulf %gather3A_270, %gather3A_271 : vector<16xf32>
          %add3A_273 = arith.addf %add3A_262, %mul3A_272 : vector<16xf32>
          %scan3A_274 = arith.constant 6 : i32
          %scan3A_275 = arith.addi %scan3A_210, %scan3A_274 : i32
          %add3A_276 = vector.broadcast %scan3A_275 : i32 to vector<16xi32>
          %add3A_277 = arith.addi %iota3A, %add3A_276 : vector<16xi32>
          %and3A_278 = arith.constant 127 : i32
          %and3A_279 = vector.broadcast %and3A_278 : i32 to vector<16xi32>
          %and3A_280 = arith.andi %add3A_277, %and3A_279 : vector<16xi32>
          %gather3A_281 = tpu.vector_load_idx %arg9[%add3A_193, %and3A_280] : memref<192x128xf32, #tpu.memory_space<vmem>>[vector<16xi32>, vector<16xi32>], vector<16xf32>,
          %gather3A_282 = tpu.vector_load_idx %arg10[%add3A_193, %and3A_280] : memref<192x128xf32, #tpu.memory_space<vmem>>[vector<16xi32>, vector<16xi32>], vector<16xf32>,
          %mul3A_283 = arith.mulf %gather3A_281, %gather3A_282 : vector<16xf32>
          %add3A_284 = arith.addf %add3A_273, %mul3A_283 : vector<16xf32>
          %scan3A_285 = arith.constant 7 : i32
          %scan3A_286 = arith.addi %scan3A_210, %scan3A_285 : i32
          %add3A_287 = vector.broadcast %scan3A_286 : i32 to vector<16xi32>
          %add3A_288 = arith.addi %iota3A, %add3A_287 : vector<16xi32>
          %and3A_289 = arith.constant 127 : i32
          %and3A_290 = vector.broadcast %and3A_289 : i32 to vector<16xi32>
          %and3A_291 = arith.andi %add3A_288, %and3A_290 : vector<16xi32>
          %gather3A_292 = tpu.vector_load_idx %arg9[%add3A_193, %and3A_291] : memref<192x128xf32, #tpu.memory_space<vmem>>[vector<16xi32>, vector<16xi32>], vector<16xf32>,
          %gather3A_293 = tpu.vector_load_idx %arg10[%add3A_193, %and3A_291] : memref<192x128xf32, #tpu.memory_space<vmem>>[vector<16xi32>, vector<16xi32>], vector<16xf32>,
          %mul3A_294 = arith.mulf %gather3A_292, %gather3A_293 : vector<16xf32>
          %add3A_295 = arith.addf %add3A_284, %mul3A_294 : vector<16xf32>
          %scan3A_296 = arith.constant 8 : i32
          %scan3A_297 = arith.addi %scan3A_210, %scan3A_296 : i32
          %add3A_298 = vector.broadcast %scan3A_297 : i32 to vector<16xi32>
          %add3A_299 = arith.addi %iota3A, %add3A_298 : vector<16xi32>
          %and3A_300 = arith.constant 127 : i32
          %and3A_301 = vector.broadcast %and3A_300 : i32 to vector<16xi32>
          %and3A_302 = arith.andi %add3A_299, %and3A_301 : vector<16xi32>
          %gather3A_303 = tpu.vector_load_idx %arg9[%add3A_193, %and3A_302] : memref<192x128xf32, #tpu.memory_space<vmem>>[vector<16xi32>, vector<16xi32>], vector<16xf32>,
          %gather3A_304 = tpu.vector_load_idx %arg10[%add3A_193, %and3A_302] : memref<192x128xf32, #tpu.memory_space<vmem>>[vector<16xi32>, vector<16xi32>], vector<16xf32>,
          %mul3A_305 = arith.mulf %gather3A_303, %gather3A_304 : vector<16xf32>
          %add3A_306 = arith.addf %add3A_295, %mul3A_305 : vector<16xf32>
          %scan3A_307 = arith.constant 9 : i32
          %scan3A_308 = arith.addi %scan3A_210, %scan3A_307 : i32
          %add3A_309 = vector.broadcast %scan3A_308 : i32 to vector<16xi32>
          %add3A_310 = arith.addi %iota3A, %add3A_309 : vector<16xi32>
          %and3A_311 = arith.constant 127 : i32
          %and3A_312 = vector.broadcast %and3A_311 : i32 to vector<16xi32>
          %and3A_313 = arith.andi %add3A_310, %and3A_312 : vector<16xi32>
          %gather3A_314 = tpu.vector_load_idx %arg9[%add3A_193, %and3A_313] : memref<192x128xf32, #tpu.memory_space<vmem>>[vector<16xi32>, vector<16xi32>], vector<16xf32>,
          %gather3A_315 = tpu.vector_load_idx %arg10[%add3A_193, %and3A_313] : memref<192x128xf32, #tpu.memory_space<vmem>>[vector<16xi32>, vector<16xi32>], vector<16xf32>,
          %mul3A_316 = arith.mulf %gather3A_314, %gather3A_315 : vector<16xf32>
          %add3A_317 = arith.addf %add3A_306, %mul3A_316 : vector<16xf32>
          %scan3A_318 = arith.constant 10 : i32
          %scan3A_319 = arith.addi %scan3A_210, %scan3A_318 : i32
          %add3A_320 = vector.broadcast %scan3A_319 : i32 to vector<16xi32>
          %add3A_321 = arith.addi %iota3A, %add3A_320 : vector<16xi32>
          %and3A_322 = arith.constant 127 : i32
          %and3A_323 = vector.broadcast %and3A_322 : i32 to vector<16xi32>
          %and3A_324 = arith.andi %add3A_321, %and3A_323 : vector<16xi32>
          %gather3A_325 = tpu.vector_load_idx %arg9[%add3A_193, %and3A_324] : memref<192x128xf32, #tpu.memory_space<vmem>>[vector<16xi32>, vector<16xi32>], vector<16xf32>,
          %gather3A_326 = tpu.vector_load_idx %arg10[%add3A_193, %and3A_324] : memref<192x128xf32, #tpu.memory_space<vmem>>[vector<16xi32>, vector<16xi32>], vector<16xf32>,
          %mul3A_327 = arith.mulf %gather3A_325, %gather3A_326 : vector<16xf32>
          %add3A_328 = arith.addf %add3A_317, %mul3A_327 : vector<16xf32>
          %scan3A_329 = arith.constant 11 : i32
          %scan3A_330 = arith.addi %scan3A_210, %scan3A_329 : i32
          %add3A_331 = vector.broadcast %scan3A_330 : i32 to vector<16xi32>
          %add3A_332 = arith.addi %iota3A, %add3A_331 : vector<16xi32>
          %and3A_333 = arith.constant 127 : i32
          %and3A_334 = vector.broadcast %and3A_333 : i32 to vector<16xi32>
          %and3A_335 = arith.andi %add3A_332, %and3A_334 : vector<16xi32>
          %gather3A_336 = tpu.vector_load_idx %arg9[%add3A_193, %and3A_335] : memref<192x128xf32, #tpu.memory_space<vmem>>[vector<16xi32>, vector<16xi32>], vector<16xf32>,
          %gather3A_337 = tpu.vector_load_idx %arg10[%add3A_193, %and3A_335] : memref<192x128xf32, #tpu.memory_space<vmem>>[vector<16xi32>, vector<16xi32>], vector<16xf32>,
          %mul3A_338 = arith.mulf %gather3A_336, %gather3A_337 : vector<16xf32>
          %add3A_339 = arith.addf %add3A_328, %mul3A_338 : vector<16xf32>
          %scan3A_340 = arith.constant 12 : i32
          %scan3A_341 = arith.addi %scan3A_210, %scan3A_340 : i32
          %add3A_342 = vector.broadcast %scan3A_341 : i32 to vector<16xi32>
          %add3A_343 = arith.addi %iota3A, %add3A_342 : vector<16xi32>
          %and3A_344 = arith.constant 127 : i32
          %and3A_345 = vector.broadcast %and3A_344 : i32 to vector<16xi32>
          %and3A_346 = arith.andi %add3A_343, %and3A_345 : vector<16xi32>
          %gather3A_347 = tpu.vector_load_idx %arg9[%add3A_193, %and3A_346] : memref<192x128xf32, #tpu.memory_space<vmem>>[vector<16xi32>, vector<16xi32>], vector<16xf32>,
          %gather3A_348 = tpu.vector_load_idx %arg10[%add3A_193, %and3A_346] : memref<192x128xf32, #tpu.memory_space<vmem>>[vector<16xi32>, vector<16xi32>], vector<16xf32>,
          %mul3A_349 = arith.mulf %gather3A_347, %gather3A_348 : vector<16xf32>
          %add3A_350 = arith.addf %add3A_339, %mul3A_349 : vector<16xf32>
          %scan3A_351 = arith.constant 13 : i32
          %scan3A_352 = arith.addi %scan3A_210, %scan3A_351 : i32
          %add3A_353 = vector.broadcast %scan3A_352 : i32 to vector<16xi32>
          %add3A_354 = arith.addi %iota3A, %add3A_353 : vector<16xi32>
          %and3A_355 = arith.constant 127 : i32
          %and3A_356 = vector.broadcast %and3A_355 : i32 to vector<16xi32>
          %and3A_357 = arith.andi %add3A_354, %and3A_356 : vector<16xi32>
          %gather3A_358 = tpu.vector_load_idx %arg9[%add3A_193, %and3A_357] : memref<192x128xf32, #tpu.memory_space<vmem>>[vector<16xi32>, vector<16xi32>], vector<16xf32>,
          %gather3A_359 = tpu.vector_load_idx %arg10[%add3A_193, %and3A_357] : memref<192x128xf32, #tpu.memory_space<vmem>>[vector<16xi32>, vector<16xi32>], vector<16xf32>,
          %mul3A_360 = arith.mulf %gather3A_358, %gather3A_359 : vector<16xf32>
          %add3A_361 = arith.addf %add3A_350, %mul3A_360 : vector<16xf32>
          %scan3A_362 = arith.constant 14 : i32
          %scan3A_363 = arith.addi %scan3A_210, %scan3A_362 : i32
          %add3A_364 = vector.broadcast %scan3A_363 : i32 to vector<16xi32>
          %add3A_365 = arith.addi %iota3A, %add3A_364 : vector<16xi32>
          %and3A_366 = arith.constant 127 : i32
          %and3A_367 = vector.broadcast %and3A_366 : i32 to vector<16xi32>
          %and3A_368 = arith.andi %add3A_365, %and3A_367 : vector<16xi32>
          %gather3A_369 = tpu.vector_load_idx %arg9[%add3A_193, %and3A_368] : memref<192x128xf32, #tpu.memory_space<vmem>>[vector<16xi32>, vector<16xi32>], vector<16xf32>,
          %gather3A_370 = tpu.vector_load_idx %arg10[%add3A_193, %and3A_368] : memref<192x128xf32, #tpu.memory_space<vmem>>[vector<16xi32>, vector<16xi32>], vector<16xf32>,
          %mul3A_371 = arith.mulf %gather3A_369, %gather3A_370 : vector<16xf32>
          %add3A_372 = arith.addf %add3A_361, %mul3A_371 : vector<16xf32>
          %scan3A_373 = arith.constant 15 : i32
          %scan3A_374 = arith.addi %scan3A_210, %scan3A_373 : i32
          %add3A_375 = vector.broadcast %scan3A_374 : i32 to vector<16xi32>
          %add3A_376 = arith.addi %iota3A, %add3A_375 : vector<16xi32>
          %and3A_377 = arith.constant 127 : i32
          %and3A_378 = vector.broadcast %and3A_377 : i32 to vector<16xi32>
          %and3A_379 = arith.andi %add3A_376, %and3A_378 : vector<16xi32>
          %gather3A_380 = tpu.vector_load_idx %arg9[%add3A_193, %and3A_379] : memref<192x128xf32, #tpu.memory_space<vmem>>[vector<16xi32>, vector<16xi32>], vector<16xf32>,
          %gather3A_381 = tpu.vector_load_idx %arg10[%add3A_193, %and3A_379] : memref<192x128xf32, #tpu.memory_space<vmem>>[vector<16xi32>, vector<16xi32>], vector<16xf32>,
          %mul3A_382 = arith.mulf %gather3A_380, %gather3A_381 : vector<16xf32>
          %add3A_383 = arith.addf %add3A_372, %mul3A_382 : vector<16xf32>
          scf.yield %add3A_383 : vector<16xf32>
        }
        %scan3A_201 = arith.constant 128 : i32
        %add3A_202 = arith.addf %scan3A_200, %get3A_11 : vector<16xf32>
        %mul3A_203 = arith.constant 192 : i32
        %mul3A_204 = arith.muli %sub3A_150, %mul3A_203 : i32
        %mul3A_205 = arith.constant 16 : i32
        %mul3A_206 = arith.muli %add3A_189, %mul3A_205 : i32
        %add3A_207 = arith.addi %mul3A_204, %mul3A_206 : i32
        %swap3A_208 = arith.index_cast %add3A_207 : i32 to index
        %swap3A_209 = tpu.vector_load %arg13[%swap3A_208] {strides = array<i32>} : memref<10000xf32, #tpu.memory_space<vmem>>, vector<16xf32>,
        tpu.vector_store %arg13[%swap3A_208], %add3A_202 {strides = array<i32>} : memref<10000xf32, #tpu.memory_space<vmem>>, vector<16xf32>,
      }
      %scan3A_155 = arith.constant 12 : i32
      %add3A_156 = arith.constant 1 : i32
      %add3A_157 = arith.addi %add3A_127, %add3A_156 : i32
      %mul3A_158 = arith.constant 192 : i32
      %mul3A_159 = arith.muli %add3A_157, %mul3A_158 : i32
      %dma_start3A_160 = tpu.memref_slice %arg7[%mul3A_159] : memref<10000xi32, #tpu.memory_space<vmem>> -> memref<192xi32, #tpu.memory_space<vmem>>
      %dma_start3A_161 = arith.constant 0 : i32
      %dma_start3A_162 = arith.constant 0 : i32
      %dma_start3A_163 = tpu.memref_slice %arg2[%dma_start3A_161, %dma_start3A_162] : memref<10000x128xf32, #tpu.memory_space<hbm>> -> memref<10000x128xf32, #tpu.memory_space<hbm>>
      tpu.enqueue_indirect_dma source(%dma_start3A_163 : memref<10000x128xf32, #tpu.memory_space<hbm>>) target(%arg9 : memref<192x128xf32, #tpu.memory_space<vmem>>) offsets(%dma_start3A_160 : memref<192xi32, #tpu.memory_space<vmem>>) semaphore(%arg15 : memref<!tpu.dma_semaphore, #tpu.memory_space<semaphore_mem>>)
      %dma_start3A_164 = tpu.memref_slice %arg8[%mul3A_159] : memref<10000xi32, #tpu.memory_space<vmem>> -> memref<192xi32, #tpu.memory_space<vmem>>
      %dma_start3A_165 = arith.constant 0 : i32
      %dma_start3A_166 = arith.constant 0 : i32
      %dma_start3A_167 = tpu.memref_slice %arg3[%dma_start3A_165, %dma_start3A_166] : memref<10000x128xf32, #tpu.memory_space<hbm>> -> memref<10000x128xf32, #tpu.memory_space<hbm>>
      tpu.enqueue_indirect_dma source(%dma_start3A_167 : memref<10000x128xf32, #tpu.memory_space<hbm>>) target(%arg10 : memref<192x128xf32, #tpu.memory_space<vmem>>) offsets(%dma_start3A_164 : memref<192xi32, #tpu.memory_space<vmem>>) semaphore(%arg15 : memref<!tpu.dma_semaphore, #tpu.memory_space<semaphore_mem>>)
      %dma_wait3A_168 = arith.constant 0 : i32
      %dma_wait3A_169 = arith.constant 0 : i32
      %dma_wait3A_170 = tpu.memref_slice %arg2[%dma_wait3A_168, %dma_wait3A_169] : memref<10000x128xf32, #tpu.memory_space<hbm>> -> memref<192x128xf32, #tpu.memory_space<hbm>>
      %dma_wait3A_171 = arith.constant 0 : i32
      %dma_wait3A_172 = arith.constant 0 : i32
      %dma_wait3A_173 = tpu.memref_slice %arg2[%dma_wait3A_171, %dma_wait3A_172] : memref<10000x128xf32, #tpu.memory_space<hbm>> -> memref<192x128xf32, #tpu.memory_space<hbm>>
      tpu.wait_dma2 semaphore(%arg16 : memref<!tpu.dma_semaphore, #tpu.memory_space<semaphore_mem>>) src(%dma_wait3A_173 : memref<192x128xf32, #tpu.memory_space<hbm>>) dst(%arg11 : memref<192x128xf32, #tpu.memory_space<vmem>>)
      %dma_wait3A_174 = arith.constant 0 : i32
      %dma_wait3A_175 = arith.constant 0 : i32
      %dma_wait3A_176 = tpu.memref_slice %arg3[%dma_wait3A_174, %dma_wait3A_175] : memref<10000x128xf32, #tpu.memory_space<hbm>> -> memref<192x128xf32, #tpu.memory_space<hbm>>
      %dma_wait3A_177 = arith.constant 0 : i32
      %dma_wait3A_178 = arith.constant 0 : i32
      %dma_wait3A_179 = tpu.memref_slice %arg3[%dma_wait3A_177, %dma_wait3A_178] : memref<10000x128xf32, #tpu.memory_space<hbm>> -> memref<192x128xf32, #tpu.memory_space<hbm>>
      tpu.wait_dma2 semaphore(%arg16 : memref<!tpu.dma_semaphore, #tpu.memory_space<semaphore_mem>>) src(%dma_wait3A_179 : memref<192x128xf32, #tpu.memory_space<hbm>>) dst(%arg12 : memref<192x128xf32, #tpu.memory_space<vmem>>)
      %scan3A_180 = arith.constant 0 : i32
      %scan3A_181 = arith.constant 12 : i32
      %scan3A_182 = arith.addi %scan3A_180, %scan3A_181 : i32
      %scan3A_183 = arith.constant 1 : i32
      scf.for %scan3A_185 = %scan3A_180 to %scan3A_182 step %scan3A_183  : i32 {
        %mul3A_186 = arith.constant 1 : i32
        %mul3A_187 = arith.muli %scan3A_185, %mul3A_186 : i32
        %add3A_188 = arith.constant 0 : i32
        %add3A_189 = arith.addi %add3A_188, %mul3A_187 : i32
        %mul3A_190 = arith.constant 16 : i32
        %mul3A_191 = arith.muli %add3A_189, %mul3A_190 : i32
        %add3A_192 = vector.broadcast %mul3A_191 : i32 to vector<16xi32>
        %add3A_193 = arith.addi %add3A_192, %iota3A : vector<16xi32>
        %broadcast_in_dim3A_194 = arith.constant 0.000000e+00 : f32
        %broadcast_in_dim3A_195 = vector.broadcast %broadcast_in_dim3A_194 : f32 to vector<16xf32>
        %scan3A_196 = arith.constant 0 : i32
        %scan3A_197 = arith.constant 128 : i32
        %scan3A_198 = arith.addi %scan3A_196, %scan3A_197 : i32
        %scan3A_199 = arith.constant 16 : i32
        %scan3A_200 = scf.for %scan3A_210 = %scan3A_196 to %scan3A_198 step %scan3A_199 iter_args(%scan3A_211 = %broadcast_in_dim3A_195) -> (vector<16xf32>)  : i32 {
          %add3A_212 = vector.broadcast %scan3A_210 : i32 to vector<16xi32>
          %add3A_213 = arith.addi %iota3A, %add3A_212 : vector<16xi32>
          %and3A = arith.constant 127 : i32
          %and3A_214 = vector.broadcast %and3A : i32 to vector<16xi32>
          %and3A_215 = arith.andi %add3A_213, %and3A_214 : vector<16xi32>
          %gather3A = tpu.vector_load_idx %arg11[%add3A_193, %and3A_215] : memref<192x128xf32, #tpu.memory_space<vmem>>[vector<16xi32>, vector<16xi32>], vector<16xf32>,
          %gather3A_216 = tpu.vector_load_idx %arg12[%add3A_193, %and3A_215] : memref<192x128xf32, #tpu.memory_space<vmem>>[vector<16xi32>, vector<16xi32>], vector<16xf32>,
          %mul3A_217 = arith.mulf %gather3A, %gather3A_216 : vector<16xf32>
          %add3A_218 = arith.addf %scan3A_211, %mul3A_217 : vector<16xf32>
          %scan3A_219 = arith.constant 1 : i32
          %scan3A_220 = arith.addi %scan3A_210, %scan3A_219 : i32
          %add3A_221 = vector.broadcast %scan3A_220 : i32 to vector<16xi32>
          %add3A_222 = arith.addi %iota3A, %add3A_221 : vector<16xi32>
          %and3A_223 = arith.constant 127 : i32
          %and3A_224 = vector.broadcast %and3A_223 : i32 to vector<16xi32>
          %and3A_225 = arith.andi %add3A_222, %and3A_224 : vector<16xi32>
          %gather3A_226 = tpu.vector_load_idx %arg11[%add3A_193, %and3A_225] : memref<192x128xf32, #tpu.memory_space<vmem>>[vector<16xi32>, vector<16xi32>], vector<16xf32>,
          %gather3A_227 = tpu.vector_load_idx %arg12[%add3A_193, %and3A_225] : memref<192x128xf32, #tpu.memory_space<vmem>>[vector<16xi32>, vector<16xi32>], vector<16xf32>,
          %mul3A_228 = arith.mulf %gather3A_226, %gather3A_227 : vector<16xf32>
          %add3A_229 = arith.addf %add3A_218, %mul3A_228 : vector<16xf32>
          %scan3A_230 = arith.constant 2 : i32
          %scan3A_231 = arith.addi %scan3A_210, %scan3A_230 : i32
          %add3A_232 = vector.broadcast %scan3A_231 : i32 to vector<16xi32>
          %add3A_233 = arith.addi %iota3A, %add3A_232 : vector<16xi32>
          %and3A_234 = arith.constant 127 : i32
          %and3A_235 = vector.broadcast %and3A_234 : i32 to vector<16xi32>
          %and3A_236 = arith.andi %add3A_233, %and3A_235 : vector<16xi32>
          %gather3A_237 = tpu.vector_load_idx %arg11[%add3A_193, %and3A_236] : memref<192x128xf32, #tpu.memory_space<vmem>>[vector<16xi32>, vector<16xi32>], vector<16xf32>,
          %gather3A_238 = tpu.vector_load_idx %arg12[%add3A_193, %and3A_236] : memref<192x128xf32, #tpu.memory_space<vmem>>[vector<16xi32>, vector<16xi32>], vector<16xf32>,
          %mul3A_239 = arith.mulf %gather3A_237, %gather3A_238 : vector<16xf32>
          %add3A_240 = arith.addf %add3A_229, %mul3A_239 : vector<16xf32>
          %scan3A_241 = arith.constant 3 : i32
          %scan3A_242 = arith.addi %scan3A_210, %scan3A_241 : i32
          %add3A_243 = vector.broadcast %scan3A_242 : i32 to vector<16xi32>
          %add3A_244 = arith.addi %iota3A, %add3A_243 : vector<16xi32>
          %and3A_245 = arith.constant 127 : i32
          %and3A_246 = vector.broadcast %and3A_245 : i32 to vector<16xi32>
          %and3A_247 = arith.andi %add3A_244, %and3A_246 : vector<16xi32>
          %gather3A_248 = tpu.vector_load_idx %arg11[%add3A_193, %and3A_247] : memref<192x128xf32, #tpu.memory_space<vmem>>[vector<16xi32>, vector<16xi32>], vector<16xf32>,
          %gather3A_249 = tpu.vector_load_idx %arg12[%add3A_193, %and3A_247] : memref<192x128xf32, #tpu.memory_space<vmem>>[vector<16xi32>, vector<16xi32>], vector<16xf32>,
          %mul3A_250 = arith.mulf %gather3A_248, %gather3A_249 : vector<16xf32>
          %add3A_251 = arith.addf %add3A_240, %mul3A_250 : vector<16xf32>
          %scan3A_252 = arith.constant 4 : i32
          %scan3A_253 = arith.addi %scan3A_210, %scan3A_252 : i32
          %add3A_254 = vector.broadcast %scan3A_253 : i32 to vector<16xi32>
          %add3A_255 = arith.addi %iota3A, %add3A_254 : vector<16xi32>
          %and3A_256 = arith.constant 127 : i32
          %and3A_257 = vector.broadcast %and3A_256 : i32 to vector<16xi32>
          %and3A_258 = arith.andi %add3A_255, %and3A_257 : vector<16xi32>
          %gather3A_259 = tpu.vector_load_idx %arg11[%add3A_193, %and3A_258] : memref<192x128xf32, #tpu.memory_space<vmem>>[vector<16xi32>, vector<16xi32>], vector<16xf32>,
          %gather3A_260 = tpu.vector_load_idx %arg12[%add3A_193, %and3A_258] : memref<192x128xf32, #tpu.memory_space<vmem>>[vector<16xi32>, vector<16xi32>], vector<16xf32>,
          %mul3A_261 = arith.mulf %gather3A_259, %gather3A_260 : vector<16xf32>
          %add3A_262 = arith.addf %add3A_251, %mul3A_261 : vector<16xf32>
          %scan3A_263 = arith.constant 5 : i32
          %scan3A_264 = arith.addi %scan3A_210, %scan3A_263 : i32
          %add3A_265 = vector.broadcast %scan3A_264 : i32 to vector<16xi32>
          %add3A_266 = arith.addi %iota3A, %add3A_265 : vector<16xi32>
          %and3A_267 = arith.constant 127 : i32
          %and3A_268 = vector.broadcast %and3A_267 : i32 to vector<16xi32>
          %and3A_269 = arith.andi %add3A_266, %and3A_268 : vector<16xi32>
          %gather3A_270 = tpu.vector_load_idx %arg11[%add3A_193, %and3A_269] : memref<192x128xf32, #tpu.memory_space<vmem>>[vector<16xi32>, vector<16xi32>], vector<16xf32>,
          %gather3A_271 = tpu.vector_load_idx %arg12[%add3A_193, %and3A_269] : memref<192x128xf32, #tpu.memory_space<vmem>>[vector<16xi32>, vector<16xi32>], vector<16xf32>,
          %mul3A_272 = arith.mulf %gather3A_270, %gather3A_271 : vector<16xf32>
          %add3A_273 = arith.addf %add3A_262, %mul3A_272 : vector<16xf32>
          %scan3A_274 = arith.constant 6 : i32
          %scan3A_275 = arith.addi %scan3A_210, %scan3A_274 : i32
          %add3A_276 = vector.broadcast %scan3A_275 : i32 to vector<16xi32>
          %add3A_277 = arith.addi %iota3A, %add3A_276 : vector<16xi32>
          %and3A_278 = arith.constant 127 : i32
          %and3A_279 = vector.broadcast %and3A_278 : i32 to vector<16xi32>
          %and3A_280 = arith.andi %add3A_277, %and3A_279 : vector<16xi32>
          %gather3A_281 = tpu.vector_load_idx %arg11[%add3A_193, %and3A_280] : memref<192x128xf32, #tpu.memory_space<vmem>>[vector<16xi32>, vector<16xi32>], vector<16xf32>,
          %gather3A_282 = tpu.vector_load_idx %arg12[%add3A_193, %and3A_280] : memref<192x128xf32, #tpu.memory_space<vmem>>[vector<16xi32>, vector<16xi32>], vector<16xf32>,
          %mul3A_283 = arith.mulf %gather3A_281, %gather3A_282 : vector<16xf32>
          %add3A_284 = arith.addf %add3A_273, %mul3A_283 : vector<16xf32>
          %scan3A_285 = arith.constant 7 : i32
          %scan3A_286 = arith.addi %scan3A_210, %scan3A_285 : i32
          %add3A_287 = vector.broadcast %scan3A_286 : i32 to vector<16xi32>
          %add3A_288 = arith.addi %iota3A, %add3A_287 : vector<16xi32>
          %and3A_289 = arith.constant 127 : i32
          %and3A_290 = vector.broadcast %and3A_289 : i32 to vector<16xi32>
          %and3A_291 = arith.andi %add3A_288, %and3A_290 : vector<16xi32>
          %gather3A_292 = tpu.vector_load_idx %arg11[%add3A_193, %and3A_291] : memref<192x128xf32, #tpu.memory_space<vmem>>[vector<16xi32>, vector<16xi32>], vector<16xf32>,
          %gather3A_293 = tpu.vector_load_idx %arg12[%add3A_193, %and3A_291] : memref<192x128xf32, #tpu.memory_space<vmem>>[vector<16xi32>, vector<16xi32>], vector<16xf32>,
          %mul3A_294 = arith.mulf %gather3A_292, %gather3A_293 : vector<16xf32>
          %add3A_295 = arith.addf %add3A_284, %mul3A_294 : vector<16xf32>
          %scan3A_296 = arith.constant 8 : i32
          %scan3A_297 = arith.addi %scan3A_210, %scan3A_296 : i32
          %add3A_298 = vector.broadcast %scan3A_297 : i32 to vector<16xi32>
          %add3A_299 = arith.addi %iota3A, %add3A_298 : vector<16xi32>
          %and3A_300 = arith.constant 127 : i32
          %and3A_301 = vector.broadcast %and3A_300 : i32 to vector<16xi32>
          %and3A_302 = arith.andi %add3A_299, %and3A_301 : vector<16xi32>
          %gather3A_303 = tpu.vector_load_idx %arg11[%add3A_193, %and3A_302] : memref<192x128xf32, #tpu.memory_space<vmem>>[vector<16xi32>, vector<16xi32>], vector<16xf32>,
          %gather3A_304 = tpu.vector_load_idx %arg12[%add3A_193, %and3A_302] : memref<192x128xf32, #tpu.memory_space<vmem>>[vector<16xi32>, vector<16xi32>], vector<16xf32>,
          %mul3A_305 = arith.mulf %gather3A_303, %gather3A_304 : vector<16xf32>
          %add3A_306 = arith.addf %add3A_295, %mul3A_305 : vector<16xf32>
          %scan3A_307 = arith.constant 9 : i32
          %scan3A_308 = arith.addi %scan3A_210, %scan3A_307 : i32
          %add3A_309 = vector.broadcast %scan3A_308 : i32 to vector<16xi32>
          %add3A_310 = arith.addi %iota3A, %add3A_309 : vector<16xi32>
          %and3A_311 = arith.constant 127 : i32
          %and3A_312 = vector.broadcast %and3A_311 : i32 to vector<16xi32>
          %and3A_313 = arith.andi %add3A_310, %and3A_312 : vector<16xi32>
          %gather3A_314 = tpu.vector_load_idx %arg11[%add3A_193, %and3A_313] : memref<192x128xf32, #tpu.memory_space<vmem>>[vector<16xi32>, vector<16xi32>], vector<16xf32>,
          %gather3A_315 = tpu.vector_load_idx %arg12[%add3A_193, %and3A_313] : memref<192x128xf32, #tpu.memory_space<vmem>>[vector<16xi32>, vector<16xi32>], vector<16xf32>,
          %mul3A_316 = arith.mulf %gather3A_314, %gather3A_315 : vector<16xf32>
          %add3A_317 = arith.addf %add3A_306, %mul3A_316 : vector<16xf32>
          %scan3A_318 = arith.constant 10 : i32
          %scan3A_319 = arith.addi %scan3A_210, %scan3A_318 : i32
          %add3A_320 = vector.broadcast %scan3A_319 : i32 to vector<16xi32>
          %add3A_321 = arith.addi %iota3A, %add3A_320 : vector<16xi32>
          %and3A_322 = arith.constant 127 : i32
          %and3A_323 = vector.broadcast %and3A_322 : i32 to vector<16xi32>
          %and3A_324 = arith.andi %add3A_321, %and3A_323 : vector<16xi32>
          %gather3A_325 = tpu.vector_load_idx %arg11[%add3A_193, %and3A_324] : memref<192x128xf32, #tpu.memory_space<vmem>>[vector<16xi32>, vector<16xi32>], vector<16xf32>,
          %gather3A_326 = tpu.vector_load_idx %arg12[%add3A_193, %and3A_324] : memref<192x128xf32, #tpu.memory_space<vmem>>[vector<16xi32>, vector<16xi32>], vector<16xf32>,
          %mul3A_327 = arith.mulf %gather3A_325, %gather3A_326 : vector<16xf32>
          %add3A_328 = arith.addf %add3A_317, %mul3A_327 : vector<16xf32>
          %scan3A_329 = arith.constant 11 : i32
          %scan3A_330 = arith.addi %scan3A_210, %scan3A_329 : i32
          %add3A_331 = vector.broadcast %scan3A_330 : i32 to vector<16xi32>
          %add3A_332 = arith.addi %iota3A, %add3A_331 : vector<16xi32>
          %and3A_333 = arith.constant 127 : i32
          %and3A_334 = vector.broadcast %and3A_333 : i32 to vector<16xi32>
          %and3A_335 = arith.andi %add3A_332, %and3A_334 : vector<16xi32>
          %gather3A_336 = tpu.vector_load_idx %arg11[%add3A_193, %and3A_335] : memref<192x128xf32, #tpu.memory_space<vmem>>[vector<16xi32>, vector<16xi32>], vector<16xf32>,
          %gather3A_337 = tpu.vector_load_idx %arg12[%add3A_193, %and3A_335] : memref<192x128xf32, #tpu.memory_space<vmem>>[vector<16xi32>, vector<16xi32>], vector<16xf32>,
          %mul3A_338 = arith.mulf %gather3A_336, %gather3A_337 : vector<16xf32>
          %add3A_339 = arith.addf %add3A_328, %mul3A_338 : vector<16xf32>
          %scan3A_340 = arith.constant 12 : i32
          %scan3A_341 = arith.addi %scan3A_210, %scan3A_340 : i32
          %add3A_342 = vector.broadcast %scan3A_341 : i32 to vector<16xi32>
          %add3A_343 = arith.addi %iota3A, %add3A_342 : vector<16xi32>
          %and3A_344 = arith.constant 127 : i32
          %and3A_345 = vector.broadcast %and3A_344 : i32 to vector<16xi32>
          %and3A_346 = arith.andi %add3A_343, %and3A_345 : vector<16xi32>
          %gather3A_347 = tpu.vector_load_idx %arg11[%add3A_193, %and3A_346] : memref<192x128xf32, #tpu.memory_space<vmem>>[vector<16xi32>, vector<16xi32>], vector<16xf32>,
          %gather3A_348 = tpu.vector_load_idx %arg12[%add3A_193, %and3A_346] : memref<192x128xf32, #tpu.memory_space<vmem>>[vector<16xi32>, vector<16xi32>], vector<16xf32>,
          %mul3A_349 = arith.mulf %gather3A_347, %gather3A_348 : vector<16xf32>
          %add3A_350 = arith.addf %add3A_339, %mul3A_349 : vector<16xf32>
          %scan3A_351 = arith.constant 13 : i32
          %scan3A_352 = arith.addi %scan3A_210, %scan3A_351 : i32
          %add3A_353 = vector.broadcast %scan3A_352 : i32 to vector<16xi32>
          %add3A_354 = arith.addi %iota3A, %add3A_353 : vector<16xi32>
          %and3A_355 = arith.constant 127 : i32
          %and3A_356 = vector.broadcast %and3A_355 : i32 to vector<16xi32>
          %and3A_357 = arith.andi %add3A_354, %and3A_356 : vector<16xi32>
          %gather3A_358 = tpu.vector_load_idx %arg11[%add3A_193, %and3A_357] : memref<192x128xf32, #tpu.memory_space<vmem>>[vector<16xi32>, vector<16xi32>], vector<16xf32>,
          %gather3A_359 = tpu.vector_load_idx %arg12[%add3A_193, %and3A_357] : memref<192x128xf32, #tpu.memory_space<vmem>>[vector<16xi32>, vector<16xi32>], vector<16xf32>,
          %mul3A_360 = arith.mulf %gather3A_358, %gather3A_359 : vector<16xf32>
          %add3A_361 = arith.addf %add3A_350, %mul3A_360 : vector<16xf32>
          %scan3A_362 = arith.constant 14 : i32
          %scan3A_363 = arith.addi %scan3A_210, %scan3A_362 : i32
          %add3A_364 = vector.broadcast %scan3A_363 : i32 to vector<16xi32>
          %add3A_365 = arith.addi %iota3A, %add3A_364 : vector<16xi32>
          %and3A_366 = arith.constant 127 : i32
          %and3A_367 = vector.broadcast %and3A_366 : i32 to vector<16xi32>
          %and3A_368 = arith.andi %add3A_365, %and3A_367 : vector<16xi32>
          %gather3A_369 = tpu.vector_load_idx %arg11[%add3A_193, %and3A_368] : memref<192x128xf32, #tpu.memory_space<vmem>>[vector<16xi32>, vector<16xi32>], vector<16xf32>,
          %gather3A_370 = tpu.vector_load_idx %arg12[%add3A_193, %and3A_368] : memref<192x128xf32, #tpu.memory_space<vmem>>[vector<16xi32>, vector<16xi32>], vector<16xf32>,
          %mul3A_371 = arith.mulf %gather3A_369, %gather3A_370 : vector<16xf32>
          %add3A_372 = arith.addf %add3A_361, %mul3A_371 : vector<16xf32>
          %scan3A_373 = arith.constant 15 : i32
          %scan3A_374 = arith.addi %scan3A_210, %scan3A_373 : i32
          %add3A_375 = vector.broadcast %scan3A_374 : i32 to vector<16xi32>
          %add3A_376 = arith.addi %iota3A, %add3A_375 : vector<16xi32>
          %and3A_377 = arith.constant 127 : i32
          %and3A_378 = vector.broadcast %and3A_377 : i32 to vector<16xi32>
          %and3A_379 = arith.andi %add3A_376, %and3A_378 : vector<16xi32>
          %gather3A_380 = tpu.vector_load_idx %arg11[%add3A_193, %and3A_379] : memref<192x128xf32, #tpu.memory_space<vmem>>[vector<16xi32>, vector<16xi32>], vector<16xf32>,
          %gather3A_381 = tpu.vector_load_idx %arg12[%add3A_193, %and3A_379] : memref<192x128xf32, #tpu.memory_space<vmem>>[vector<16xi32>, vector<16xi32>], vector<16xf32>,
          %mul3A_382 = arith.mulf %gather3A_380, %gather3A_381 : vector<16xf32>
          %add3A_383 = arith.addf %add3A_372, %mul3A_382 : vector<16xf32>
          scf.yield %add3A_383 : vector<16xf32>
        }
        %scan3A_201 = arith.constant 128 : i32
        %add3A_202 = arith.addf %scan3A_200, %get3A_11 : vector<16xf32>
        %mul3A_203 = arith.constant 192 : i32
        %mul3A_204 = arith.muli %add3A_127, %mul3A_203 : i32
        %mul3A_205 = arith.constant 16 : i32
        %mul3A_206 = arith.muli %add3A_189, %mul3A_205 : i32
        %add3A_207 = arith.addi %mul3A_204, %mul3A_206 : i32
        %swap3A_208 = arith.index_cast %add3A_207 : i32 to index
        %swap3A_209 = tpu.vector_load %arg13[%swap3A_208] {strides = array<i32>} : memref<10000xf32, #tpu.memory_space<vmem>>, vector<16xf32>,
        tpu.vector_store %arg13[%swap3A_208], %add3A_202 {strides = array<i32>} : memref<10000xf32, #tpu.memory_space<vmem>>, vector<16xf32>,
      }
      %scan3A_184 = arith.constant 12 : i32
    }
    %scan3A_25 = arith.constant 25 : i32
    %dma_start3A_26 = arith.constant 9792 : i32
    %dma_start3A_27 = tpu.memref_slice %arg7[%dma_start3A_26] : memref<10000xi32, #tpu.memory_space<vmem>> -> memref<192xi32, #tpu.memory_space<vmem>>
    %dma_start3A_28 = arith.constant 0 : i32
    %dma_start3A_29 = arith.constant 0 : i32
    %dma_start3A_30 = tpu.memref_slice %arg2[%dma_start3A_28, %dma_start3A_29] : memref<10000x128xf32, #tpu.memory_space<hbm>> -> memref<10000x128xf32, #tpu.memory_space<hbm>>
    tpu.enqueue_indirect_dma source(%dma_start3A_30 : memref<10000x128xf32, #tpu.memory_space<hbm>>) target(%arg11 : memref<192x128xf32, #tpu.memory_space<vmem>>) offsets(%dma_start3A_27 : memref<192xi32, #tpu.memory_space<vmem>>) semaphore(%arg16 : memref<!tpu.dma_semaphore, #tpu.memory_space<semaphore_mem>>)
    %dma_start3A_31 = arith.constant 9792 : i32
    %dma_start3A_32 = tpu.memref_slice %arg8[%dma_start3A_31] : memref<10000xi32, #tpu.memory_space<vmem>> -> memref<192xi32, #tpu.memory_space<vmem>>
    %dma_start3A_33 = arith.constant 0 : i32
    %dma_start3A_34 = arith.constant 0 : i32
    %dma_start3A_35 = tpu.memref_slice %arg3[%dma_start3A_33, %dma_start3A_34] : memref<10000x128xf32, #tpu.memory_space<hbm>> -> memref<10000x128xf32, #tpu.memory_space<hbm>>
    tpu.enqueue_indirect_dma source(%dma_start3A_35 : memref<10000x128xf32, #tpu.memory_space<hbm>>) target(%arg12 : memref<192x128xf32, #tpu.memory_space<vmem>>) offsets(%dma_start3A_32 : memref<192xi32, #tpu.memory_space<vmem>>) semaphore(%arg16 : memref<!tpu.dma_semaphore, #tpu.memory_space<semaphore_mem>>)
    %dma_wait3A_36 = arith.constant 0 : i32
    %dma_wait3A_37 = arith.constant 0 : i32
    %dma_wait3A_38 = tpu.memref_slice %arg2[%dma_wait3A_36, %dma_wait3A_37] : memref<10000x128xf32, #tpu.memory_space<hbm>> -> memref<192x128xf32, #tpu.memory_space<hbm>>
    %dma_wait3A_39 = arith.constant 0 : i32
    %dma_wait3A_40 = arith.constant 0 : i32
    %dma_wait3A_41 = tpu.memref_slice %arg2[%dma_wait3A_39, %dma_wait3A_40] : memref<10000x128xf32, #tpu.memory_space<hbm>> -> memref<192x128xf32, #tpu.memory_space<hbm>>
    tpu.wait_dma2 semaphore(%arg15 : memref<!tpu.dma_semaphore, #tpu.memory_space<semaphore_mem>>) src(%dma_wait3A_41 : memref<192x128xf32, #tpu.memory_space<hbm>>) dst(%arg9 : memref<192x128xf32, #tpu.memory_space<vmem>>)
    %dma_wait3A_42 = arith.constant 0 : i32
    %dma_wait3A_43 = arith.constant 0 : i32
    %dma_wait3A_44 = tpu.memref_slice %arg3[%dma_wait3A_42, %dma_wait3A_43] : memref<10000x128xf32, #tpu.memory_space<hbm>> -> memref<192x128xf32, #tpu.memory_space<hbm>>
    %dma_wait3A_45 = arith.constant 0 : i32
    %dma_wait3A_46 = arith.constant 0 : i32
    %dma_wait3A_47 = tpu.memref_slice %arg3[%dma_wait3A_45, %dma_wait3A_46] : memref<10000x128xf32, #tpu.memory_space<hbm>> -> memref<192x128xf32, #tpu.memory_space<hbm>>
    tpu.wait_dma2 semaphore(%arg15 : memref<!tpu.dma_semaphore, #tpu.memory_space<semaphore_mem>>) src(%dma_wait3A_47 : memref<192x128xf32, #tpu.memory_space<hbm>>) dst(%arg10 : memref<192x128xf32, #tpu.memory_space<vmem>>)
    %scan3A_48 = arith.constant 0 : i32
    %scan3A_49 = arith.constant 12 : i32
    %scan3A_50 = arith.addi %scan3A_48, %scan3A_49 : i32
    %scan3A_51 = arith.constant 1 : i32
    scf.for %scan3A_119 = %scan3A_48 to %scan3A_50 step %scan3A_51  : i32 {
      %mul3A_120 = arith.constant 1 : i32
      %mul3A_121 = arith.muli %scan3A_119, %mul3A_120 : i32
      %add3A_122 = arith.constant 0 : i32
      %add3A_123 = arith.addi %add3A_122, %mul3A_121 : i32
      %mul3A_124 = arith.constant 16 : i32
      %mul3A_125 = arith.muli %add3A_123, %mul3A_124 : i32
      %add3A_126 = vector.broadcast %mul3A_125 : i32 to vector<16xi32>
      %add3A_127 = arith.addi %add3A_126, %iota3A : vector<16xi32>
      %broadcast_in_dim3A_128 = arith.constant 0.000000e+00 : f32
      %broadcast_in_dim3A_129 = vector.broadcast %broadcast_in_dim3A_128 : f32 to vector<16xf32>
      %scan3A_130 = arith.constant 0 : i32
      %scan3A_131 = arith.constant 128 : i32
      %scan3A_132 = arith.addi %scan3A_130, %scan3A_131 : i32
      %scan3A_133 = arith.constant 16 : i32
      %scan3A_134 = scf.for %scan3A_143 = %scan3A_130 to %scan3A_132 step %scan3A_133 iter_args(%scan3A_144 = %broadcast_in_dim3A_129) -> (vector<16xf32>)  : i32 {
        %add3A_145 = vector.broadcast %scan3A_143 : i32 to vector<16xi32>
        %add3A_146 = arith.addi %iota3A, %add3A_145 : vector<16xi32>
        %and3A = arith.constant 127 : i32
        %and3A_147 = vector.broadcast %and3A : i32 to vector<16xi32>
        %and3A_148 = arith.andi %add3A_146, %and3A_147 : vector<16xi32>
        %gather3A = tpu.vector_load_idx %arg9[%add3A_127, %and3A_148] : memref<192x128xf32, #tpu.memory_space<vmem>>[vector<16xi32>, vector<16xi32>], vector<16xf32>,
        %gather3A_149 = tpu.vector_load_idx %arg10[%add3A_127, %and3A_148] : memref<192x128xf32, #tpu.memory_space<vmem>>[vector<16xi32>, vector<16xi32>], vector<16xf32>,
        %mul3A_150 = arith.mulf %gather3A, %gather3A_149 : vector<16xf32>
        %add3A_151 = arith.addf %scan3A_144, %mul3A_150 : vector<16xf32>
        %scan3A_152 = arith.constant 1 : i32
        %scan3A_153 = arith.addi %scan3A_143, %scan3A_152 : i32
        %add3A_154 = vector.broadcast %scan3A_153 : i32 to vector<16xi32>
        %add3A_155 = arith.addi %iota3A, %add3A_154 : vector<16xi32>
        %and3A_156 = arith.constant 127 : i32
        %and3A_157 = vector.broadcast %and3A_156 : i32 to vector<16xi32>
        %and3A_158 = arith.andi %add3A_155, %and3A_157 : vector<16xi32>
        %gather3A_159 = tpu.vector_load_idx %arg9[%add3A_127, %and3A_158] : memref<192x128xf32, #tpu.memory_space<vmem>>[vector<16xi32>, vector<16xi32>], vector<16xf32>,
        %gather3A_160 = tpu.vector_load_idx %arg10[%add3A_127, %and3A_158] : memref<192x128xf32, #tpu.memory_space<vmem>>[vector<16xi32>, vector<16xi32>], vector<16xf32>,
        %mul3A_161 = arith.mulf %gather3A_159, %gather3A_160 : vector<16xf32>
        %add3A_162 = arith.addf %add3A_151, %mul3A_161 : vector<16xf32>
        %scan3A_163 = arith.constant 2 : i32
        %scan3A_164 = arith.addi %scan3A_143, %scan3A_163 : i32
        %add3A_165 = vector.broadcast %scan3A_164 : i32 to vector<16xi32>
        %add3A_166 = arith.addi %iota3A, %add3A_165 : vector<16xi32>
        %and3A_167 = arith.constant 127 : i32
        %and3A_168 = vector.broadcast %and3A_167 : i32 to vector<16xi32>
        %and3A_169 = arith.andi %add3A_166, %and3A_168 : vector<16xi32>
        %gather3A_170 = tpu.vector_load_idx %arg9[%add3A_127, %and3A_169] : memref<192x128xf32, #tpu.memory_space<vmem>>[vector<16xi32>, vector<16xi32>], vector<16xf32>,
        %gather3A_171 = tpu.vector_load_idx %arg10[%add3A_127, %and3A_169] : memref<192x128xf32, #tpu.memory_space<vmem>>[vector<16xi32>, vector<16xi32>], vector<16xf32>,
        %mul3A_172 = arith.mulf %gather3A_170, %gather3A_171 : vector<16xf32>
        %add3A_173 = arith.addf %add3A_162, %mul3A_172 : vector<16xf32>
        %scan3A_174 = arith.constant 3 : i32
        %scan3A_175 = arith.addi %scan3A_143, %scan3A_174 : i32
        %add3A_176 = vector.broadcast %scan3A_175 : i32 to vector<16xi32>
        %add3A_177 = arith.addi %iota3A, %add3A_176 : vector<16xi32>
        %and3A_178 = arith.constant 127 : i32
        %and3A_179 = vector.broadcast %and3A_178 : i32 to vector<16xi32>
        %and3A_180 = arith.andi %add3A_177, %and3A_179 : vector<16xi32>
        %gather3A_181 = tpu.vector_load_idx %arg9[%add3A_127, %and3A_180] : memref<192x128xf32, #tpu.memory_space<vmem>>[vector<16xi32>, vector<16xi32>], vector<16xf32>,
        %gather3A_182 = tpu.vector_load_idx %arg10[%add3A_127, %and3A_180] : memref<192x128xf32, #tpu.memory_space<vmem>>[vector<16xi32>, vector<16xi32>], vector<16xf32>,
        %mul3A_183 = arith.mulf %gather3A_181, %gather3A_182 : vector<16xf32>
        %add3A_184 = arith.addf %add3A_173, %mul3A_183 : vector<16xf32>
        %scan3A_185 = arith.constant 4 : i32
        %scan3A_186 = arith.addi %scan3A_143, %scan3A_185 : i32
        %add3A_187 = vector.broadcast %scan3A_186 : i32 to vector<16xi32>
        %add3A_188 = arith.addi %iota3A, %add3A_187 : vector<16xi32>
        %and3A_189 = arith.constant 127 : i32
        %and3A_190 = vector.broadcast %and3A_189 : i32 to vector<16xi32>
        %and3A_191 = arith.andi %add3A_188, %and3A_190 : vector<16xi32>
        %gather3A_192 = tpu.vector_load_idx %arg9[%add3A_127, %and3A_191] : memref<192x128xf32, #tpu.memory_space<vmem>>[vector<16xi32>, vector<16xi32>], vector<16xf32>,
        %gather3A_193 = tpu.vector_load_idx %arg10[%add3A_127, %and3A_191] : memref<192x128xf32, #tpu.memory_space<vmem>>[vector<16xi32>, vector<16xi32>], vector<16xf32>,
        %mul3A_194 = arith.mulf %gather3A_192, %gather3A_193 : vector<16xf32>
        %add3A_195 = arith.addf %add3A_184, %mul3A_194 : vector<16xf32>
        %scan3A_196 = arith.constant 5 : i32
        %scan3A_197 = arith.addi %scan3A_143, %scan3A_196 : i32
        %add3A_198 = vector.broadcast %scan3A_197 : i32 to vector<16xi32>
        %add3A_199 = arith.addi %iota3A, %add3A_198 : vector<16xi32>
        %and3A_200 = arith.constant 127 : i32
        %and3A_201 = vector.broadcast %and3A_200 : i32 to vector<16xi32>
        %and3A_202 = arith.andi %add3A_199, %and3A_201 : vector<16xi32>
        %gather3A_203 = tpu.vector_load_idx %arg9[%add3A_127, %and3A_202] : memref<192x128xf32, #tpu.memory_space<vmem>>[vector<16xi32>, vector<16xi32>], vector<16xf32>,
        %gather3A_204 = tpu.vector_load_idx %arg10[%add3A_127, %and3A_202] : memref<192x128xf32, #tpu.memory_space<vmem>>[vector<16xi32>, vector<16xi32>], vector<16xf32>,
        %mul3A_205 = arith.mulf %gather3A_203, %gather3A_204 : vector<16xf32>
        %add3A_206 = arith.addf %add3A_195, %mul3A_205 : vector<16xf32>
        %scan3A_207 = arith.constant 6 : i32
        %scan3A_208 = arith.addi %scan3A_143, %scan3A_207 : i32
        %add3A_209 = vector.broadcast %scan3A_208 : i32 to vector<16xi32>
        %add3A_210 = arith.addi %iota3A, %add3A_209 : vector<16xi32>
        %and3A_211 = arith.constant 127 : i32
        %and3A_212 = vector.broadcast %and3A_211 : i32 to vector<16xi32>
        %and3A_213 = arith.andi %add3A_210, %and3A_212 : vector<16xi32>
        %gather3A_214 = tpu.vector_load_idx %arg9[%add3A_127, %and3A_213] : memref<192x128xf32, #tpu.memory_space<vmem>>[vector<16xi32>, vector<16xi32>], vector<16xf32>,
        %gather3A_215 = tpu.vector_load_idx %arg10[%add3A_127, %and3A_213] : memref<192x128xf32, #tpu.memory_space<vmem>>[vector<16xi32>, vector<16xi32>], vector<16xf32>,
        %mul3A_216 = arith.mulf %gather3A_214, %gather3A_215 : vector<16xf32>
        %add3A_217 = arith.addf %add3A_206, %mul3A_216 : vector<16xf32>
        %scan3A_218 = arith.constant 7 : i32
        %scan3A_219 = arith.addi %scan3A_143, %scan3A_218 : i32
        %add3A_220 = vector.broadcast %scan3A_219 : i32 to vector<16xi32>
        %add3A_221 = arith.addi %iota3A, %add3A_220 : vector<16xi32>
        %and3A_222 = arith.constant 127 : i32
        %and3A_223 = vector.broadcast %and3A_222 : i32 to vector<16xi32>
        %and3A_224 = arith.andi %add3A_221, %and3A_223 : vector<16xi32>
        %gather3A_225 = tpu.vector_load_idx %arg9[%add3A_127, %and3A_224] : memref<192x128xf32, #tpu.memory_space<vmem>>[vector<16xi32>, vector<16xi32>], vector<16xf32>,
        %gather3A_226 = tpu.vector_load_idx %arg10[%add3A_127, %and3A_224] : memref<192x128xf32, #tpu.memory_space<vmem>>[vector<16xi32>, vector<16xi32>], vector<16xf32>,
        %mul3A_227 = arith.mulf %gather3A_225, %gather3A_226 : vector<16xf32>
        %add3A_228 = arith.addf %add3A_217, %mul3A_227 : vector<16xf32>
        %scan3A_229 = arith.constant 8 : i32
        %scan3A_230 = arith.addi %scan3A_143, %scan3A_229 : i32
        %add3A_231 = vector.broadcast %scan3A_230 : i32 to vector<16xi32>
        %add3A_232 = arith.addi %iota3A, %add3A_231 : vector<16xi32>
        %and3A_233 = arith.constant 127 : i32
        %and3A_234 = vector.broadcast %and3A_233 : i32 to vector<16xi32>
        %and3A_235 = arith.andi %add3A_232, %and3A_234 : vector<16xi32>
        %gather3A_236 = tpu.vector_load_idx %arg9[%add3A_127, %and3A_235] : memref<192x128xf32, #tpu.memory_space<vmem>>[vector<16xi32>, vector<16xi32>], vector<16xf32>,
        %gather3A_237 = tpu.vector_load_idx %arg10[%add3A_127, %and3A_235] : memref<192x128xf32, #tpu.memory_space<vmem>>[vector<16xi32>, vector<16xi32>], vector<16xf32>,
        %mul3A_238 = arith.mulf %gather3A_236, %gather3A_237 : vector<16xf32>
        %add3A_239 = arith.addf %add3A_228, %mul3A_238 : vector<16xf32>
        %scan3A_240 = arith.constant 9 : i32
        %scan3A_241 = arith.addi %scan3A_143, %scan3A_240 : i32
        %add3A_242 = vector.broadcast %scan3A_241 : i32 to vector<16xi32>
        %add3A_243 = arith.addi %iota3A, %add3A_242 : vector<16xi32>
        %and3A_244 = arith.constant 127 : i32
        %and3A_245 = vector.broadcast %and3A_244 : i32 to vector<16xi32>
        %and3A_246 = arith.andi %add3A_243, %and3A_245 : vector<16xi32>
        %gather3A_247 = tpu.vector_load_idx %arg9[%add3A_127, %and3A_246] : memref<192x128xf32, #tpu.memory_space<vmem>>[vector<16xi32>, vector<16xi32>], vector<16xf32>,
        %gather3A_248 = tpu.vector_load_idx %arg10[%add3A_127, %and3A_246] : memref<192x128xf32, #tpu.memory_space<vmem>>[vector<16xi32>, vector<16xi32>], vector<16xf32>,
        %mul3A_249 = arith.mulf %gather3A_247, %gather3A_248 : vector<16xf32>
        %add3A_250 = arith.addf %add3A_239, %mul3A_249 : vector<16xf32>
        %scan3A_251 = arith.constant 10 : i32
        %scan3A_252 = arith.addi %scan3A_143, %scan3A_251 : i32
        %add3A_253 = vector.broadcast %scan3A_252 : i32 to vector<16xi32>
        %add3A_254 = arith.addi %iota3A, %add3A_253 : vector<16xi32>
        %and3A_255 = arith.constant 127 : i32
        %and3A_256 = vector.broadcast %and3A_255 : i32 to vector<16xi32>
        %and3A_257 = arith.andi %add3A_254, %and3A_256 : vector<16xi32>
        %gather3A_258 = tpu.vector_load_idx %arg9[%add3A_127, %and3A_257] : memref<192x128xf32, #tpu.memory_space<vmem>>[vector<16xi32>, vector<16xi32>], vector<16xf32>,
        %gather3A_259 = tpu.vector_load_idx %arg10[%add3A_127, %and3A_257] : memref<192x128xf32, #tpu.memory_space<vmem>>[vector<16xi32>, vector<16xi32>], vector<16xf32>,
        %mul3A_260 = arith.mulf %gather3A_258, %gather3A_259 : vector<16xf32>
        %add3A_261 = arith.addf %add3A_250, %mul3A_260 : vector<16xf32>
        %scan3A_262 = arith.constant 11 : i32
        %scan3A_263 = arith.addi %scan3A_143, %scan3A_262 : i32
        %add3A_264 = vector.broadcast %scan3A_263 : i32 to vector<16xi32>
        %add3A_265 = arith.addi %iota3A, %add3A_264 : vector<16xi32>
        %and3A_266 = arith.constant 127 : i32
        %and3A_267 = vector.broadcast %and3A_266 : i32 to vector<16xi32>
        %and3A_268 = arith.andi %add3A_265, %and3A_267 : vector<16xi32>
        %gather3A_269 = tpu.vector_load_idx %arg9[%add3A_127, %and3A_268] : memref<192x128xf32, #tpu.memory_space<vmem>>[vector<16xi32>, vector<16xi32>], vector<16xf32>,
        %gather3A_270 = tpu.vector_load_idx %arg10[%add3A_127, %and3A_268] : memref<192x128xf32, #tpu.memory_space<vmem>>[vector<16xi32>, vector<16xi32>], vector<16xf32>,
        %mul3A_271 = arith.mulf %gather3A_269, %gather3A_270 : vector<16xf32>
        %add3A_272 = arith.addf %add3A_261, %mul3A_271 : vector<16xf32>
        %scan3A_273 = arith.constant 12 : i32
        %scan3A_274 = arith.addi %scan3A_143, %scan3A_273 : i32
        %add3A_275 = vector.broadcast %scan3A_274 : i32 to vector<16xi32>
        %add3A_276 = arith.addi %iota3A, %add3A_275 : vector<16xi32>
        %and3A_277 = arith.constant 127 : i32
        %and3A_278 = vector.broadcast %and3A_277 : i32 to vector<16xi32>
        %and3A_279 = arith.andi %add3A_276, %and3A_278 : vector<16xi32>
        %gather3A_280 = tpu.vector_load_idx %arg9[%add3A_127, %and3A_279] : memref<192x128xf32, #tpu.memory_space<vmem>>[vector<16xi32>, vector<16xi32>], vector<16xf32>,
        %gather3A_281 = tpu.vector_load_idx %arg10[%add3A_127, %and3A_279] : memref<192x128xf32, #tpu.memory_space<vmem>>[vector<16xi32>, vector<16xi32>], vector<16xf32>,
        %mul3A_282 = arith.mulf %gather3A_280, %gather3A_281 : vector<16xf32>
        %add3A_283 = arith.addf %add3A_272, %mul3A_282 : vector<16xf32>
        %scan3A_284 = arith.constant 13 : i32
        %scan3A_285 = arith.addi %scan3A_143, %scan3A_284 : i32
        %add3A_286 = vector.broadcast %scan3A_285 : i32 to vector<16xi32>
        %add3A_287 = arith.addi %iota3A, %add3A_286 : vector<16xi32>
        %and3A_288 = arith.constant 127 : i32
        %and3A_289 = vector.broadcast %and3A_288 : i32 to vector<16xi32>
        %and3A_290 = arith.andi %add3A_287, %and3A_289 : vector<16xi32>
        %gather3A_291 = tpu.vector_load_idx %arg9[%add3A_127, %and3A_290] : memref<192x128xf32, #tpu.memory_space<vmem>>[vector<16xi32>, vector<16xi32>], vector<16xf32>,
        %gather3A_292 = tpu.vector_load_idx %arg10[%add3A_127, %and3A_290] : memref<192x128xf32, #tpu.memory_space<vmem>>[vector<16xi32>, vector<16xi32>], vector<16xf32>,
        %mul3A_293 = arith.mulf %gather3A_291, %gather3A_292 : vector<16xf32>
        %add3A_294 = arith.addf %add3A_283, %mul3A_293 : vector<16xf32>
        %scan3A_295 = arith.constant 14 : i32
        %scan3A_296 = arith.addi %scan3A_143, %scan3A_295 : i32
        %add3A_297 = vector.broadcast %scan3A_296 : i32 to vector<16xi32>
        %add3A_298 = arith.addi %iota3A, %add3A_297 : vector<16xi32>
        %and3A_299 = arith.constant 127 : i32
        %and3A_300 = vector.broadcast %and3A_299 : i32 to vector<16xi32>
        %and3A_301 = arith.andi %add3A_298, %and3A_300 : vector<16xi32>
        %gather3A_302 = tpu.vector_load_idx %arg9[%add3A_127, %and3A_301] : memref<192x128xf32, #tpu.memory_space<vmem>>[vector<16xi32>, vector<16xi32>], vector<16xf32>,
        %gather3A_303 = tpu.vector_load_idx %arg10[%add3A_127, %and3A_301] : memref<192x128xf32, #tpu.memory_space<vmem>>[vector<16xi32>, vector<16xi32>], vector<16xf32>,
        %mul3A_304 = arith.mulf %gather3A_302, %gather3A_303 : vector<16xf32>
        %add3A_305 = arith.addf %add3A_294, %mul3A_304 : vector<16xf32>
        %scan3A_306 = arith.constant 15 : i32
        %scan3A_307 = arith.addi %scan3A_143, %scan3A_306 : i32
        %add3A_308 = vector.broadcast %scan3A_307 : i32 to vector<16xi32>
        %add3A_309 = arith.addi %iota3A, %add3A_308 : vector<16xi32>
        %and3A_310 = arith.constant 127 : i32
        %and3A_311 = vector.broadcast %and3A_310 : i32 to vector<16xi32>
        %and3A_312 = arith.andi %add3A_309, %and3A_311 : vector<16xi32>
        %gather3A_313 = tpu.vector_load_idx %arg9[%add3A_127, %and3A_312] : memref<192x128xf32, #tpu.memory_space<vmem>>[vector<16xi32>, vector<16xi32>], vector<16xf32>,
        %gather3A_314 = tpu.vector_load_idx %arg10[%add3A_127, %and3A_312] : memref<192x128xf32, #tpu.memory_space<vmem>>[vector<16xi32>, vector<16xi32>], vector<16xf32>,
        %mul3A_315 = arith.mulf %gather3A_313, %gather3A_314 : vector<16xf32>
        %add3A_316 = arith.addf %add3A_305, %mul3A_315 : vector<16xf32>
        scf.yield %add3A_316 : vector<16xf32>
      }
      %scan3A_135 = arith.constant 128 : i32
      %add3A_136 = arith.addf %scan3A_134, %get3A_11 : vector<16xf32>
      %mul3A_137 = arith.constant 16 : i32
      %mul3A_138 = arith.muli %add3A_123, %mul3A_137 : i32
      %add3A_139 = arith.constant 9600 : i32
      %add3A_140 = arith.addi %add3A_139, %mul3A_138 : i32
      %swap3A_141 = arith.index_cast %add3A_140 : i32 to index
      %swap3A_142 = tpu.vector_load %arg13[%swap3A_141] {strides = array<i32>} : memref<10000xf32, #tpu.memory_space<vmem>>, vector<16xf32>,
      tpu.vector_store %arg13[%swap3A_141], %add3A_136 {strides = array<i32>} : memref<10000xf32, #tpu.memory_space<vmem>>, vector<16xf32>,
    }
    %scan3A_52 = arith.constant 12 : i32
    %dma_start3A_53 = arith.constant 0 : i32
    %dma_start3A_54 = arith.constant 0 : i32
    %dma_start3A_55 = tpu.memref_slice %arg9[%dma_start3A_53, %dma_start3A_54] : memref<192x128xf32, #tpu.memory_space<vmem>> -> memref<16x128xf32, #tpu.memory_space<vmem>>
    %dma_start3A_56 = arith.constant 9984 : i32
    %dma_start3A_57 = tpu.memref_slice %arg7[%dma_start3A_56] : memref<10000xi32, #tpu.memory_space<vmem>> -> memref<16xi32, #tpu.memory_space<vmem>>
    %dma_start3A_58 = arith.constant 0 : i32
    %dma_start3A_59 = arith.constant 0 : i32
    %dma_start3A_60 = tpu.memref_slice %arg2[%dma_start3A_58, %dma_start3A_59] : memref<10000x128xf32, #tpu.memory_space<hbm>> -> memref<10000x128xf32, #tpu.memory_space<hbm>>
    tpu.enqueue_indirect_dma source(%dma_start3A_60 : memref<10000x128xf32, #tpu.memory_space<hbm>>) target(%dma_start3A_55 : memref<16x128xf32, #tpu.memory_space<vmem>>) offsets(%dma_start3A_57 : memref<16xi32, #tpu.memory_space<vmem>>) semaphore(%arg15 : memref<!tpu.dma_semaphore, #tpu.memory_space<semaphore_mem>>)
    %dma_start3A_61 = arith.constant 0 : i32
    %dma_start3A_62 = arith.constant 0 : i32
    %dma_start3A_63 = tpu.memref_slice %arg10[%dma_start3A_61, %dma_start3A_62] : memref<192x128xf32, #tpu.memory_space<vmem>> -> memref<16x128xf32, #tpu.memory_space<vmem>>
    %dma_start3A_64 = arith.constant 9984 : i32
    %dma_start3A_65 = tpu.memref_slice %arg8[%dma_start3A_64] : memref<10000xi32, #tpu.memory_space<vmem>> -> memref<16xi32, #tpu.memory_space<vmem>>
    %dma_start3A_66 = arith.constant 0 : i32
    %dma_start3A_67 = arith.constant 0 : i32
    %dma_start3A_68 = tpu.memref_slice %arg3[%dma_start3A_66, %dma_start3A_67] : memref<10000x128xf32, #tpu.memory_space<hbm>> -> memref<10000x128xf32, #tpu.memory_space<hbm>>
    tpu.enqueue_indirect_dma source(%dma_start3A_68 : memref<10000x128xf32, #tpu.memory_space<hbm>>) target(%dma_start3A_63 : memref<16x128xf32, #tpu.memory_space<vmem>>) offsets(%dma_start3A_65 : memref<16xi32, #tpu.memory_space<vmem>>) semaphore(%arg15 : memref<!tpu.dma_semaphore, #tpu.memory_space<semaphore_mem>>)
    %dma_wait3A_69 = arith.constant 0 : i32
    %dma_wait3A_70 = arith.constant 0 : i32
    %dma_wait3A_71 = tpu.memref_slice %arg2[%dma_wait3A_69, %dma_wait3A_70] : memref<10000x128xf32, #tpu.memory_space<hbm>> -> memref<192x128xf32, #tpu.memory_space<hbm>>
    %dma_wait3A_72 = arith.constant 0 : i32
    %dma_wait3A_73 = arith.constant 0 : i32
    %dma_wait3A_74 = tpu.memref_slice %arg2[%dma_wait3A_72, %dma_wait3A_73] : memref<10000x128xf32, #tpu.memory_space<hbm>> -> memref<192x128xf32, #tpu.memory_space<hbm>>
    tpu.wait_dma2 semaphore(%arg16 : memref<!tpu.dma_semaphore, #tpu.memory_space<semaphore_mem>>) src(%dma_wait3A_74 : memref<192x128xf32, #tpu.memory_space<hbm>>) dst(%arg11 : memref<192x128xf32, #tpu.memory_space<vmem>>)
    %dma_wait3A_75 = arith.constant 0 : i32
    %dma_wait3A_76 = arith.constant 0 : i32
    %dma_wait3A_77 = tpu.memref_slice %arg3[%dma_wait3A_75, %dma_wait3A_76] : memref<10000x128xf32, #tpu.memory_space<hbm>> -> memref<192x128xf32, #tpu.memory_space<hbm>>
    %dma_wait3A_78 = arith.constant 0 : i32
    %dma_wait3A_79 = arith.constant 0 : i32
    %dma_wait3A_80 = tpu.memref_slice %arg3[%dma_wait3A_78, %dma_wait3A_79] : memref<10000x128xf32, #tpu.memory_space<hbm>> -> memref<192x128xf32, #tpu.memory_space<hbm>>
    tpu.wait_dma2 semaphore(%arg16 : memref<!tpu.dma_semaphore, #tpu.memory_space<semaphore_mem>>) src(%dma_wait3A_80 : memref<192x128xf32, #tpu.memory_space<hbm>>) dst(%arg12 : memref<192x128xf32, #tpu.memory_space<vmem>>)
    %scan3A_81 = arith.constant 0 : i32
    %scan3A_82 = arith.constant 12 : i32
    %scan3A_83 = arith.addi %scan3A_81, %scan3A_82 : i32
    %scan3A_84 = arith.constant 1 : i32
    scf.for %scan3A_119 = %scan3A_81 to %scan3A_83 step %scan3A_84  : i32 {
      %mul3A_120 = arith.constant 1 : i32
      %mul3A_121 = arith.muli %scan3A_119, %mul3A_120 : i32
      %add3A_122 = arith.constant 0 : i32
      %add3A_123 = arith.addi %add3A_122, %mul3A_121 : i32
      %mul3A_124 = arith.constant 16 : i32
      %mul3A_125 = arith.muli %add3A_123, %mul3A_124 : i32
      %add3A_126 = vector.broadcast %mul3A_125 : i32 to vector<16xi32>
      %add3A_127 = arith.addi %add3A_126, %iota3A : vector<16xi32>
      %broadcast_in_dim3A_128 = arith.constant 0.000000e+00 : f32
      %broadcast_in_dim3A_129 = vector.broadcast %broadcast_in_dim3A_128 : f32 to vector<16xf32>
      %scan3A_130 = arith.constant 0 : i32
      %scan3A_131 = arith.constant 128 : i32
      %scan3A_132 = arith.addi %scan3A_130, %scan3A_131 : i32
      %scan3A_133 = arith.constant 16 : i32
      %scan3A_134 = scf.for %scan3A_143 = %scan3A_130 to %scan3A_132 step %scan3A_133 iter_args(%scan3A_144 = %broadcast_in_dim3A_129) -> (vector<16xf32>)  : i32 {
        %add3A_145 = vector.broadcast %scan3A_143 : i32 to vector<16xi32>
        %add3A_146 = arith.addi %iota3A, %add3A_145 : vector<16xi32>
        %and3A = arith.constant 127 : i32
        %and3A_147 = vector.broadcast %and3A : i32 to vector<16xi32>
        %and3A_148 = arith.andi %add3A_146, %and3A_147 : vector<16xi32>
        %gather3A = tpu.vector_load_idx %arg11[%add3A_127, %and3A_148] : memref<192x128xf32, #tpu.memory_space<vmem>>[vector<16xi32>, vector<16xi32>], vector<16xf32>,
        %gather3A_149 = tpu.vector_load_idx %arg12[%add3A_127, %and3A_148] : memref<192x128xf32, #tpu.memory_space<vmem>>[vector<16xi32>, vector<16xi32>], vector<16xf32>,
        %mul3A_150 = arith.mulf %gather3A, %gather3A_149 : vector<16xf32>
        %add3A_151 = arith.addf %scan3A_144, %mul3A_150 : vector<16xf32>
        %scan3A_152 = arith.constant 1 : i32
        %scan3A_153 = arith.addi %scan3A_143, %scan3A_152 : i32
        %add3A_154 = vector.broadcast %scan3A_153 : i32 to vector<16xi32>
        %add3A_155 = arith.addi %iota3A, %add3A_154 : vector<16xi32>
        %and3A_156 = arith.constant 127 : i32
        %and3A_157 = vector.broadcast %and3A_156 : i32 to vector<16xi32>
        %and3A_158 = arith.andi %add3A_155, %and3A_157 : vector<16xi32>
        %gather3A_159 = tpu.vector_load_idx %arg11[%add3A_127, %and3A_158] : memref<192x128xf32, #tpu.memory_space<vmem>>[vector<16xi32>, vector<16xi32>], vector<16xf32>,
        %gather3A_160 = tpu.vector_load_idx %arg12[%add3A_127, %and3A_158] : memref<192x128xf32, #tpu.memory_space<vmem>>[vector<16xi32>, vector<16xi32>], vector<16xf32>,
        %mul3A_161 = arith.mulf %gather3A_159, %gather3A_160 : vector<16xf32>
        %add3A_162 = arith.addf %add3A_151, %mul3A_161 : vector<16xf32>
        %scan3A_163 = arith.constant 2 : i32
        %scan3A_164 = arith.addi %scan3A_143, %scan3A_163 : i32
        %add3A_165 = vector.broadcast %scan3A_164 : i32 to vector<16xi32>
        %add3A_166 = arith.addi %iota3A, %add3A_165 : vector<16xi32>
        %and3A_167 = arith.constant 127 : i32
        %and3A_168 = vector.broadcast %and3A_167 : i32 to vector<16xi32>
        %and3A_169 = arith.andi %add3A_166, %and3A_168 : vector<16xi32>
        %gather3A_170 = tpu.vector_load_idx %arg11[%add3A_127, %and3A_169] : memref<192x128xf32, #tpu.memory_space<vmem>>[vector<16xi32>, vector<16xi32>], vector<16xf32>,
        %gather3A_171 = tpu.vector_load_idx %arg12[%add3A_127, %and3A_169] : memref<192x128xf32, #tpu.memory_space<vmem>>[vector<16xi32>, vector<16xi32>], vector<16xf32>,
        %mul3A_172 = arith.mulf %gather3A_170, %gather3A_171 : vector<16xf32>
        %add3A_173 = arith.addf %add3A_162, %mul3A_172 : vector<16xf32>
        %scan3A_174 = arith.constant 3 : i32
        %scan3A_175 = arith.addi %scan3A_143, %scan3A_174 : i32
        %add3A_176 = vector.broadcast %scan3A_175 : i32 to vector<16xi32>
        %add3A_177 = arith.addi %iota3A, %add3A_176 : vector<16xi32>
        %and3A_178 = arith.constant 127 : i32
        %and3A_179 = vector.broadcast %and3A_178 : i32 to vector<16xi32>
        %and3A_180 = arith.andi %add3A_177, %and3A_179 : vector<16xi32>
        %gather3A_181 = tpu.vector_load_idx %arg11[%add3A_127, %and3A_180] : memref<192x128xf32, #tpu.memory_space<vmem>>[vector<16xi32>, vector<16xi32>], vector<16xf32>,
        %gather3A_182 = tpu.vector_load_idx %arg12[%add3A_127, %and3A_180] : memref<192x128xf32, #tpu.memory_space<vmem>>[vector<16xi32>, vector<16xi32>], vector<16xf32>,
        %mul3A_183 = arith.mulf %gather3A_181, %gather3A_182 : vector<16xf32>
        %add3A_184 = arith.addf %add3A_173, %mul3A_183 : vector<16xf32>
        %scan3A_185 = arith.constant 4 : i32
        %scan3A_186 = arith.addi %scan3A_143, %scan3A_185 : i32
        %add3A_187 = vector.broadcast %scan3A_186 : i32 to vector<16xi32>
        %add3A_188 = arith.addi %iota3A, %add3A_187 : vector<16xi32>
        %and3A_189 = arith.constant 127 : i32
        %and3A_190 = vector.broadcast %and3A_189 : i32 to vector<16xi32>
        %and3A_191 = arith.andi %add3A_188, %and3A_190 : vector<16xi32>
        %gather3A_192 = tpu.vector_load_idx %arg11[%add3A_127, %and3A_191] : memref<192x128xf32, #tpu.memory_space<vmem>>[vector<16xi32>, vector<16xi32>], vector<16xf32>,
        %gather3A_193 = tpu.vector_load_idx %arg12[%add3A_127, %and3A_191] : memref<192x128xf32, #tpu.memory_space<vmem>>[vector<16xi32>, vector<16xi32>], vector<16xf32>,
        %mul3A_194 = arith.mulf %gather3A_192, %gather3A_193 : vector<16xf32>
        %add3A_195 = arith.addf %add3A_184, %mul3A_194 : vector<16xf32>
        %scan3A_196 = arith.constant 5 : i32
        %scan3A_197 = arith.addi %scan3A_143, %scan3A_196 : i32
        %add3A_198 = vector.broadcast %scan3A_197 : i32 to vector<16xi32>
        %add3A_199 = arith.addi %iota3A, %add3A_198 : vector<16xi32>
        %and3A_200 = arith.constant 127 : i32
        %and3A_201 = vector.broadcast %and3A_200 : i32 to vector<16xi32>
        %and3A_202 = arith.andi %add3A_199, %and3A_201 : vector<16xi32>
        %gather3A_203 = tpu.vector_load_idx %arg11[%add3A_127, %and3A_202] : memref<192x128xf32, #tpu.memory_space<vmem>>[vector<16xi32>, vector<16xi32>], vector<16xf32>,
        %gather3A_204 = tpu.vector_load_idx %arg12[%add3A_127, %and3A_202] : memref<192x128xf32, #tpu.memory_space<vmem>>[vector<16xi32>, vector<16xi32>], vector<16xf32>,
        %mul3A_205 = arith.mulf %gather3A_203, %gather3A_204 : vector<16xf32>
        %add3A_206 = arith.addf %add3A_195, %mul3A_205 : vector<16xf32>
        %scan3A_207 = arith.constant 6 : i32
        %scan3A_208 = arith.addi %scan3A_143, %scan3A_207 : i32
        %add3A_209 = vector.broadcast %scan3A_208 : i32 to vector<16xi32>
        %add3A_210 = arith.addi %iota3A, %add3A_209 : vector<16xi32>
        %and3A_211 = arith.constant 127 : i32
        %and3A_212 = vector.broadcast %and3A_211 : i32 to vector<16xi32>
        %and3A_213 = arith.andi %add3A_210, %and3A_212 : vector<16xi32>
        %gather3A_214 = tpu.vector_load_idx %arg11[%add3A_127, %and3A_213] : memref<192x128xf32, #tpu.memory_space<vmem>>[vector<16xi32>, vector<16xi32>], vector<16xf32>,
        %gather3A_215 = tpu.vector_load_idx %arg12[%add3A_127, %and3A_213] : memref<192x128xf32, #tpu.memory_space<vmem>>[vector<16xi32>, vector<16xi32>], vector<16xf32>,
        %mul3A_216 = arith.mulf %gather3A_214, %gather3A_215 : vector<16xf32>
        %add3A_217 = arith.addf %add3A_206, %mul3A_216 : vector<16xf32>
        %scan3A_218 = arith.constant 7 : i32
        %scan3A_219 = arith.addi %scan3A_143, %scan3A_218 : i32
        %add3A_220 = vector.broadcast %scan3A_219 : i32 to vector<16xi32>
        %add3A_221 = arith.addi %iota3A, %add3A_220 : vector<16xi32>
        %and3A_222 = arith.constant 127 : i32
        %and3A_223 = vector.broadcast %and3A_222 : i32 to vector<16xi32>
        %and3A_224 = arith.andi %add3A_221, %and3A_223 : vector<16xi32>
        %gather3A_225 = tpu.vector_load_idx %arg11[%add3A_127, %and3A_224] : memref<192x128xf32, #tpu.memory_space<vmem>>[vector<16xi32>, vector<16xi32>], vector<16xf32>,
        %gather3A_226 = tpu.vector_load_idx %arg12[%add3A_127, %and3A_224] : memref<192x128xf32, #tpu.memory_space<vmem>>[vector<16xi32>, vector<16xi32>], vector<16xf32>,
        %mul3A_227 = arith.mulf %gather3A_225, %gather3A_226 : vector<16xf32>
        %add3A_228 = arith.addf %add3A_217, %mul3A_227 : vector<16xf32>
        %scan3A_229 = arith.constant 8 : i32
        %scan3A_230 = arith.addi %scan3A_143, %scan3A_229 : i32
        %add3A_231 = vector.broadcast %scan3A_230 : i32 to vector<16xi32>
        %add3A_232 = arith.addi %iota3A, %add3A_231 : vector<16xi32>
        %and3A_233 = arith.constant 127 : i32
        %and3A_234 = vector.broadcast %and3A_233 : i32 to vector<16xi32>
        %and3A_235 = arith.andi %add3A_232, %and3A_234 : vector<16xi32>
        %gather3A_236 = tpu.vector_load_idx %arg11[%add3A_127, %and3A_235] : memref<192x128xf32, #tpu.memory_space<vmem>>[vector<16xi32>, vector<16xi32>], vector<16xf32>,
        %gather3A_237 = tpu.vector_load_idx %arg12[%add3A_127, %and3A_235] : memref<192x128xf32, #tpu.memory_space<vmem>>[vector<16xi32>, vector<16xi32>], vector<16xf32>,
        %mul3A_238 = arith.mulf %gather3A_236, %gather3A_237 : vector<16xf32>
        %add3A_239 = arith.addf %add3A_228, %mul3A_238 : vector<16xf32>
        %scan3A_240 = arith.constant 9 : i32
        %scan3A_241 = arith.addi %scan3A_143, %scan3A_240 : i32
        %add3A_242 = vector.broadcast %scan3A_241 : i32 to vector<16xi32>
        %add3A_243 = arith.addi %iota3A, %add3A_242 : vector<16xi32>
        %and3A_244 = arith.constant 127 : i32
        %and3A_245 = vector.broadcast %and3A_244 : i32 to vector<16xi32>
        %and3A_246 = arith.andi %add3A_243, %and3A_245 : vector<16xi32>
        %gather3A_247 = tpu.vector_load_idx %arg11[%add3A_127, %and3A_246] : memref<192x128xf32, #tpu.memory_space<vmem>>[vector<16xi32>, vector<16xi32>], vector<16xf32>,
        %gather3A_248 = tpu.vector_load_idx %arg12[%add3A_127, %and3A_246] : memref<192x128xf32, #tpu.memory_space<vmem>>[vector<16xi32>, vector<16xi32>], vector<16xf32>,
        %mul3A_249 = arith.mulf %gather3A_247, %gather3A_248 : vector<16xf32>
        %add3A_250 = arith.addf %add3A_239, %mul3A_249 : vector<16xf32>
        %scan3A_251 = arith.constant 10 : i32
        %scan3A_252 = arith.addi %scan3A_143, %scan3A_251 : i32
        %add3A_253 = vector.broadcast %scan3A_252 : i32 to vector<16xi32>
        %add3A_254 = arith.addi %iota3A, %add3A_253 : vector<16xi32>
        %and3A_255 = arith.constant 127 : i32
        %and3A_256 = vector.broadcast %and3A_255 : i32 to vector<16xi32>
        %and3A_257 = arith.andi %add3A_254, %and3A_256 : vector<16xi32>
        %gather3A_258 = tpu.vector_load_idx %arg11[%add3A_127, %and3A_257] : memref<192x128xf32, #tpu.memory_space<vmem>>[vector<16xi32>, vector<16xi32>], vector<16xf32>,
        %gather3A_259 = tpu.vector_load_idx %arg12[%add3A_127, %and3A_257] : memref<192x128xf32, #tpu.memory_space<vmem>>[vector<16xi32>, vector<16xi32>], vector<16xf32>,
        %mul3A_260 = arith.mulf %gather3A_258, %gather3A_259 : vector<16xf32>
        %add3A_261 = arith.addf %add3A_250, %mul3A_260 : vector<16xf32>
        %scan3A_262 = arith.constant 11 : i32
        %scan3A_263 = arith.addi %scan3A_143, %scan3A_262 : i32
        %add3A_264 = vector.broadcast %scan3A_263 : i32 to vector<16xi32>
        %add3A_265 = arith.addi %iota3A, %add3A_264 : vector<16xi32>
        %and3A_266 = arith.constant 127 : i32
        %and3A_267 = vector.broadcast %and3A_266 : i32 to vector<16xi32>
        %and3A_268 = arith.andi %add3A_265, %and3A_267 : vector<16xi32>
        %gather3A_269 = tpu.vector_load_idx %arg11[%add3A_127, %and3A_268] : memref<192x128xf32, #tpu.memory_space<vmem>>[vector<16xi32>, vector<16xi32>], vector<16xf32>,
        %gather3A_270 = tpu.vector_load_idx %arg12[%add3A_127, %and3A_268] : memref<192x128xf32, #tpu.memory_space<vmem>>[vector<16xi32>, vector<16xi32>], vector<16xf32>,
        %mul3A_271 = arith.mulf %gather3A_269, %gather3A_270 : vector<16xf32>
        %add3A_272 = arith.addf %add3A_261, %mul3A_271 : vector<16xf32>
        %scan3A_273 = arith.constant 12 : i32
        %scan3A_274 = arith.addi %scan3A_143, %scan3A_273 : i32
        %add3A_275 = vector.broadcast %scan3A_274 : i32 to vector<16xi32>
        %add3A_276 = arith.addi %iota3A, %add3A_275 : vector<16xi32>
        %and3A_277 = arith.constant 127 : i32
        %and3A_278 = vector.broadcast %and3A_277 : i32 to vector<16xi32>
        %and3A_279 = arith.andi %add3A_276, %and3A_278 : vector<16xi32>
        %gather3A_280 = tpu.vector_load_idx %arg11[%add3A_127, %and3A_279] : memref<192x128xf32, #tpu.memory_space<vmem>>[vector<16xi32>, vector<16xi32>], vector<16xf32>,
        %gather3A_281 = tpu.vector_load_idx %arg12[%add3A_127, %and3A_279] : memref<192x128xf32, #tpu.memory_space<vmem>>[vector<16xi32>, vector<16xi32>], vector<16xf32>,
        %mul3A_282 = arith.mulf %gather3A_280, %gather3A_281 : vector<16xf32>
        %add3A_283 = arith.addf %add3A_272, %mul3A_282 : vector<16xf32>
        %scan3A_284 = arith.constant 13 : i32
        %scan3A_285 = arith.addi %scan3A_143, %scan3A_284 : i32
        %add3A_286 = vector.broadcast %scan3A_285 : i32 to vector<16xi32>
        %add3A_287 = arith.addi %iota3A, %add3A_286 : vector<16xi32>
        %and3A_288 = arith.constant 127 : i32
        %and3A_289 = vector.broadcast %and3A_288 : i32 to vector<16xi32>
        %and3A_290 = arith.andi %add3A_287, %and3A_289 : vector<16xi32>
        %gather3A_291 = tpu.vector_load_idx %arg11[%add3A_127, %and3A_290] : memref<192x128xf32, #tpu.memory_space<vmem>>[vector<16xi32>, vector<16xi32>], vector<16xf32>,
        %gather3A_292 = tpu.vector_load_idx %arg12[%add3A_127, %and3A_290] : memref<192x128xf32, #tpu.memory_space<vmem>>[vector<16xi32>, vector<16xi32>], vector<16xf32>,
        %mul3A_293 = arith.mulf %gather3A_291, %gather3A_292 : vector<16xf32>
        %add3A_294 = arith.addf %add3A_283, %mul3A_293 : vector<16xf32>
        %scan3A_295 = arith.constant 14 : i32
        %scan3A_296 = arith.addi %scan3A_143, %scan3A_295 : i32
        %add3A_297 = vector.broadcast %scan3A_296 : i32 to vector<16xi32>
        %add3A_298 = arith.addi %iota3A, %add3A_297 : vector<16xi32>
        %and3A_299 = arith.constant 127 : i32
        %and3A_300 = vector.broadcast %and3A_299 : i32 to vector<16xi32>
        %and3A_301 = arith.andi %add3A_298, %and3A_300 : vector<16xi32>
        %gather3A_302 = tpu.vector_load_idx %arg11[%add3A_127, %and3A_301] : memref<192x128xf32, #tpu.memory_space<vmem>>[vector<16xi32>, vector<16xi32>], vector<16xf32>,
        %gather3A_303 = tpu.vector_load_idx %arg12[%add3A_127, %and3A_301] : memref<192x128xf32, #tpu.memory_space<vmem>>[vector<16xi32>, vector<16xi32>], vector<16xf32>,
        %mul3A_304 = arith.mulf %gather3A_302, %gather3A_303 : vector<16xf32>
        %add3A_305 = arith.addf %add3A_294, %mul3A_304 : vector<16xf32>
        %scan3A_306 = arith.constant 15 : i32
        %scan3A_307 = arith.addi %scan3A_143, %scan3A_306 : i32
        %add3A_308 = vector.broadcast %scan3A_307 : i32 to vector<16xi32>
        %add3A_309 = arith.addi %iota3A, %add3A_308 : vector<16xi32>
        %and3A_310 = arith.constant 127 : i32
        %and3A_311 = vector.broadcast %and3A_310 : i32 to vector<16xi32>
        %and3A_312 = arith.andi %add3A_309, %and3A_311 : vector<16xi32>
        %gather3A_313 = tpu.vector_load_idx %arg11[%add3A_127, %and3A_312] : memref<192x128xf32, #tpu.memory_space<vmem>>[vector<16xi32>, vector<16xi32>], vector<16xf32>,
        %gather3A_314 = tpu.vector_load_idx %arg12[%add3A_127, %and3A_312] : memref<192x128xf32, #tpu.memory_space<vmem>>[vector<16xi32>, vector<16xi32>], vector<16xf32>,
        %mul3A_315 = arith.mulf %gather3A_313, %gather3A_314 : vector<16xf32>
        %add3A_316 = arith.addf %add3A_305, %mul3A_315 : vector<16xf32>
        scf.yield %add3A_316 : vector<16xf32>
      }
      %scan3A_135 = arith.constant 128 : i32
      %add3A_136 = arith.addf %scan3A_134, %get3A_11 : vector<16xf32>
      %mul3A_137 = arith.constant 16 : i32
      %mul3A_138 = arith.muli %add3A_123, %mul3A_137 : i32
      %add3A_139 = arith.constant 9792 : i32
      %add3A_140 = arith.addi %add3A_139, %mul3A_138 : i32
      %swap3A_141 = arith.index_cast %add3A_140 : i32 to index
      %swap3A_142 = tpu.vector_load %arg13[%swap3A_141] {strides = array<i32>} : memref<10000xf32, #tpu.memory_space<vmem>>, vector<16xf32>,
      tpu.vector_store %arg13[%swap3A_141], %add3A_136 {strides = array<i32>} : memref<10000xf32, #tpu.memory_space<vmem>>, vector<16xf32>,
    }
    %scan3A_85 = arith.constant 12 : i32
    %dma_wait3A_86 = arith.constant 0 : i32
    %dma_wait3A_87 = arith.constant 0 : i32
    %dma_wait3A_88 = tpu.memref_slice %arg9[%dma_wait3A_86, %dma_wait3A_87] : memref<192x128xf32, #tpu.memory_space<vmem>> -> memref<16x128xf32, #tpu.memory_space<vmem>>
    %dma_wait3A_89 = arith.constant 0 : i32
    %dma_wait3A_90 = arith.constant 0 : i32
    %dma_wait3A_91 = tpu.memref_slice %arg2[%dma_wait3A_89, %dma_wait3A_90] : memref<10000x128xf32, #tpu.memory_space<hbm>> -> memref<16x128xf32, #tpu.memory_space<hbm>>
    %dma_wait3A_92 = arith.constant 0 : i32
    %dma_wait3A_93 = arith.constant 0 : i32
    %dma_wait3A_94 = tpu.memref_slice %arg9[%dma_wait3A_92, %dma_wait3A_93] : memref<192x128xf32, #tpu.memory_space<vmem>> -> memref<16x128xf32, #tpu.memory_space<vmem>>
    %dma_wait3A_95 = arith.constant 0 : i32
    %dma_wait3A_96 = arith.constant 0 : i32
    %dma_wait3A_97 = tpu.memref_slice %arg2[%dma_wait3A_95, %dma_wait3A_96] : memref<10000x128xf32, #tpu.memory_space<hbm>> -> memref<16x128xf32, #tpu.memory_space<hbm>>
    tpu.wait_dma2 semaphore(%arg15 : memref<!tpu.dma_semaphore, #tpu.memory_space<semaphore_mem>>) src(%dma_wait3A_97 : memref<16x128xf32, #tpu.memory_space<hbm>>) dst(%dma_wait3A_94 : memref<16x128xf32, #tpu.memory_space<vmem>>)
    %dma_wait3A_98 = arith.constant 0 : i32
    %dma_wait3A_99 = arith.constant 0 : i32
    %dma_wait3A_100 = tpu.memref_slice %arg10[%dma_wait3A_98, %dma_wait3A_99] : memref<192x128xf32, #tpu.memory_space<vmem>> -> memref<16x128xf32, #tpu.memory_space<vmem>>
    %dma_wait3A_101 = arith.constant 0 : i32
    %dma_wait3A_102 = arith.constant 0 : i32
    %dma_wait3A_103 = tpu.memref_slice %arg3[%dma_wait3A_101, %dma_wait3A_102] : memref<10000x128xf32, #tpu.memory_space<hbm>> -> memref<16x128xf32, #tpu.memory_space<hbm>>
    %dma_wait3A_104 = arith.constant 0 : i32
    %dma_wait3A_105 = arith.constant 0 : i32
    %dma_wait3A_106 = tpu.memref_slice %arg10[%dma_wait3A_104, %dma_wait3A_105] : memref<192x128xf32, #tpu.memory_space<vmem>> -> memref<16x128xf32, #tpu.memory_space<vmem>>
    %dma_wait3A_107 = arith.constant 0 : i32
    %dma_wait3A_108 = arith.constant 0 : i32
    %dma_wait3A_109 = tpu.memref_slice %arg3[%dma_wait3A_107, %dma_wait3A_108] : memref<10000x128xf32, #tpu.memory_space<hbm>> -> memref<16x128xf32, #tpu.memory_space<hbm>>
    tpu.wait_dma2 semaphore(%arg15 : memref<!tpu.dma_semaphore, #tpu.memory_space<semaphore_mem>>) src(%dma_wait3A_109 : memref<16x128xf32, #tpu.memory_space<hbm>>) dst(%dma_wait3A_106 : memref<16x128xf32, #tpu.memory_space<vmem>>)
    %broadcast_in_dim3A = arith.constant 0.000000e+00 : f32
    %broadcast_in_dim3A_110 = vector.broadcast %broadcast_in_dim3A : f32 to vector<16xf32>
    %scan3A_111 = arith.constant 0 : i32
    %scan3A_112 = arith.constant 128 : i32
    %scan3A_113 = arith.addi %scan3A_111, %scan3A_112 : i32
    %scan3A_114 = arith.constant 16 : i32
    %scan3A_115 = scf.for %scan3A_119 = %scan3A_111 to %scan3A_113 step %scan3A_114 iter_args(%scan3A_120 = %broadcast_in_dim3A_110) -> (vector<16xf32>)  : i32 {
      %add3A_121 = vector.broadcast %scan3A_119 : i32 to vector<16xi32>
      %add3A_122 = arith.addi %iota3A, %add3A_121 : vector<16xi32>
      %and3A = arith.constant 127 : i32
      %and3A_123 = vector.broadcast %and3A : i32 to vector<16xi32>
      %and3A_124 = arith.andi %add3A_122, %and3A_123 : vector<16xi32>
      %gather3A = tpu.vector_load_idx %arg9[%iota3A, %and3A_124] : memref<192x128xf32, #tpu.memory_space<vmem>>[vector<16xi32>, vector<16xi32>], vector<16xf32>,
      %gather3A_125 = tpu.vector_load_idx %arg10[%iota3A, %and3A_124] : memref<192x128xf32, #tpu.memory_space<vmem>>[vector<16xi32>, vector<16xi32>], vector<16xf32>,
      %mul3A_126 = arith.mulf %gather3A, %gather3A_125 : vector<16xf32>
      %add3A_127 = arith.addf %scan3A_120, %mul3A_126 : vector<16xf32>
      %scan3A_128 = arith.constant 1 : i32
      %scan3A_129 = arith.addi %scan3A_119, %scan3A_128 : i32
      %add3A_130 = vector.broadcast %scan3A_129 : i32 to vector<16xi32>
      %add3A_131 = arith.addi %iota3A, %add3A_130 : vector<16xi32>
      %and3A_132 = arith.constant 127 : i32
      %and3A_133 = vector.broadcast %and3A_132 : i32 to vector<16xi32>
      %and3A_134 = arith.andi %add3A_131, %and3A_133 : vector<16xi32>
      %gather3A_135 = tpu.vector_load_idx %arg9[%iota3A, %and3A_134] : memref<192x128xf32, #tpu.memory_space<vmem>>[vector<16xi32>, vector<16xi32>], vector<16xf32>,
      %gather3A_136 = tpu.vector_load_idx %arg10[%iota3A, %and3A_134] : memref<192x128xf32, #tpu.memory_space<vmem>>[vector<16xi32>, vector<16xi32>], vector<16xf32>,
      %mul3A_137 = arith.mulf %gather3A_135, %gather3A_136 : vector<16xf32>
      %add3A_138 = arith.addf %add3A_127, %mul3A_137 : vector<16xf32>
      %scan3A_139 = arith.constant 2 : i32
      %scan3A_140 = arith.addi %scan3A_119, %scan3A_139 : i32
      %add3A_141 = vector.broadcast %scan3A_140 : i32 to vector<16xi32>
      %add3A_142 = arith.addi %iota3A, %add3A_141 : vector<16xi32>
      %and3A_143 = arith.constant 127 : i32
      %and3A_144 = vector.broadcast %and3A_143 : i32 to vector<16xi32>
      %and3A_145 = arith.andi %add3A_142, %and3A_144 : vector<16xi32>
      %gather3A_146 = tpu.vector_load_idx %arg9[%iota3A, %and3A_145] : memref<192x128xf32, #tpu.memory_space<vmem>>[vector<16xi32>, vector<16xi32>], vector<16xf32>,
      %gather3A_147 = tpu.vector_load_idx %arg10[%iota3A, %and3A_145] : memref<192x128xf32, #tpu.memory_space<vmem>>[vector<16xi32>, vector<16xi32>], vector<16xf32>,
      %mul3A_148 = arith.mulf %gather3A_146, %gather3A_147 : vector<16xf32>
      %add3A_149 = arith.addf %add3A_138, %mul3A_148 : vector<16xf32>
      %scan3A_150 = arith.constant 3 : i32
      %scan3A_151 = arith.addi %scan3A_119, %scan3A_150 : i32
      %add3A_152 = vector.broadcast %scan3A_151 : i32 to vector<16xi32>
      %add3A_153 = arith.addi %iota3A, %add3A_152 : vector<16xi32>
      %and3A_154 = arith.constant 127 : i32
      %and3A_155 = vector.broadcast %and3A_154 : i32 to vector<16xi32>
      %and3A_156 = arith.andi %add3A_153, %and3A_155 : vector<16xi32>
      %gather3A_157 = tpu.vector_load_idx %arg9[%iota3A, %and3A_156] : memref<192x128xf32, #tpu.memory_space<vmem>>[vector<16xi32>, vector<16xi32>], vector<16xf32>,
      %gather3A_158 = tpu.vector_load_idx %arg10[%iota3A, %and3A_156] : memref<192x128xf32, #tpu.memory_space<vmem>>[vector<16xi32>, vector<16xi32>], vector<16xf32>,
      %mul3A_159 = arith.mulf %gather3A_157, %gather3A_158 : vector<16xf32>
      %add3A_160 = arith.addf %add3A_149, %mul3A_159 : vector<16xf32>
      %scan3A_161 = arith.constant 4 : i32
      %scan3A_162 = arith.addi %scan3A_119, %scan3A_161 : i32
      %add3A_163 = vector.broadcast %scan3A_162 : i32 to vector<16xi32>
      %add3A_164 = arith.addi %iota3A, %add3A_163 : vector<16xi32>
      %and3A_165 = arith.constant 127 : i32
      %and3A_166 = vector.broadcast %and3A_165 : i32 to vector<16xi32>
      %and3A_167 = arith.andi %add3A_164, %and3A_166 : vector<16xi32>
      %gather3A_168 = tpu.vector_load_idx %arg9[%iota3A, %and3A_167] : memref<192x128xf32, #tpu.memory_space<vmem>>[vector<16xi32>, vector<16xi32>], vector<16xf32>,
      %gather3A_169 = tpu.vector_load_idx %arg10[%iota3A, %and3A_167] : memref<192x128xf32, #tpu.memory_space<vmem>>[vector<16xi32>, vector<16xi32>], vector<16xf32>,
      %mul3A_170 = arith.mulf %gather3A_168, %gather3A_169 : vector<16xf32>
      %add3A_171 = arith.addf %add3A_160, %mul3A_170 : vector<16xf32>
      %scan3A_172 = arith.constant 5 : i32
      %scan3A_173 = arith.addi %scan3A_119, %scan3A_172 : i32
      %add3A_174 = vector.broadcast %scan3A_173 : i32 to vector<16xi32>
      %add3A_175 = arith.addi %iota3A, %add3A_174 : vector<16xi32>
      %and3A_176 = arith.constant 127 : i32
      %and3A_177 = vector.broadcast %and3A_176 : i32 to vector<16xi32>
      %and3A_178 = arith.andi %add3A_175, %and3A_177 : vector<16xi32>
      %gather3A_179 = tpu.vector_load_idx %arg9[%iota3A, %and3A_178] : memref<192x128xf32, #tpu.memory_space<vmem>>[vector<16xi32>, vector<16xi32>], vector<16xf32>,
      %gather3A_180 = tpu.vector_load_idx %arg10[%iota3A, %and3A_178] : memref<192x128xf32, #tpu.memory_space<vmem>>[vector<16xi32>, vector<16xi32>], vector<16xf32>,
      %mul3A_181 = arith.mulf %gather3A_179, %gather3A_180 : vector<16xf32>
      %add3A_182 = arith.addf %add3A_171, %mul3A_181 : vector<16xf32>
      %scan3A_183 = arith.constant 6 : i32
      %scan3A_184 = arith.addi %scan3A_119, %scan3A_183 : i32
      %add3A_185 = vector.broadcast %scan3A_184 : i32 to vector<16xi32>
      %add3A_186 = arith.addi %iota3A, %add3A_185 : vector<16xi32>
      %and3A_187 = arith.constant 127 : i32
      %and3A_188 = vector.broadcast %and3A_187 : i32 to vector<16xi32>
      %and3A_189 = arith.andi %add3A_186, %and3A_188 : vector<16xi32>
      %gather3A_190 = tpu.vector_load_idx %arg9[%iota3A, %and3A_189] : memref<192x128xf32, #tpu.memory_space<vmem>>[vector<16xi32>, vector<16xi32>], vector<16xf32>,
      %gather3A_191 = tpu.vector_load_idx %arg10[%iota3A, %and3A_189] : memref<192x128xf32, #tpu.memory_space<vmem>>[vector<16xi32>, vector<16xi32>], vector<16xf32>,
      %mul3A_192 = arith.mulf %gather3A_190, %gather3A_191 : vector<16xf32>
      %add3A_193 = arith.addf %add3A_182, %mul3A_192 : vector<16xf32>
      %scan3A_194 = arith.constant 7 : i32
      %scan3A_195 = arith.addi %scan3A_119, %scan3A_194 : i32
      %add3A_196 = vector.broadcast %scan3A_195 : i32 to vector<16xi32>
      %add3A_197 = arith.addi %iota3A, %add3A_196 : vector<16xi32>
      %and3A_198 = arith.constant 127 : i32
      %and3A_199 = vector.broadcast %and3A_198 : i32 to vector<16xi32>
      %and3A_200 = arith.andi %add3A_197, %and3A_199 : vector<16xi32>
      %gather3A_201 = tpu.vector_load_idx %arg9[%iota3A, %and3A_200] : memref<192x128xf32, #tpu.memory_space<vmem>>[vector<16xi32>, vector<16xi32>], vector<16xf32>,
      %gather3A_202 = tpu.vector_load_idx %arg10[%iota3A, %and3A_200] : memref<192x128xf32, #tpu.memory_space<vmem>>[vector<16xi32>, vector<16xi32>], vector<16xf32>,
      %mul3A_203 = arith.mulf %gather3A_201, %gather3A_202 : vector<16xf32>
      %add3A_204 = arith.addf %add3A_193, %mul3A_203 : vector<16xf32>
      %scan3A_205 = arith.constant 8 : i32
      %scan3A_206 = arith.addi %scan3A_119, %scan3A_205 : i32
      %add3A_207 = vector.broadcast %scan3A_206 : i32 to vector<16xi32>
      %add3A_208 = arith.addi %iota3A, %add3A_207 : vector<16xi32>
      %and3A_209 = arith.constant 127 : i32
      %and3A_210 = vector.broadcast %and3A_209 : i32 to vector<16xi32>
      %and3A_211 = arith.andi %add3A_208, %and3A_210 : vector<16xi32>
      %gather3A_212 = tpu.vector_load_idx %arg9[%iota3A, %and3A_211] : memref<192x128xf32, #tpu.memory_space<vmem>>[vector<16xi32>, vector<16xi32>], vector<16xf32>,
      %gather3A_213 = tpu.vector_load_idx %arg10[%iota3A, %and3A_211] : memref<192x128xf32, #tpu.memory_space<vmem>>[vector<16xi32>, vector<16xi32>], vector<16xf32>,
      %mul3A_214 = arith.mulf %gather3A_212, %gather3A_213 : vector<16xf32>
      %add3A_215 = arith.addf %add3A_204, %mul3A_214 : vector<16xf32>
      %scan3A_216 = arith.constant 9 : i32
      %scan3A_217 = arith.addi %scan3A_119, %scan3A_216 : i32
      %add3A_218 = vector.broadcast %scan3A_217 : i32 to vector<16xi32>
      %add3A_219 = arith.addi %iota3A, %add3A_218 : vector<16xi32>
      %and3A_220 = arith.constant 127 : i32
      %and3A_221 = vector.broadcast %and3A_220 : i32 to vector<16xi32>
      %and3A_222 = arith.andi %add3A_219, %and3A_221 : vector<16xi32>
      %gather3A_223 = tpu.vector_load_idx %arg9[%iota3A, %and3A_222] : memref<192x128xf32, #tpu.memory_space<vmem>>[vector<16xi32>, vector<16xi32>], vector<16xf32>,
      %gather3A_224 = tpu.vector_load_idx %arg10[%iota3A, %and3A_222] : memref<192x128xf32, #tpu.memory_space<vmem>>[vector<16xi32>, vector<16xi32>], vector<16xf32>,
      %mul3A_225 = arith.mulf %gather3A_223, %gather3A_224 : vector<16xf32>
      %add3A_226 = arith.addf %add3A_215, %mul3A_225 : vector<16xf32>
      %scan3A_227 = arith.constant 10 : i32
      %scan3A_228 = arith.addi %scan3A_119, %scan3A_227 : i32
      %add3A_229 = vector.broadcast %scan3A_228 : i32 to vector<16xi32>
      %add3A_230 = arith.addi %iota3A, %add3A_229 : vector<16xi32>
      %and3A_231 = arith.constant 127 : i32
      %and3A_232 = vector.broadcast %and3A_231 : i32 to vector<16xi32>
      %and3A_233 = arith.andi %add3A_230, %and3A_232 : vector<16xi32>
      %gather3A_234 = tpu.vector_load_idx %arg9[%iota3A, %and3A_233] : memref<192x128xf32, #tpu.memory_space<vmem>>[vector<16xi32>, vector<16xi32>], vector<16xf32>,
      %gather3A_235 = tpu.vector_load_idx %arg10[%iota3A, %and3A_233] : memref<192x128xf32, #tpu.memory_space<vmem>>[vector<16xi32>, vector<16xi32>], vector<16xf32>,
      %mul3A_236 = arith.mulf %gather3A_234, %gather3A_235 : vector<16xf32>
      %add3A_237 = arith.addf %add3A_226, %mul3A_236 : vector<16xf32>
      %scan3A_238 = arith.constant 11 : i32
      %scan3A_239 = arith.addi %scan3A_119, %scan3A_238 : i32
      %add3A_240 = vector.broadcast %scan3A_239 : i32 to vector<16xi32>
      %add3A_241 = arith.addi %iota3A, %add3A_240 : vector<16xi32>
      %and3A_242 = arith.constant 127 : i32
      %and3A_243 = vector.broadcast %and3A_242 : i32 to vector<16xi32>
      %and3A_244 = arith.andi %add3A_241, %and3A_243 : vector<16xi32>
      %gather3A_245 = tpu.vector_load_idx %arg9[%iota3A, %and3A_244] : memref<192x128xf32, #tpu.memory_space<vmem>>[vector<16xi32>, vector<16xi32>], vector<16xf32>,
      %gather3A_246 = tpu.vector_load_idx %arg10[%iota3A, %and3A_244] : memref<192x128xf32, #tpu.memory_space<vmem>>[vector<16xi32>, vector<16xi32>], vector<16xf32>,
      %mul3A_247 = arith.mulf %gather3A_245, %gather3A_246 : vector<16xf32>
      %add3A_248 = arith.addf %add3A_237, %mul3A_247 : vector<16xf32>
      %scan3A_249 = arith.constant 12 : i32
      %scan3A_250 = arith.addi %scan3A_119, %scan3A_249 : i32
      %add3A_251 = vector.broadcast %scan3A_250 : i32 to vector<16xi32>
      %add3A_252 = arith.addi %iota3A, %add3A_251 : vector<16xi32>
      %and3A_253 = arith.constant 127 : i32
      %and3A_254 = vector.broadcast %and3A_253 : i32 to vector<16xi32>
      %and3A_255 = arith.andi %add3A_252, %and3A_254 : vector<16xi32>
      %gather3A_256 = tpu.vector_load_idx %arg9[%iota3A, %and3A_255] : memref<192x128xf32, #tpu.memory_space<vmem>>[vector<16xi32>, vector<16xi32>], vector<16xf32>,
      %gather3A_257 = tpu.vector_load_idx %arg10[%iota3A, %and3A_255] : memref<192x128xf32, #tpu.memory_space<vmem>>[vector<16xi32>, vector<16xi32>], vector<16xf32>,
      %mul3A_258 = arith.mulf %gather3A_256, %gather3A_257 : vector<16xf32>
      %add3A_259 = arith.addf %add3A_248, %mul3A_258 : vector<16xf32>
      %scan3A_260 = arith.constant 13 : i32
      %scan3A_261 = arith.addi %scan3A_119, %scan3A_260 : i32
      %add3A_262 = vector.broadcast %scan3A_261 : i32 to vector<16xi32>
      %add3A_263 = arith.addi %iota3A, %add3A_262 : vector<16xi32>
      %and3A_264 = arith.constant 127 : i32
      %and3A_265 = vector.broadcast %and3A_264 : i32 to vector<16xi32>
      %and3A_266 = arith.andi %add3A_263, %and3A_265 : vector<16xi32>
      %gather3A_267 = tpu.vector_load_idx %arg9[%iota3A, %and3A_266] : memref<192x128xf32, #tpu.memory_space<vmem>>[vector<16xi32>, vector<16xi32>], vector<16xf32>,
      %gather3A_268 = tpu.vector_load_idx %arg10[%iota3A, %and3A_266] : memref<192x128xf32, #tpu.memory_space<vmem>>[vector<16xi32>, vector<16xi32>], vector<16xf32>,
      %mul3A_269 = arith.mulf %gather3A_267, %gather3A_268 : vector<16xf32>
      %add3A_270 = arith.addf %add3A_259, %mul3A_269 : vector<16xf32>
      %scan3A_271 = arith.constant 14 : i32
      %scan3A_272 = arith.addi %scan3A_119, %scan3A_271 : i32
      %add3A_273 = vector.broadcast %scan3A_272 : i32 to vector<16xi32>
      %add3A_274 = arith.addi %iota3A, %add3A_273 : vector<16xi32>
      %and3A_275 = arith.constant 127 : i32
      %and3A_276 = vector.broadcast %and3A_275 : i32 to vector<16xi32>
      %and3A_277 = arith.andi %add3A_274, %and3A_276 : vector<16xi32>
      %gather3A_278 = tpu.vector_load_idx %arg9[%iota3A, %and3A_277] : memref<192x128xf32, #tpu.memory_space<vmem>>[vector<16xi32>, vector<16xi32>], vector<16xf32>,
      %gather3A_279 = tpu.vector_load_idx %arg10[%iota3A, %and3A_277] : memref<192x128xf32, #tpu.memory_space<vmem>>[vector<16xi32>, vector<16xi32>], vector<16xf32>,
      %mul3A_280 = arith.mulf %gather3A_278, %gather3A_279 : vector<16xf32>
      %add3A_281 = arith.addf %add3A_270, %mul3A_280 : vector<16xf32>
      %scan3A_282 = arith.constant 15 : i32
      %scan3A_283 = arith.addi %scan3A_119, %scan3A_282 : i32
      %add3A_284 = vector.broadcast %scan3A_283 : i32 to vector<16xi32>
      %add3A_285 = arith.addi %iota3A, %add3A_284 : vector<16xi32>
      %and3A_286 = arith.constant 127 : i32
      %and3A_287 = vector.broadcast %and3A_286 : i32 to vector<16xi32>
      %and3A_288 = arith.andi %add3A_285, %and3A_287 : vector<16xi32>
      %gather3A_289 = tpu.vector_load_idx %arg9[%iota3A, %and3A_288] : memref<192x128xf32, #tpu.memory_space<vmem>>[vector<16xi32>, vector<16xi32>], vector<16xf32>,
      %gather3A_290 = tpu.vector_load_idx %arg10[%iota3A, %and3A_288] : memref<192x128xf32, #tpu.memory_space<vmem>>[vector<16xi32>, vector<16xi32>], vector<16xf32>,
      %mul3A_291 = arith.mulf %gather3A_289, %gather3A_290 : vector<16xf32>
      %add3A_292 = arith.addf %add3A_281, %mul3A_291 : vector<16xf32>
      scf.yield %add3A_292 : vector<16xf32>
    }
    %scan3A_116 = arith.constant 128 : i32
    %add3A_117 = arith.addf %scan3A_115, %get3A_11 : vector<16xf32>
    %swap3A = arith.constant 9984 : index
    %swap3A_118 = tpu.vector_load %arg13[%swap3A] {strides = array<i32>} : memref<10000xf32, #tpu.memory_space<vmem>>, vector<16xf32>,
    tpu.vector_store %arg13[%swap3A], %add3A_117 {strides = array<i32>} : memref<10000xf32, #tpu.memory_space<vmem>>, vector<16xf32>,
    "tpu.region"() ({
      %run_scoped3A = tpu.sem_alloc : memref<!tpu.dma_semaphore, #tpu.memory_space<semaphore_mem>>
      %dma_start3A_119 = tpu.memref_slice %arg6[%mul3A_2] : memref<320000xf32, #tpu.memory_space<hbm>> -> memref<10000xf32, #tpu.memory_space<hbm>>
      %dma_start3A_120 = tpu.memref_slice %arg6[%mul3A_2] : memref<320000xf32, #tpu.memory_space<hbm>> -> memref<10000xf32, #tpu.memory_space<hbm>>
      tpu.enqueue_dma source(%arg13 : memref<10000xf32, #tpu.memory_space<vmem>>) target(%dma_start3A_120 : memref<10000xf32, #tpu.memory_space<hbm>>) target_semaphore(%run_scoped3A : memref<!tpu.dma_semaphore, #tpu.memory_space<semaphore_mem>>)
      %dma_wait3A_121 = tpu.memref_slice %arg6[%mul3A_2] : memref<320000xf32, #tpu.memory_space<hbm>> -> memref<10000xf32, #tpu.memory_space<hbm>>
      %dma_wait3A_122 = tpu.memref_slice %arg6[%mul3A_2] : memref<320000xf32, #tpu.memory_space<hbm>> -> memref<10000xf32, #tpu.memory_space<hbm>>
      tpu.wait_dma2 semaphore(%run_scoped3A : memref<!tpu.dma_semaphore, #tpu.memory_space<semaphore_mem>>) src(%arg13 : memref<10000xf32, #tpu.memory_space<vmem>>) dst(%dma_wait3A_122 : memref<10000xf32, #tpu.memory_space<hbm>>)
      tpu.yield
    }) : () -> ()
    return
  }
}

module attributes {stable_mosaic.version = 14 : i64} {
  func.func @_norm_body(%arg0: i32, %arg1: memref<1x2xf32, #tpu.memory_space<smem>>, %arg2: memref<1000x128xf32, #tpu.memory_space<vmem>>, %arg3: memref<1000x128xf32, #tpu.memory_space<vmem>>, %arg4: memref<1000x128xf32, #tpu.memory_space<vmem>>, %arg5: memref<1000x128xf32, #tpu.memory_space<vmem>>) attributes {dimension_semantics = [#tpu.dimension_semantics<arbitrary>], iteration_bounds = array<i64: 10>, scalar_prefetch = 0 : i64, scratch_operands = 0 : i64, tpu.core_type = #tpu.core_type<tc>, window_params = [{transform_indices = @transform_0, window_bounds = array<i64: 1, 2>}, {transform_indices = @transform_1, window_bounds = array<i64: 1000, 128>}, {transform_indices = @transform_2, window_bounds = array<i64: 1000, 128>}, {transform_indices = @transform_3, window_bounds = array<i64: 1000, 128>}, {transform_indices = @transform_4, window_bounds = array<i64: 1000, 128>}]} {
    %get3A = arith.constant 0 : index
    %get3A_0 = arith.constant 0 : index
    %get3A_1 = vector.load %arg2[%get3A, %get3A_0] : memref<1000x128xf32, #tpu.memory_space<vmem>>, vector<1000x128xf32>
    %mul3A = arith.mulf %get3A_1, %get3A_1 : vector<1000x128xf32>
    %reduce_sum3A = arith.constant dense<0.000000e+00> : vector<1000xf32>
    %reduce_sum3A_2 = vector.multi_reduction <add>, %mul3A, %reduce_sum3A [1] : vector<1000x128xf32> to vector<1000xf32>
    %broadcast_in_dim3A = vector.shape_cast %reduce_sum3A_2 : vector<1000xf32> to vector<1000x1xf32>
    %sqrt3A = math.sqrt %broadcast_in_dim3A : vector<1000x1xf32>
    %max3A = arith.constant 9.99999993E-9 : f32
    %max3A_3 = vector.broadcast %max3A : f32 to vector<1000x1xf32>
    %max3A_4 = arith.maximumf %sqrt3A, %max3A_3 : vector<1000x1xf32>
    %get3A_5 = arith.constant 0 : index
    %get3A_6 = arith.constant 0 : index
    %get3A_7 = memref.load %arg1[%get3A_5, %get3A_6] : memref<1x2xf32, #tpu.memory_space<smem>>
    %div3A = vector.broadcast %get3A_7 : f32 to vector<1000x1xf32>
    %div3A_8 = arith.divf %div3A, %max3A_4 : vector<1000x1xf32>
    %mul3A_9 = vector.broadcast %div3A_8 : vector<1000x1xf32> to vector<1000x128xf32>
    %mul3A_10 = arith.mulf %get3A_1, %mul3A_9 : vector<1000x128xf32>
    %swap3A = arith.constant 0 : index
    %swap3A_11 = arith.constant 0 : index
    %swap3A_12 = vector.load %arg4[%swap3A, %swap3A_11] : memref<1000x128xf32, #tpu.memory_space<vmem>>, vector<1000x128xf32>
    tpu.vector_store %arg4[%swap3A, %swap3A_11], %mul3A_10 {strides = array<i32>} : memref<1000x128xf32, #tpu.memory_space<vmem>>, vector<1000x128xf32>,
    %get3A_13 = arith.constant 0 : index
    %get3A_14 = arith.constant 0 : index
    %get3A_15 = vector.load %arg3[%get3A_13, %get3A_14] : memref<1000x128xf32, #tpu.memory_space<vmem>>, vector<1000x128xf32>
    %mul3A_16 = arith.mulf %get3A_15, %get3A_15 : vector<1000x128xf32>
    %reduce_sum3A_17 = arith.constant dense<0.000000e+00> : vector<1000xf32>
    %reduce_sum3A_18 = vector.multi_reduction <add>, %mul3A_16, %reduce_sum3A_17 [1] : vector<1000x128xf32> to vector<1000xf32>
    %broadcast_in_dim3A_19 = vector.shape_cast %reduce_sum3A_18 : vector<1000xf32> to vector<1000x1xf32>
    %sqrt3A_20 = math.sqrt %broadcast_in_dim3A_19 : vector<1000x1xf32>
    %max3A_21 = arith.constant 9.99999993E-9 : f32
    %max3A_22 = vector.broadcast %max3A_21 : f32 to vector<1000x1xf32>
    %max3A_23 = arith.maximumf %sqrt3A_20, %max3A_22 : vector<1000x1xf32>
    %get3A_24 = arith.constant 0 : index
    %get3A_25 = arith.constant 1 : index
    %get3A_26 = memref.load %arg1[%get3A_24, %get3A_25] : memref<1x2xf32, #tpu.memory_space<smem>>
    %div3A_27 = vector.broadcast %get3A_26 : f32 to vector<1000x1xf32>
    %div3A_28 = arith.divf %div3A_27, %max3A_23 : vector<1000x1xf32>
    %mul3A_29 = vector.broadcast %div3A_28 : vector<1000x1xf32> to vector<1000x128xf32>
    %mul3A_30 = arith.mulf %get3A_15, %mul3A_29 : vector<1000x128xf32>
    %swap3A_31 = arith.constant 0 : index
    %swap3A_32 = arith.constant 0 : index
    %swap3A_33 = vector.load %arg5[%swap3A_31, %swap3A_32] : memref<1000x128xf32, #tpu.memory_space<vmem>>, vector<1000x128xf32>
    tpu.vector_store %arg5[%swap3A_31, %swap3A_32], %mul3A_30 {strides = array<i32>} : memref<1000x128xf32, #tpu.memory_space<vmem>>, vector<1000x128xf32>,
    return
  }
  func.func @transform_0(%arg0: i32) -> (i32, i32) {
    %c0_i32 = arith.constant 0 : i32
    %c0_i32_0 = arith.constant 0 : i32
    %c0_i32_1 = arith.constant 0 : i32
    return %c0_i32, %c0_i32_0 : i32, i32
  }
  func.func @transform_1(%arg0: i32) -> (i32, i32) {
    %c0_i32 = arith.constant 0 : i32
    %c0_i32_0 = arith.constant 0 : i32
    return %arg0, %c0_i32 : i32, i32
  }
  func.func @transform_2(%arg0: i32) -> (i32, i32) {
    %c0_i32 = arith.constant 0 : i32
    %c0_i32_0 = arith.constant 0 : i32
    return %arg0, %c0_i32 : i32, i32
  }
  func.func @transform_3(%arg0: i32) -> (i32, i32) {
    %c0_i32 = arith.constant 0 : i32
    %c0_i32_0 = arith.constant 0 : i32
    return %arg0, %c0_i32 : i32, i32
  }
  func.func @transform_4(%arg0: i32) -> (i32, i32) {
    %c0_i32 = arith.constant 0 : i32
    %c0_i32_0 = arith.constant 0 : i32
    return %arg0, %c0_i32 : i32, i32
  }
}

</mosaic_0001>

<sc_bundles>
// kernel: kernel.4.cloned.1.call-start
scs
__scs_entry_jumppad:
0x0: {  	(pc) =	sbr.rel $0x88, $3  }
0x1: {  	(tag) =	ssettag $0x0;
	lr =	simm.s32 $0x1  }
0x2: {  	[smem:$0x3F9C] =	sst lr;
	_ =	strace $0xD0000000  }
0x3: {  	_ = 	snop  }
0x4: {  	_ = 	snop  }
0x5: {  	_ = 	snop  }
0x6: {  	_ = 	snop  }
0x7: {  	_ = 	snop  }
__scs_overlays_trampoline_lowered:
0x8: {  	[smem:$0x3FAB] =	sst s0  }
0x9: {  	[smem:$0x3FAC] =	sst s1  }
0xa: {  	[smem:$0x3FAD] =	sst s2  }
0xb: {  	[smem:$0x3FAE] =	sst s3  }
0xc: {  	[smem:$0x3FAF] =	sst s4  }
0xd: {  	[smem:$0x3FB0] =	sst s5  }
0xe: {  	[smem:$0x3FB1] =	sst s6  }
0xf: {  	[smem:$0x3FB2] =	sst s7  }
0x10: {  	[smem:$0x3FB3] =	sst s8  }
0x11: {  	[smem:$0x3FB4] =	sst s9;
	s0 =	simm.s32 @!p0 $0x0  }
0x12: {  	s1 =	sld [smem:$0x3F9A];
	s0 =	simm.s32 @p0 $0x1  }
0x13: {  	[smem:$0x3FB5] =	sst s0;
	s0 =	simm.s32 @!p1 $0x0  }
0x14: {  	s2 =	sld [smem:$0x3F99];
	s0 =	simm.s32 @p1 $0x1  }
0x15: {  	[smem:$0x3FB6] =	sst s0;
	s0 =	simm.s32 @!p2 $0x0  }
0x16: {  	s3 =	sld [smem:$0x3FDB];
	s0 =	simm.s32 @p2 $0x1  }
0x17: {  	s4 =	simm.s32 $0x1BF5;
	[smem:$0x3FB8] =	sst s0  }
0x18: {  	s0 =	sld [smem:$0x3F9B];
	_ =	swait.ge [sflag:s4], $0x0  }
0x19: {  	s7 =	sld [smem:$0x3F9C]  }
0x1a: {  	s8 =	sadd.s32 $0xFFFFE003, lr  }
0x1b: {  	s9 =	sadd.s32 $0xFFFFFEF7, lr;
	s5 =	simm.s32 $0xFFFFFFFF;
	p2 =	slt.u32 s8, $0xFFFFF086  }
0x1c: {  	p1 =	slt.u32 s9, $0xF7A;
	s5 =	simm.s32 @!p2 $0x0  }
0x1d: {  	s5 =	simm.s32 @p1 $0x1;
	p0 =	seq.s32 s7, s2  }
0x1e: {  	s7 =	smul.u32 @!p0 $0xF7A, s2;
	p2 =	seq.s32 @!p0 s5, $0x0  }
0x1f: {  	s9 =	smul.u32 $0xF7A, s1;
	s8 =	simm.s32 @!p0 $0x1BF5;
	p2 =	por !p2, p0  }
0x20: {  	[sflag:s8] =	ssyncset.s32 @!p0 $0xFFFFF086;
	s6 =	sadd.s32 @!p0 s3, s7;
	s7 =	simm.s32 @!p0 $0x108  }
0x21: {  	s3 =	sadd.s32 s3, s9;
	s6 =	sadd.s32 @!p0 $0x88, s6;
	s7 =	simm.s32 @p2 $0x1082  }
0x22: {  	[simem:s7], [sflag:s8] =	dma.local @!p0 [hbm:s6], $0xF7A  }
0x23: {  	s9 =	sor.u32 $0xD0000000, s2;
	s6 =	simm.s32 $0x108;
	_ =	swait.ge @!p0 [sflag:s8], $0x0  }
0x24: {  	s3 =	sadd.s32 $0x88, s3;
	s6 =	simm.s32 @!p1 $0x1082;
	[sflag:s4] =	ssyncset.s32 $0xFFFFF086  }
0x25: {  	[simem:s6], [sflag:s4] =	dma.local [hbm:s3], $0xF7A  }
0x26: {  	[smem:$0x3F9C] =	sst s1;
	(tag) =	ssettag s2;
	_ =	strace s9  }
0x27: {  	s1 =	sld [smem:$0x3FAC]  }
0x28: {  	s2 =	sld [smem:$0x3FAD]  }
0x29: {  	s4 =	sld [smem:$0x3FAF]  }
0x2a: {  	p0 =	seq.s32 s5, $0x0;
	s5 =	sld [smem:$0x3FB0]  }
0x2b: {  	s6 =	sld [smem:$0x3FB1]  }
0x2c: {  	s7 =	sld [smem:$0x3FB2]  }
0x2d: {  	s3 =	simm.s32 $0x108;
	s8 =	sld [smem:$0x3FB3]  }
0x2e: {  	s3 =	simm.s32 @!p0 $0x1082;
	s9 =	sld [smem:$0x3FB4]  }
0x2f: {  	lr =	sadd.s32 s0, s3;
	s0 =	sld [smem:$0x3FAB]  }
0x30: {  	s3 =	sld [smem:$0x3FAE]  }
0x31: {  	[smem:$0x3FB7] =	sst s10  }
0x32: {  	s10 =	sld [smem:$0x3FB5];
	_ =	sdelay $0x3  }
0x33: {  	p0 =	seq.s32 s10, $0x1;
	s10 =	sld [smem:$0x3FB7];
	_ =	sdelay $0x3  }
0x34: {  	[smem:$0x3FB7] =	sst s10  }
0x35: {  	s10 =	sld [smem:$0x3FB6];
	_ =	sdelay $0x3  }
0x36: {  	p1 =	seq.s32 s10, $0x1;
	s10 =	sld [smem:$0x3FB7];
	_ =	sdelay $0x3  }
0x37: {  	[smem:$0x3FB7] =	sst s10  }
0x38: {  	s10 =	sld [smem:$0x3FB8]  }
0x39: {  	_ = 	snop;
	(pc) =	sbr.ind lr, $3  }
0x3a: {  	_ = 	snop  }
0x3b: {  	_ = 	snop  }
0x3c: {  	p2 =	seq.s32 s10, $0x1;
	s10 =	sld [smem:$0x3FB7]  }
0x3d: {  	_ =	shalt  }
0x3e: {  	_ =	shalt  }
0x3f: {  	_ =	shalt  }
0x40: {  	_ =	shalt  }
0x41: {  	_ =	shalt  }
0x42: {  	_ =	shalt  }
0x43: {  	_ =	shalt  }
0x44: {  	_ =	shalt  }
0x45: {  	_ =	shalt  }
0x46: {  	_ =	shalt  }
0x47: {  	_ =	shalt  }
0x48: {  	_ =	shalt  }
0x49: {  	_ =	shalt  }
0x4a: {  	_ =	shalt  }
0x4b: {  	_ =	shalt  }
0x4c: {  	_ =	shalt  }
0x4d: {  	_ =	shalt  }
0x4e: {  	_ =	shalt  }
0x4f: {  	_ =	shalt  }
0x50: {  	_ =	shalt  }
0x51: {  	_ =	shalt  }
0x52: {  	_ =	shalt  }
0x53: {  	_ =	shalt  }
0x54: {  	_ =	shalt  }
0x55: {  	_ =	shalt  }
0x56: {  	_ =	shalt  }
0x57: {  	_ =	shalt  }
0x58: {  	_ =	shalt  }
0x59: {  	_ =	shalt  }
0x5a: {  	_ =	shalt  }
0x5b: {  	_ =	shalt  }
0x5c: {  	_ =	shalt  }
0x5d: {  	_ =	shalt  }
0x5e: {  	_ =	shalt  }
0x5f: {  	_ =	shalt  }
0x60: {  	_ =	shalt  }
0x61: {  	_ =	shalt  }
0x62: {  	_ =	shalt  }
0x63: {  	_ =	shalt  }
0x64: {  	_ =	shalt  }
0x65: {  	_ =	shalt  }
0x66: {  	_ =	shalt  }
0x67: {  	_ =	shalt  }
0x68: {  	_ =	shalt  }
0x69: {  	_ =	shalt  }
0x6a: {  	_ =	shalt  }
0x6b: {  	_ =	shalt  }
0x6c: {  	_ =	shalt  }
0x6d: {  	_ =	shalt  }
0x6e: {  	_ =	shalt  }
0x6f: {  	_ =	shalt  }
0x70: {  	_ =	shalt  }
0x71: {  	_ =	shalt  }
0x72: {  	_ =	shalt  }
0x73: {  	_ =	shalt  }
0x74: {  	_ =	shalt  }
0x75: {  	_ =	shalt  }
0x76: {  	_ =	shalt  }
0x77: {  	_ =	shalt  }
0x78: {  	_ =	shalt  }
0x79: {  	_ =	shalt  }
0x7a: {  	_ =	shalt  }
0x7b: {  	_ =	shalt  }
0x7c: {  	_ =	shalt  }
0x7d: {  	_ =	shalt  }
0x7e: {  	_ =	shalt  }
0x7f: {  	_ =	shalt  }
0x80: {  	_ =	shalt  }
0x81: {  	_ =	shalt  }
0x82: {  	_ =	shalt  }
0x83: {  	_ =	shalt  }
0x84: {  	_ =	shalt  }
0x85: {  	_ =	shalt  }
0x86: {  	_ =	shalt  }
0x87: {  	_ =	shalt  }
.Lfunc_end0:
.L_simem_size_0:
called_computation_lowered:
.L_overlay_start_0:
0x88: {  	s2 =	sld [smem:$0x3FD9]  }
0x89: {  	s3 =	sld [smem:$0x3FFE];
	_ =	sdelay $0x1  }
0x8a: {  	s1 =	srdreg.scid  }
0x8b: {  	s0 =	sand.u32 $0x1, s1  }
0x8c: {  	s17 =	sshll.u32 s0, $0xA;
	s2 =	sadd.s32 s3, s2  }
0x8d: {  	s2 =	sadd.s32 s2, s17  }
0x8e: {  	[smem:$0x3FC3] =	sst s2  }
0x8f: {  	_ = 	snop  }
0x90: {  	s2 =	sld [smem:$0x3FD0];
	(tm) =	ssettm $0x1  }
0x91: {  	s18 =	sld [smem:$0x3FFB];
	_ =	sdelay $0x3  }
0x92: {  	_ =	strace s18  }
0x93: {  	s3 =	sld [smem:$0x3FFC];
	_ =	sdelay $0x3  }
0x94: {  	_ =	strace s3  }
0x95: {  	s3 =	sld [smem:$0x3FFD];
	_ =	sdelay $0x3  }
0x96: {  	_ =	strace s3  }
0x97: {  	_ =	strace $0x8FFFFFFF  }
0x98: {  	s19 =	sld [smem:$0x3FDB];
	_ =	sdelay $0x1  }
0x99: {  	s4 =	simm.s32 $_scs_section_size  }
0x9a: {  	s5 =	simm.s32 $_size__tile_overlayer_lowered;
	s6 =	simm.s32 $_tile_overlayer_lowered  }
0x9b: {  	s22 =	simm.s32 $0x1BFF;
	s21 =	sshll.u32 s6, $0x1;
	s3 =	sadd.s32 s4, s19  }
0x9c: {  	s7 =	simm.s32 $0x0;
	s20 =	sshll.u32 s5, $0x1;
	s5 =	sadd.s32 s21, s3  }
0x9d: {  	[timem:s7], [sflag:s22] =	dma.local [hbm:s5], s20  }
0x9e: {  	_ =	swait.ge [sflag:s22], s20  }
0x9f: {  	s4 =	ssub.s32 $0x0, s20;
	[sflag:s22] =	ssyncset.done $0x0  }
0xa0: {  	[sflag:s22] =	ssyncadd.s32 s4;
	_ =	sdelay $0x1  }
0xa1: {  	s23 =	simm.s32 $0x1B8B  }
0xa2: {  	_ =	swait.ge [sflag:s23], $0x1  }
0xa3: {  	[sflag:s23] =	ssyncset.done $0x0  }
0xa4: {  	s25 =	simm.s32 $0x1B8E;
	s24 =	sld [smem:$0x3FFE];
	[sflag:s23] =	ssyncadd.s32 $0xFFFFFFFF  }
0xa5: {  	s26 =	simm.s32 $execute0_lowered;
	[smem:$0x3FD2] =	sst s25  }
0xa6: {  	s5 =	sshll.u32 s26, $0x1;
	_ =	strace $0x80000046;
	[dreg:$0x1] =	wrdreg $0xFFFFFFFF  }
0xa7: {  	s28 =	simm.s32 $_size_execute0_lowered;
	s3 =	sadd.s32 s3, s5;
	[dreg:$0x0] =	wrdreg $0x0  }
0xa8: {  	s5 =	sshll.u32 s28, $0x1;
	[dreg:$0x2] =	wrdreg s3  }
0xa9: {  	[dreg:$0x3] =	wrdreg s5  }
0xaa: {  	[dreg:$0x4] =	wrdreg $0xC0  }
0xab: {  	_ =	task [dreg:s7], $0x5FFFF  }
0xac: {  	[dreg:$0x1] =	wrdreg $0xFFFFFFFF  }
0xad: {  	[dreg:$0x0] =	wrdreg $0x60  }
0xae: {  	[dreg:$0x2] =	wrdreg s24  }
0xaf: {  	[dreg:$0x3] =	wrdreg s2  }
0xb0: {  	[dreg:$0x4] =	wrdreg $0x9  }
0xb1: {  	_ =	task.clear_ibuf [dreg:s7], $0x5FFFF;
	_ =	strace $0x90000046  }
0xb2: {  	s29 =	simm.s32 $0x9;
	_ =	strace $0x80000048  }
0xb3: {  	_ =	swait.ge [sflag:s29], $0x1  }
0xb4: {  	[sflag:s29] =	ssyncadd.s32 $0xFFFFFFFF  }
0xb5: {  	_ =	strace $0x90000048  }
0xb6: {  	_ =	sfence  }
0xb7: {  	s30 =	sld [smem:$0x0];
	_ =	sdelay $0x2  }
0xb8: {  	s31 =	sshll.u32 s1, $0xD;
	s1 =	sshrl.u32 s1, $0x2  }
0xb9: {  	s3 =	sand.u32 $0x4000, s31;
	s1 =	sadd.s32 s1, s30  }
0xba: {  	s0 =	sor.u32 s3, s0;
	s1 =	sshll.u32 s1, $0x11  }
0xbb: {  	s0 =	sor.u32 s1, s0  }
0xbc: {  	s0 =	sadd.s32 $0x8F2B, s0  }
0xbd: {  	[sflag:s0] =	ssyncadd.remote.s32 $0x1  }
0xbe: {  	_ =	sfence.sel $0xFFFF  }
0xbf: {  	[dreg:$0x0] =	wrdreg $0xFFFFFFFF;
	(pc) =	sbr.abs _section_cstart, $3  }
0xc0: {  	[dreg:$0x1] =	wrdreg $0xFFFFFFFF  }
0xc1: {  	_ =	task.clear_ibuf [dreg:s7], $0x2FFFF;
	_ =	strace $0x9FFFFFFF  }
0xc2: {  	(tm) =	ssettm $0x7FFFFFFF  }
0xc3: {  	_ =	shalt  }
tec
execute0_lowered:
.L_overlay_start_1:
0x0: {  	(tag) =	ssettag $0x1  }
0x1: {  	s0 =	rddreg [dreg:$0x0];
	s1 =	srdreg.scid  }
0x2: {  	s2 =	stileid.u32;
	s8 =	rddreg [dreg:$0x1]  }
0x3: {  	s11 =	simm.s32 $0x4;
	s12 =	simm.s32 $0x2780;
	s13 =	simm.s32 $0x3  }
0x4: {  	s14 =	simm.s32 $0xC0;
	s15 =	simm.s32 $0x4F00;
	s16 =	simm.s32 $0xAF00  }
0x5: {  	s17 =	simm.s32 $0x10F00;
	s18 =	simm.s32 $0x16F00;
	s19 =	simm.s32 $0x1  }
0x6: {  	s20 =	simm.s32 $0x2;
	s23 =	simm.s32 $0x10;
	s25 =	simm.s32 $0x4E80  }
0x7: {  	s26 =	simm.s32 $0x1CF00;
	s1 =	sand.u32 $0x1, s1;
	s3 =	sshll.u32 s2, $0x1  }
0x8: {  	s28 =	simm.s32 $0x0;
	s2 =	simm.s32 $0x0;
	s3 =	sor.u32 s1, s3  }
0x9: {  	[smem:$0x7FF] =	sst s2;
	s1 =	ssub.s32 $0x2, s1;
	s4 =	smul.u32 $0x2710, s3  }
0xa: {  	s5 =	sadd.s32 $0x62E00, s0;
	_ =	strace $0x80000047;
	s6 =	sshrl.u32 s1, $0x1  }
0xb: {  	s3 =	sadd.s32 $0x14A00, s0;
	s31 =	ssub.s32 s1, s6;
	s9 =	sshrl.u32 s4, $0x3  }
0xc: {  	v0 =	vlaneseq.u32;
	s4 =	sadd.s32 $0x3BC00, s0;
	s7 =	sadd.s32 s9, s0;
	s8 =	sadd.s32 s8, s9  }
0xd: {  	v1 =	vmul.u32 $0x80, v0;
	s9 =	smax.u32 s31, $0x1;
	s6 =	sadd.s32 $0x1000, s7;
	s7 =	sadd.s32 $0xAC40, s7  }
.LBB2_1:
0xe: {  	s0 =	simm.s32 $0x1F680  }
0xf: {  	[tilespmem:s0], [sflag:$0x4] =	stream.linear.gather [hbm4b:s5+s2], $0x80, $0x38;
	[tilespmem:$0x1F700] =	vst v63  }
0x10: {  	_ =	swait.ge [sflag:s11], $0x80  }
0x11: {  	[sflag:s11] =	ssyncset.done $0x0  }
0x12: {  	[sflag:s11] =	ssyncadd.s32 $0xFFFFFF80  }
0x13: {  	[tilespmem:s2], [sflag:$0x3] =	stream.linear.gather [hbm4b:s6+s2], $0x2710, $0x38;
	[tilespmem:$0x1F700] =	vst v63  }
0x14: {  	_ = 	snop  }
0x15: {  	[tilespmem:s12], [sflag:$0x3] =	stream.linear.gather [hbm4b:s7+s2], $0x2710, $0x38;
	[tilespmem:$0x1F700] =	vst v63  }
0x16: {  	_ =	swait.ge [sflag:s13], $0x2710  }
0x17: {  	[sflag:s13] =	ssyncset.done $0x0  }
0x18: {  	[sflag:s13] =	ssyncadd.s32 $0xFFFFD8F0  }
0x19: {  	_ =	swait.ge [sflag:s13], $0x2710  }
0x1a: {  	[sflag:s13] =	ssyncset.done $0x0  }
0x1b: {  	[sflag:s13] =	ssyncadd.s32 $0xFFFFD8F0  }
0x1c: {  	v2 =	vld [tilespmem:$0x1F680];
	[tilespmem:s15], [sflag:$0x1] =	stream.indirect.gather [hbm4b:s3+s14], $0x80, s2, s14, $0xb8  }
0x1d: {  	s29 =	simm.s32 $0x0  }
0x1e: {  	[tilespmem:s16], [sflag:$0x1] =	stream.indirect.gather [hbm4b:s4+s14], $0x80, s12, s14, $0xb8;
	[tilespmem:$0x1F700] =	vst v63  }
.LBB2_2:
0x1f: {  	s31 =	smul.u32 $0x180, s29;
	_ =	sdelay $0x1  }
0x20: {  	s30 =	sadd.s32 $0xC0, s31  }
0x21: {  	[tilespmem:s17], [sflag:$0x2] =	stream.indirect.gather [hbm4b:s3+s14], $0x80, s30, s14, $0xb8;
	[tilespmem:$0x1F700] =	vst v63  }
0x22: {  	s0 =	sadd.s32 $0x2840, s31  }
0x23: {  	[tilespmem:s18], [sflag:$0x2] =	stream.indirect.gather [hbm4b:s4+s14], $0x80, s0, s14, $0xb8;
	[tilespmem:$0x1F700] =	vst v63  }
0x24: {  	_ =	swait.ge [sflag:s19], $0x6000  }
0x25: {  	[sflag:s19] =	ssyncset.done $0x0  }
0x26: {  	[sflag:s19] =	ssyncadd.s32 $0xFFFFA000  }
0x27: {  	_ =	swait.ge [sflag:s19], $0x6000  }
0x28: {  	[sflag:s19] =	ssyncset.done $0x0  }
0x29: {  	s1 =	simm.s32 $0x0;
	s0 =	simm.s32 $0x0;
	[sflag:s19] =	ssyncadd.s32 $0xFFFFA000  }
.LBB2_3:
0x2a: {  	s10 =	sshll.u32 s0, $0x4  }
0x2b: {  	v3 =	vmov s10  }
0x2c: {  	v3 =	vshll.u32 v3, $0x7  }
0x2d: {  	v3 =	vor.u32 v1, v3  }
0x2e: {  	s21 =	simm.s32 $0x1;
	v4 =	vor.u32 v0, v3  }
0x2f: {  	v6 =	vadd.s32 s21, v0;
	v5 =	vor.u32 s1, v4  }
0x30: {  	s22 =	simm.s32 $0x2;
	v6 =	vand.u32 $0x7F, v6  }
0x31: {  	v7 =	vadd.s32 s22, v0;
	v6 =	vor.u32 v3, v6  }
0x32: {  	s24 =	simm.s32 $0x3;
	v7 =	vand.u32 $0x7F, v7  }
0x33: {  	v8 =	vadd.s32 s24, v0;
	v7 =	vor.u32 v3, v7  }
0x34: {  	s22 =	simm.s32 $0x4;
	v8 =	vand.u32 $0x7F, v8;
	v9 =	vld.idx.msk [tilespmem:v5+s15+$0x0], $0xffff  }
0x35: {  	v10 =	vadd.s32 s22, v0;
	v8 =	vor.u32 v3, v8;
	v5 =	vld.idx.msk [tilespmem:v5+s16+$0x0], $0xffff  }
0x36: {  	s24 =	simm.s32 $0x5;
	v10 =	vand.u32 $0x7F, v10;
	v11 =	vld.idx.msk [tilespmem:v6+s15+$0x0], $0xffff  }
0x37: {  	v12 =	vadd.s32 s24, v0;
	v10 =	vor.u32 v3, v10;
	v6 =	vld.idx.msk [tilespmem:v6+s16+$0x0], $0xffff  }
0x38: {  	s22 =	simm.s32 $0x6;
	v12 =	vand.u32 $0x7F, v12;
	v13 =	vld.idx.msk [tilespmem:v7+s15+$0x0], $0xffff  }
0x39: {  	v14 =	vadd.s32 s22, v0;
	v12 =	vor.u32 v3, v12;
	v7 =	vld.idx.msk [tilespmem:v7+s16+$0x0], $0xffff  }
0x3a: {  	s24 =	simm.s32 $0x7;
	v14 =	vand.u32 $0x7F, v14;
	v15 =	vld.idx.msk [tilespmem:v8+s15+$0x0], $0xffff;
	v5 =	vmul.f32 v5, v9  }
0x3b: {  	v16 =	vadd.s32 s24, v0;
	v8 =	vld.idx.msk [tilespmem:v8+s16+$0x0], $0xffff;
	v9 =	vor.u32 v3, v14;
	v14 =	vimm.f32 $0.0e+00  }
0x3c: {  	s22 =	simm.s32 $0x8;
	v16 =	vand.u32 $0x7F, v16;
	v17 =	vld.idx.msk [tilespmem:v10+s15+$0x0], $0xffff;
	v6 =	vmul.f32 v6, v11;
	v5 =	vadd.f32 v5, v14  }
0x3d: {  	v18 =	vadd.s32 s22, v0;
	v10 =	vld.idx.msk [tilespmem:v10+s16+$0x0], $0xffff;
	v11 =	vor.u32 v3, v16  }
0x3e: {  	s24 =	simm.s32 $0x9;
	v16 =	vand.u32 $0x7F, v18;
	v14 =	vld.idx.msk [tilespmem:v12+s15+$0x0], $0xffff;
	v5 =	vadd.f32 v6, v5;
	v6 =	vmul.f32 v7, v13  }
0x3f: {  	v18 =	vadd.s32 s24, v0;
	v7 =	vld.idx.msk [tilespmem:v12+s16+$0x0], $0xffff;
	v12 =	vor.u32 v3, v16  }
0x40: {  	s22 =	simm.s32 $0xA;
	v16 =	vand.u32 $0x7F, v18;
	v13 =	vld.idx.msk [tilespmem:v9+s15+$0x0], $0xffff;
	v5 =	vadd.f32 v6, v5;
	v6 =	vmul.f32 v8, v15  }
0x41: {  	v18 =	vadd.s32 s22, v0;
	v8 =	vld.idx.msk [tilespmem:v9+s16+$0x0], $0xffff;
	v9 =	vor.u32 v3, v16  }
0x42: {  	s24 =	simm.s32 $0xB;
	v15 =	vld.idx.msk [tilespmem:v11+s15+$0x0], $0xffff;
	v16 =	vand.u32 $0x7F, v18;
	v5 =	vadd.f32 v6, v5;
	v6 =	vmul.f32 v10, v17  }
0x43: {  	v18 =	vadd.s32 s24, v0;
	v10 =	vld.idx.msk [tilespmem:v11+s16+$0x0], $0xffff;
	v11 =	vor.u32 v3, v16  }
0x44: {  	s22 =	simm.s32 $0xC;
	v17 =	vand.u32 $0x7F, v18;
	v16 =	vld.idx.msk [tilespmem:v12+s15+$0x0], $0xffff;
	v5 =	vadd.f32 v6, v5;
	v6 =	vmul.f32 v7, v14  }
0x45: {  	s24 =	simm.s32 $0xD;
	v18 =	vadd.s32 s22, v0;
	v12 =	vld.idx.msk [tilespmem:v12+s16+$0x0], $0xffff;
	v14 =	vor.u32 v3, v17  }
0x46: {  	v7 =	vand.u32 $0x7F, v18;
	v18 =	vadd.s32 s24, v0;
	v17 =	vld.idx.msk [tilespmem:v9+s15+$0x0], $0xffff;
	v5 =	vadd.f32 v6, v5  }
0x47: {  	v6 =	vmul.f32 v8, v13;
	v8 =	vld.idx.msk [tilespmem:v9+s16+$0x0], $0xffff;
	v9 =	vor.u32 v3, v7;
	v7 =	vand.u32 $0x7F, v18  }
0x48: {  	s22 =	simm.s32 $0xE;
	v19 =	vld.idx.msk [tilespmem:v11+s15+$0x0], $0xffff;
	v20 =	vor.u32 v3, v7  }
0x49: {  	v18 =	vld.idx.msk [tilespmem:v11+s16+$0x0], $0xffff;
	v5 =	vadd.f32 v6, v5;
	v6 =	vmul.f32 v10, v15;
	v10 =	vadd.s32 s22, v0  }
0x4a: {  	s24 =	simm.s32 $0xF;
	v12 =	vmul.f32 v12, v16;
	v7 =	vld.idx.msk [tilespmem:v14+s15+$0x0], $0xffff;
	v13 =	vand.u32 $0x7F, v10  }
0x4b: {  	v11 =	vld.idx.msk [tilespmem:v14+s16+$0x0], $0xffff;
	v10 =	vadd.s32 s24, v0;
	v5 =	vadd.f32 v6, v5;
	v13 =	vor.u32 v3, v13  }
0x4c: {  	v14 =	vand.u32 $0x7F, v10;
	v6 =	vld.idx.msk [tilespmem:v9+s15+$0x0], $0xffff  }
0x4d: {  	s22 =	simm.s32 $0x11;
	v16 =	vmul.f32 v8, v17;
	v10 =	vld.idx.msk [tilespmem:v9+s16+$0x0], $0xffff;
	v9 =	vor.u32 v3, v14;
	v12 =	vadd.f32 v12, v5  }
0x4e: {  	s21 =	simm.s32 $0x10;
	v15 =	vadd.s32 s22, v0;
	v8 =	vld.idx.msk [tilespmem:v20+s15+$0x0], $0xffff  }
0x4f: {  	s24 =	simm.s32 $0x12;
	s22 =	simm.s32 $0x20;
	v5 =	vor.u32 s21, v4;
	v14 =	vadd.f32 v16, v12;
	v16 =	vmul.f32 v18, v19;
	v12 =	vld.idx.msk [tilespmem:v20+s16+$0x0], $0xffff  }
.LBB2_4:
0x50: {  	p0 =	slt.u32 s22, $0x70;
	v15 =	vand.u32 $0x7F, v15;
	v17 =	vadd.s32 s24, v0;
	v18 =	vld.idx.msk [tilespmem:v13+s15+$0x0], $0xffff  }
0x51: {  	s24 =	sadd.s32 $0x3, s21;
	v7 =	vmul.f32 v11, v7;
	v15 =	vor.u32 v3, v15;
	v14 =	vadd.f32 v16, v14;
	v11 =	vld.idx.msk [tilespmem:v13+s16+$0x0], $0xffff  }
0x52: {  	v13 =	vand.u32 $0x7F, v17;
	v16 =	vadd.s32 s24, v0;
	v17 =	vld.idx.msk [tilespmem:v9+s15+$0x0], $0xffff  }
0x53: {  	s24 =	sadd.s32 $0x4, s21;
	v13 =	vor.u32 v3, v13;
	v6 =	vmul.f32 v10, v6;
	v7 =	vadd.f32 v7, v14;
	v9 =	vld.idx.msk [tilespmem:v9+s16+$0x0], $0xffff  }
0x54: {  	v14 =	vand.u32 $0x7F, v16;
	v16 =	vadd.s32 s24, v0;
	v10 =	vld.idx.msk [tilespmem:v5+s15+$0x0], $0xffff  }
0x55: {  	s24 =	sadd.s32 $0x5, s21;
	v14 =	vor.u32 v3, v14;
	v5 =	vld.idx.msk [tilespmem:v5+s16+$0x0], $0xffff;
	v6 =	vadd.f32 v6, v7;
	v7 =	vmul.f32 v12, v8  }
0x56: {  	v12 =	vand.u32 $0x7F, v16;
	v16 =	vadd.s32 s24, v0;
	v8 =	vld.idx.msk [tilespmem:v15+s15+$0x0], $0xffff  }
0x57: {  	s24 =	sadd.s32 $0x6, s21;
	v12 =	vor.u32 v3, v12;
	v15 =	vld.idx.msk [tilespmem:v15+s16+$0x0], $0xffff;
	v6 =	vadd.f32 v7, v6;
	v7 =	vmul.f32 v11, v18  }
0x58: {  	v16 =	vand.u32 $0x7F, v16;
	v18 =	vadd.s32 s24, v0;
	v11 =	vld.idx.msk [tilespmem:v13+s15+$0x0], $0xffff  }
0x59: {  	v16 =	vor.u32 v3, v16;
	s24 =	sadd.s32 $0x7, s21;
	v13 =	vld.idx.msk [tilespmem:v13+s16+$0x0], $0xffff;
	v6 =	vadd.f32 v7, v6;
	v7 =	vmul.f32 v9, v17  }
0x5a: {  	v17 =	vand.u32 $0x7F, v18;
	v18 =	vadd.s32 s24, v0;
	v9 =	vld.idx.msk [tilespmem:v14+s15+$0x0], $0xffff  }
0x5b: {  	s24 =	sadd.s32 $0x8, s21;
	v5 =	vmul.f32 v5, v10;
	v10 =	vld.idx.msk [tilespmem:v14+s16+$0x0], $0xffff;
	v14 =	vor.u32 v3, v17;
	v6 =	vadd.f32 v7, v6  }
0x5c: {  	v17 =	vand.u32 $0x7F, v18;
	v18 =	vadd.s32 s24, v0;
	v7 =	vld.idx.msk [tilespmem:v12+s15+$0x0], $0xffff  }
0x5d: {  	s24 =	sadd.s32 $0x9, s21;
	v5 =	vadd.f32 v5, v6;
	v6 =	vmul.f32 v15, v8;
	v8 =	vld.idx.msk [tilespmem:v12+s16+$0x0], $0xffff;
	v12 =	vor.u32 v3, v17  }
0x5e: {  	v17 =	vand.u32 $0x7F, v18;
	v18 =	vadd.s32 s24, v0;
	v15 =	vld.idx.msk [tilespmem:v16+s15+$0x0], $0xffff  }
0x5f: {  	s24 =	sadd.s32 $0xA, s21;
	v5 =	vadd.f32 v6, v5;
	v6 =	vmul.f32 v13, v11;
	v11 =	vld.idx.msk [tilespmem:v16+s16+$0x0], $0xffff;
	v13 =	vor.u32 v3, v17  }
0x60: {  	v17 =	vand.u32 $0x7F, v18;
	v18 =	vadd.s32 s24, v0;
	v16 =	vld.idx.msk [tilespmem:v14+s15+$0x0], $0xffff  }
0x61: {  	s24 =	sadd.s32 $0xB, s21;
	v5 =	vadd.f32 v6, v5;
	v6 =	vmul.f32 v10, v9;
	v9 =	vld.idx.msk [tilespmem:v14+s16+$0x0], $0xffff;
	v10 =	vor.u32 v3, v17  }
0x62: {  	v17 =	vand.u32 $0x7F, v18;
	v18 =	vadd.s32 s24, v0;
	v14 =	vld.idx.msk [tilespmem:v12+s15+$0x0], $0xffff  }
0x63: {  	s24 =	sadd.s32 $0xC, s21;
	v5 =	vadd.f32 v6, v5;
	v6 =	vmul.f32 v8, v7;
	v7 =	vld.idx.msk [tilespmem:v12+s16+$0x0], $0xffff;
	v8 =	vor.u32 v3, v17  }
0x64: {  	v17 =	vand.u32 $0x7F, v18;
	v18 =	vadd.s32 s24, v0;
	v12 =	vld.idx.msk [tilespmem:v13+s15+$0x0], $0xffff  }
0x65: {  	s24 =	sadd.s32 $0xD, s21;
	v5 =	vadd.f32 v6, v5;
	v6 =	vmul.f32 v11, v15;
	v11 =	vld.idx.msk [tilespmem:v13+s16+$0x0], $0xffff;
	v13 =	vor.u32 v3, v17  }
0x66: {  	v17 =	vand.u32 $0x7F, v18;
	v18 =	vadd.s32 s24, v0;
	v15 =	vld.idx.msk [tilespmem:v10+s15+$0x0], $0xffff  }
0x67: {  	s24 =	sadd.s32 $0xE, s21;
	v5 =	vadd.f32 v6, v5;
	v6 =	vmul.f32 v9, v16;
	v9 =	vld.idx.msk [tilespmem:v10+s16+$0x0], $0xffff;
	v10 =	vor.u32 v3, v17  }
0x68: {  	v17 =	vand.u32 $0x7F, v18;
	v18 =	vadd.s32 s24, v0;
	v16 =	vld.idx.msk [tilespmem:v8+s15+$0x0], $0xffff  }
0x69: {  	s24 =	sadd.s32 $0xF, s21;
	s21 =	smov.u32 s22;
	v17 =	vor.u32 v3, v17;
	v5 =	vadd.f32 v6, v5;
	v6 =	vmul.f32 v7, v14;
	v19 =	vld.idx.msk [tilespmem:v8+s16+$0x0], $0xffff  }
0x6a: {  	v8 =	vand.u32 $0x7F, v18;
	v14 =	vadd.s32 s24, v0;
	v7 =	vld.idx.msk [tilespmem:v13+s15+$0x0], $0xffff  }
.Ltmp0:
0x6b: {  	v12 =	vmul.f32 v11, v12;
	v5 =	vadd.f32 v6, v5;
	v11 =	vld.idx.msk [tilespmem:v13+s16+$0x0], $0xffff;
	v13 =	vor.u32 v3, v8;
	(pc) =	sbr.rel @p0 .LBB2_4-.Ltmp0, $4  }
0x6c: {  	v8 =	vand.u32 $0x7F, v14;
	v6 =	vld.idx.msk [tilespmem:v10+s15+$0x0], $0xffff  }
0x6d: {  	v14 =	vmul.f32 v9, v15;
	v9 =	vor.u32 v3, v8;
	v12 =	vadd.f32 v12, v5;
	v10 =	vld.idx.msk [tilespmem:v10+s16+$0x0], $0xffff  }
0x6e: {  	s24 =	sadd.s32 $0x1, s22;
	v5 =	vor.u32 s22, v4;
	v8 =	vld.idx.msk [tilespmem:v17+s15+$0x0], $0xffff  }
0x6f: {  	v15 =	vadd.s32 s24, v0;
	s24 =	sadd.s32 $0x2, s21;
	s22 =	sadd.s32 $0x10, s22;
	v16 =	vmul.f32 v19, v16;
	v14 =	vadd.f32 v14, v12;
	v12 =	vld.idx.msk [tilespmem:v17+s16+$0x0], $0xffff  }
0x70: {  	_ =	sdelay $0x3  }
0x71: {  	v4 =	vand.u32 $0x7F, v15;
	v57 =	vld.idx.msk [tilespmem:v13+s15+$0x0], $0xffff;
	v7 =	vmul.f32 v11, v7;
	v14 =	vadd.f32 v16, v14  }
0x72: {  	v58 =	vadd.s32 s24, v0;
	v59 =	vld.idx.msk [tilespmem:v13+s16+$0x0], $0xffff;
	v4 =	vor.u32 v3, v4  }
0x73: {  	s22 =	sadd.s32 $0x3, s21;
	v60 =	vld.idx.msk [tilespmem:v9+s15+$0x0], $0xffff;
	v11 =	vand.u32 $0x7F, v58;
	v6 =	vmul.f32 v10, v6;
	v7 =	vadd.f32 v7, v14  }
0x74: {  	v62 =	vld.idx.msk [tilespmem:v9+s16+$0x0], $0xffff;
	v61 =	vadd.s32 s22, v0;
	v11 =	vor.u32 v3, v11  }
0x75: {  	s24 =	sadd.s32 $0x4, s21;
	v63 =	vld.idx.msk [tilespmem:v5+s15+$0x0], $0xffff;
	v10 =	vand.u32 $0x7F, v61;
	v19 =	vmul.f32 v12, v8;
	v6 =	vadd.f32 v6, v7  }
0x76: {  	v21 =	vld.idx.msk [tilespmem:v5+s16+$0x0], $0xffff;
	v20 =	vadd.s32 s24, v0;
	v10 =	vor.u32 v3, v10  }
0x77: {  	s24 =	sadd.s32 $0x5, s21;
	v8 =	vand.u32 $0x7F, v20;
	v23 =	vmul.f32 v59, v57;
	v22 =	vld.idx.msk [tilespmem:v4+s15+$0x0], $0xffff;
	v6 =	vadd.f32 v19, v6  }
0x78: {  	v24 =	vadd.s32 s24, v0;
	v8 =	vor.u32 v3, v8;
	v4 =	vld.idx.msk [tilespmem:v4+s16+$0x0], $0xffff  }
0x79: {  	s24 =	sadd.s32 $0x6, s21;
	v13 =	vand.u32 $0x7F, v24;
	v26 =	vmul.f32 v62, v60;
	v25 =	vld.idx.msk [tilespmem:v11+s15+$0x0], $0xffff;
	v6 =	vadd.f32 v23, v6  }
0x7a: {  	v27 =	vadd.s32 s24, v0;
	v13 =	vor.u32 v3, v13;
	v11 =	vld.idx.msk [tilespmem:v11+s16+$0x0], $0xffff  }
0x7b: {  	s24 =	sadd.s32 $0x7, s21;
	v9 =	vand.u32 $0x7F, v27;
	v5 =	vmul.f32 v21, v63;
	v28 =	vld.idx.msk [tilespmem:v10+s15+$0x0], $0xffff;
	v6 =	vadd.f32 v26, v6  }
0x7c: {  	v29 =	vadd.s32 s24, v0;
	v9 =	vor.u32 v3, v9;
	v10 =	vld.idx.msk [tilespmem:v10+s16+$0x0], $0xffff  }
0x7d: {  	s24 =	sadd.s32 $0x8, s21;
	v7 =	vand.u32 $0x7F, v29;
	v30 =	vld.idx.msk [tilespmem:v8+s15+$0x0], $0xffff;
	v4 =	vmul.f32 v4, v22;
	v5 =	vadd.f32 v5, v6  }
0x7e: {  	v31 =	vadd.s32 s24, v0;
	v7 =	vor.u32 v3, v7;
	v8 =	vld.idx.msk [tilespmem:v8+s16+$0x0], $0xffff  }
0x7f: {  	s24 =	sadd.s32 $0x9, s21;
	v32 =	vld.idx.msk [tilespmem:v13+s15+$0x0], $0xffff;
	v33 =	vmul.f32 v11, v25;
	v6 =	vand.u32 $0x7F, v31;
	v4 =	vadd.f32 v4, v5  }
0x80: {  	v34 =	vadd.s32 s24, v0;
	v13 =	vld.idx.msk [tilespmem:v13+s16+$0x0], $0xffff;
	v6 =	vor.u32 v3, v6  }
0x81: {  	s24 =	sadd.s32 $0xA, s21;
	v35 =	vld.idx.msk [tilespmem:v9+s15+$0x0], $0xffff;
	v11 =	vand.u32 $0x7F, v34;
	v36 =	vmul.f32 v10, v28;
	v4 =	vadd.f32 v33, v4  }
0x82: {  	v37 =	vadd.s32 s24, v0;
	v9 =	vld.idx.msk [tilespmem:v9+s16+$0x0], $0xffff;
	v11 =	vor.u32 v3, v11  }
0x83: {  	s24 =	sadd.s32 $0xB, s21;
	v38 =	vld.idx.msk [tilespmem:v7+s15+$0x0], $0xffff;
	v10 =	vand.u32 $0x7F, v37;
	v39 =	vmul.f32 v8, v30;
	v4 =	vadd.f32 v36, v4  }
0x84: {  	v40 =	vadd.s32 s24, v0;
	v7 =	vld.idx.msk [tilespmem:v7+s16+$0x0], $0xffff;
	v10 =	vor.u32 v3, v10  }
0x85: {  	s24 =	sadd.s32 $0xC, s21;
	v42 =	vmul.f32 v13, v32;
	v8 =	vand.u32 $0x7F, v40;
	v41 =	vld.idx.msk [tilespmem:v6+s15+$0x0], $0xffff;
	v4 =	vadd.f32 v39, v4  }
0x86: {  	v43 =	vadd.s32 s24, v0;
	v8 =	vor.u32 v3, v8;
	v6 =	vld.idx.msk [tilespmem:v6+s16+$0x0], $0xffff  }
0x87: {  	s24 =	sadd.s32 $0xD, s21;
	v12 =	vand.u32 $0x7F, v43;
	v45 =	vmul.f32 v9, v35;
	v44 =	vld.idx.msk [tilespmem:v11+s15+$0x0], $0xffff;
	v4 =	vadd.f32 v42, v4  }
0x88: {  	v46 =	vadd.s32 s24, v0;
	v12 =	vor.u32 v3, v12;
	v11 =	vld.idx.msk [tilespmem:v11+s16+$0x0], $0xffff  }
0x89: {  	s24 =	sadd.s32 $0xE, s21;
	v9 =	vand.u32 $0x7F, v46;
	v48 =	vmul.f32 v7, v38;
	v47 =	vld.idx.msk [tilespmem:v10+s15+$0x0], $0xffff;
	v4 =	vadd.f32 v45, v4  }
0x8a: {  	v49 =	vadd.s32 s24, v0;
	v9 =	vor.u32 v3, v9;
	v10 =	vld.idx.msk [tilespmem:v10+s16+$0x0], $0xffff  }
0x8b: {  	s24 =	sadd.s32 $0xF, s21;
	v7 =	vand.u32 $0x7F, v49;
	v50 =	vld.idx.msk [tilespmem:v8+s15+$0x0], $0xffff;
	v51 =	vmul.f32 v6, v41;
	v4 =	vadd.f32 v48, v4  }
0x8c: {  	v52 =	vadd.s32 s24, v0;
	v7 =	vor.u32 v3, v7;
	v8 =	vld.idx.msk [tilespmem:v8+s16+$0x0], $0xffff  }
0x8d: {  	v53 =	vld.idx.msk [tilespmem:v12+s15+$0x0], $0xffff;
	v54 =	vmul.f32 v11, v44;
	v6 =	vand.u32 $0x7F, v52;
	v4 =	vadd.f32 v51, v4  }
0x8e: {  	v55 =	vld.idx.msk [tilespmem:v12+s16+$0x0], $0xffff;
	v3 =	vor.u32 v3, v6  }
0x8f: {  	v56 =	vld.idx.msk [tilespmem:v9+s15+$0x0], $0xffff;
	v57 =	vmul.f32 v10, v47;
	v4 =	vadd.f32 v54, v4  }
0x90: {  	v9 =	vld.idx.msk [tilespmem:v9+s16+$0x0], $0xffff  }
0x91: {  	v58 =	vld.idx.msk [tilespmem:v7+s15+$0x0], $0xffff;
	v59 =	vmul.f32 v8, v50;
	v4 =	vadd.f32 v57, v4  }
0x92: {  	v7 =	vld.idx.msk [tilespmem:v7+s16+$0x0], $0xffff  }
0x93: {  	v61 =	vmul.f32 v55, v53;
	v60 =	vld.idx.msk [tilespmem:v3+s15+$0x0], $0xffff;
	v4 =	vadd.f32 v59, v4  }
0x94: {  	v3 =	vld.idx.msk [tilespmem:v3+s16+$0x0], $0xffff  }
0x95: {  	v62 =	vmul.f32 v9, v56;
	v4 =	vadd.f32 v61, v4;
	_ =	sdelay $0x1  }
0x96: {  	v63 =	vmul.f32 v7, v58;
	v4 =	vadd.f32 v62, v4;
	_ =	sdelay $0x1  }
0x97: {  	s0 =	sadd.s32 $0x1, s0;
	v3 =	vmul.f32 v3, v60;
	v4 =	vadd.f32 v63, v4  }
0x98: {  	p0 =	sne.s32 s0, $0xC  }
.Ltmp1:
0x99: {  	v3 =	vadd.f32 v3, v4;
	(pc) =	sbr.rel @p0 .LBB2_3-.Ltmp1, $4  }
0x9a: {  	s22 =	sadd.s32 s31, s10  }
0x9b: {  	s21 =	sand.u32 $0x7F80, s22;
	s24 =	sand.u32 $0x70, s10;
	v3 =	vadd.f32 v3, v2  }
0x9c: {  	s10 =	sor.u32 s24, s21  }
0x9d: {  	[tilespmem:s10+$0x1CF00] =	vst v3  }
0x9e: {  	s0 =	sadd.s32 $0x180, s31  }
0x9f: {  	[tilespmem:s15], [sflag:$0x1] =	stream.indirect.gather [hbm4b:s3+s14], $0x80, s0, s14, $0xb8;
	[tilespmem:$0x1F700] =	vst v63  }
0xa0: {  	s31 =	sadd.s32 $0x2900, s31  }
0xa1: {  	[tilespmem:s16], [sflag:$0x1] =	stream.indirect.gather [hbm4b:s4+s14], $0x80, s31, s14, $0xb8;
	[tilespmem:$0x1F700] =	vst v63  }
0xa2: {  	_ =	swait.ge [sflag:s20], $0x6000  }
0xa3: {  	[sflag:s20] =	ssyncset.done $0x0  }
0xa4: {  	[sflag:s20] =	ssyncadd.s32 $0xFFFFA000  }
0xa5: {  	_ =	swait.ge [sflag:s20], $0x6000  }
0xa6: {  	s1 =	sadd.s32 $0x1CF00, s30;
	[sflag:s20] =	ssyncset.done $0x0  }
0xa7: {  	s0 =	simm.s32 $0x0;
	v3 =	vmov s1;
	s1 =	simm.s32 $0x0;
	[sflag:s20] =	ssyncadd.s32 $0xFFFFA000  }
.LBB2_7:
0xa8: {  	s10 =	sshll.u32 s1, $0x4  }
0xa9: {  	v4 =	vmov s10  }
0xaa: {  	v4 =	vshll.u32 v4, $0x7  }
0xab: {  	v4 =	vor.u32 v1, v4  }
0xac: {  	s21 =	simm.s32 $0x1;
	v5 =	vor.u32 v0, v4  }
0xad: {  	v7 =	vadd.s32 s21, v0;
	v6 =	vor.u32 s0, v5  }
0xae: {  	s30 =	simm.s32 $0x2;
	v7 =	vand.u32 $0x7F, v7  }
0xaf: {  	v8 =	vadd.s32 s30, v0;
	v7 =	vor.u32 v4, v7  }
0xb0: {  	s31 =	simm.s32 $0x3;
	v8 =	vand.u32 $0x7F, v8  }
0xb1: {  	v9 =	vadd.s32 s31, v0;
	v8 =	vor.u32 v4, v8  }
0xb2: {  	s22 =	simm.s32 $0x4;
	v9 =	vand.u32 $0x7F, v9;
	v10 =	vld.idx.msk [tilespmem:v6+s17+$0x0], $0xffff  }
0xb3: {  	v11 =	vadd.s32 s22, v0;
	v9 =	vor.u32 v4, v9;
	v6 =	vld.idx.msk [tilespmem:v6+s18+$0x0], $0xffff  }
0xb4: {  	s24 =	simm.s32 $0x5;
	v11 =	vand.u32 $0x7F, v11;
	v12 =	vld.idx.msk [tilespmem:v7+s17+$0x0], $0xffff  }
0xb5: {  	v13 =	vadd.s32 s24, v0;
	v11 =	vor.u32 v4, v11;
	v7 =	vld.idx.msk [tilespmem:v7+s18+$0x0], $0xffff  }
0xb6: {  	s30 =	simm.s32 $0x6;
	v13 =	vand.u32 $0x7F, v13;
	v14 =	vld.idx.msk [tilespmem:v8+s17+$0x0], $0xffff  }
0xb7: {  	v15 =	vadd.s32 s30, v0;
	v13 =	vor.u32 v4, v13;
	v8 =	vld.idx.msk [tilespmem:v8+s18+$0x0], $0xffff  }
0xb8: {  	s31 =	simm.s32 $0x7;
	v15 =	vand.u32 $0x7F, v15;
	v16 =	vld.idx.msk [tilespmem:v9+s17+$0x0], $0xffff;
	v6 =	vmul.f32 v6, v10  }
0xb9: {  	v17 =	vadd.s32 s31, v0;
	v9 =	vld.idx.msk [tilespmem:v9+s18+$0x0], $0xffff;
	v10 =	vor.u32 v4, v15;
	v15 =	vimm.f32 $0.0e+00  }
0xba: {  	s22 =	simm.s32 $0x8;
	v17 =	vand.u32 $0x7F, v17;
	v18 =	vld.idx.msk [tilespmem:v11+s17+$0x0], $0xffff;
	v7 =	vmul.f32 v7, v12;
	v6 =	vadd.f32 v6, v15  }
0xbb: {  	v19 =	vadd.s32 s22, v0;
	v11 =	vld.idx.msk [tilespmem:v11+s18+$0x0], $0xffff;
	v12 =	vor.u32 v4, v17  }
0xbc: {  	s24 =	simm.s32 $0x9;
	v17 =	vand.u32 $0x7F, v19;
	v15 =	vld.idx.msk [tilespmem:v13+s17+$0x0], $0xffff;
	v6 =	vadd.f32 v7, v6;
	v7 =	vmul.f32 v8, v14  }
0xbd: {  	v19 =	vadd.s32 s24, v0;
	v8 =	vld.idx.msk [tilespmem:v13+s18+$0x0], $0xffff;
	v13 =	vor.u32 v4, v17  }
0xbe: {  	s30 =	simm.s32 $0xA;
	v17 =	vand.u32 $0x7F, v19;
	v14 =	vld.idx.msk [tilespmem:v10+s17+$0x0], $0xffff;
	v6 =	vadd.f32 v7, v6;
	v7 =	vmul.f32 v9, v16  }
0xbf: {  	v19 =	vadd.s32 s30, v0;
	v9 =	vld.idx.msk [tilespmem:v10+s18+$0x0], $0xffff;
	v10 =	vor.u32 v4, v17  }
0xc0: {  	s31 =	simm.s32 $0xB;
	v16 =	vld.idx.msk [tilespmem:v12+s17+$0x0], $0xffff;
	v17 =	vand.u32 $0x7F, v19;
	v6 =	vadd.f32 v7, v6;
	v7 =	vmul.f32 v11, v18  }
0xc1: {  	v19 =	vadd.s32 s31, v0;
	v11 =	vld.idx.msk [tilespmem:v12+s18+$0x0], $0xffff;
	v12 =	vor.u32 v4, v17  }
0xc2: {  	s22 =	simm.s32 $0xC;
	v18 =	vand.u32 $0x7F, v19;
	v17 =	vld.idx.msk [tilespmem:v13+s17+$0x0], $0xffff;
	v6 =	vadd.f32 v7, v6;
	v7 =	vmul.f32 v8, v15  }
0xc3: {  	s24 =	simm.s32 $0xD;
	v19 =	vadd.s32 s22, v0;
	v13 =	vld.idx.msk [tilespmem:v13+s18+$0x0], $0xffff;
	v15 =	vor.u32 v4, v18  }
0xc4: {  	v8 =	vand.u32 $0x7F, v19;
	v19 =	vadd.s32 s24, v0;
	v18 =	vld.idx.msk [tilespmem:v10+s17+$0x0], $0xffff;
	v6 =	vadd.f32 v7, v6  }
0xc5: {  	v7 =	vmul.f32 v9, v14;
	v9 =	vld.idx.msk [tilespmem:v10+s18+$0x0], $0xffff;
	v10 =	vor.u32 v4, v8;
	v8 =	vand.u32 $0x7F, v19  }
0xc6: {  	s30 =	simm.s32 $0xE;
	v20 =	vld.idx.msk [tilespmem:v12+s17+$0x0], $0xffff;
	v21 =	vor.u32 v4, v8  }
0xc7: {  	v19 =	vld.idx.msk [tilespmem:v12+s18+$0x0], $0xffff;
	v6 =	vadd.f32 v7, v6;
	v7 =	vmul.f32 v11, v16;
	v11 =	vadd.s32 s30, v0  }
0xc8: {  	s31 =	simm.s32 $0xF;
	v13 =	vmul.f32 v13, v17;
	v8 =	vld.idx.msk [tilespmem:v15+s17+$0x0], $0xffff;
	v14 =	vand.u32 $0x7F, v11  }
0xc9: {  	v12 =	vld.idx.msk [tilespmem:v15+s18+$0x0], $0xffff;
	v11 =	vadd.s32 s31, v0;
	v6 =	vadd.f32 v7, v6;
	v14 =	vor.u32 v4, v14  }
0xca: {  	v15 =	vand.u32 $0x7F, v11;
	v7 =	vld.idx.msk [tilespmem:v10+s17+$0x0], $0xffff  }
0xcb: {  	s22 =	simm.s32 $0x11;
	v17 =	vmul.f32 v9, v18;
	v11 =	vld.idx.msk [tilespmem:v10+s18+$0x0], $0xffff;
	v10 =	vor.u32 v4, v15;
	v13 =	vadd.f32 v13, v6  }
0xcc: {  	s21 =	simm.s32 $0x10;
	v16 =	vadd.s32 s22, v0;
	v9 =	vld.idx.msk [tilespmem:v21+s17+$0x0], $0xffff  }
0xcd: {  	s24 =	simm.s32 $0x12;
	s22 =	simm.s32 $0x20;
	v6 =	vor.u32 s21, v5;
	v15 =	vadd.f32 v17, v13;
	v17 =	vmul.f32 v19, v20;
	v13 =	vld.idx.msk [tilespmem:v21+s18+$0x0], $0xffff  }
.LBB2_8:
0xce: {  	p0 =	slt.u32 s22, $0x70;
	v16 =	vand.u32 $0x7F, v16;
	v18 =	vadd.s32 s24, v0;
	v19 =	vld.idx.msk [tilespmem:v14+s17+$0x0], $0xffff  }
0xcf: {  	s24 =	sadd.s32 $0x3, s21;
	v8 =	vmul.f32 v12, v8;
	v16 =	vor.u32 v4, v16;
	v15 =	vadd.f32 v17, v15;
	v12 =	vld.idx.msk [tilespmem:v14+s18+$0x0], $0xffff  }
0xd0: {  	v14 =	vand.u32 $0x7F, v18;
	v17 =	vadd.s32 s24, v0;
	v18 =	vld.idx.msk [tilespmem:v10+s17+$0x0], $0xffff  }
0xd1: {  	s24 =	sadd.s32 $0x4, s21;
	v14 =	vor.u32 v4, v14;
	v7 =	vmul.f32 v11, v7;
	v8 =	vadd.f32 v8, v15;
	v10 =	vld.idx.msk [tilespmem:v10+s18+$0x0], $0xffff  }
0xd2: {  	v15 =	vand.u32 $0x7F, v17;
	v17 =	vadd.s32 s24, v0;
	v11 =	vld.idx.msk [tilespmem:v6+s17+$0x0], $0xffff  }
0xd3: {  	s24 =	sadd.s32 $0x5, s21;
	v15 =	vor.u32 v4, v15;
	v6 =	vld.idx.msk [tilespmem:v6+s18+$0x0], $0xffff;
	v7 =	vadd.f32 v7, v8;
	v8 =	vmul.f32 v13, v9  }
0xd4: {  	v13 =	vand.u32 $0x7F, v17;
	v17 =	vadd.s32 s24, v0;
	v9 =	vld.idx.msk [tilespmem:v16+s17+$0x0], $0xffff  }
0xd5: {  	s24 =	sadd.s32 $0x6, s21;
	v13 =	vor.u32 v4, v13;
	v16 =	vld.idx.msk [tilespmem:v16+s18+$0x0], $0xffff;
	v7 =	vadd.f32 v8, v7;
	v8 =	vmul.f32 v12, v19  }
0xd6: {  	v17 =	vand.u32 $0x7F, v17;
	v19 =	vadd.s32 s24, v0;
	v12 =	vld.idx.msk [tilespmem:v14+s17+$0x0], $0xffff  }
0xd7: {  	v17 =	vor.u32 v4, v17;
	s24 =	sadd.s32 $0x7, s21;
	v14 =	vld.idx.msk [tilespmem:v14+s18+$0x0], $0xffff;
	v7 =	vadd.f32 v8, v7;
	v8 =	vmul.f32 v10, v18  }
0xd8: {  	v18 =	vand.u32 $0x7F, v19;
	v19 =	vadd.s32 s24, v0;
	v10 =	vld.idx.msk [tilespmem:v15+s17+$0x0], $0xffff  }
0xd9: {  	s24 =	sadd.s32 $0x8, s21;
	v6 =	vmul.f32 v6, v11;
	v11 =	vld.idx.msk [tilespmem:v15+s18+$0x0], $0xffff;
	v15 =	vor.u32 v4, v18;
	v7 =	vadd.f32 v8, v7  }
0xda: {  	v18 =	vand.u32 $0x7F, v19;
	v19 =	vadd.s32 s24, v0;
	v8 =	vld.idx.msk [tilespmem:v13+s17+$0x0], $0xffff  }
0xdb: {  	s24 =	sadd.s32 $0x9, s21;
	v6 =	vadd.f32 v6, v7;
	v7 =	vmul.f32 v16, v9;
	v9 =	vld.idx.msk [tilespmem:v13+s18+$0x0], $0xffff;
	v13 =	vor.u32 v4, v18  }
0xdc: {  	v18 =	vand.u32 $0x7F, v19;
	v19 =	vadd.s32 s24, v0;
	v16 =	vld.idx.msk [tilespmem:v17+s17+$0x0], $0xffff  }
0xdd: {  	s24 =	sadd.s32 $0xA, s21;
	v6 =	vadd.f32 v7, v6;
	v7 =	vmul.f32 v14, v12;
	v12 =	vld.idx.msk [tilespmem:v17+s18+$0x0], $0xffff;
	v14 =	vor.u32 v4, v18  }
0xde: {  	v18 =	vand.u32 $0x7F, v19;
	v19 =	vadd.s32 s24, v0;
	v17 =	vld.idx.msk [tilespmem:v15+s17+$0x0], $0xffff  }
0xdf: {  	s24 =	sadd.s32 $0xB, s21;
	v6 =	vadd.f32 v7, v6;
	v7 =	vmul.f32 v11, v10;
	v10 =	vld.idx.msk [tilespmem:v15+s18+$0x0], $0xffff;
	v11 =	vor.u32 v4, v18  }
0xe0: {  	v18 =	vand.u32 $0x7F, v19;
	v19 =	vadd.s32 s24, v0;
	v15 =	vld.idx.msk [tilespmem:v13+s17+$0x0], $0xffff  }
0xe1: {  	s24 =	sadd.s32 $0xC, s21;
	v6 =	vadd.f32 v7, v6;
	v7 =	vmul.f32 v9, v8;
	v8 =	vld.idx.msk [tilespmem:v13+s18+$0x0], $0xffff;
	v9 =	vor.u32 v4, v18  }
0xe2: {  	v18 =	vand.u32 $0x7F, v19;
	v19 =	vadd.s32 s24, v0;
	v13 =	vld.idx.msk [tilespmem:v14+s17+$0x0], $0xffff  }
0xe3: {  	s24 =	sadd.s32 $0xD, s21;
	v6 =	vadd.f32 v7, v6;
	v7 =	vmul.f32 v12, v16;
	v12 =	vld.idx.msk [tilespmem:v14+s18+$0x0], $0xffff;
	v14 =	vor.u32 v4, v18  }
0xe4: {  	v18 =	vand.u32 $0x7F, v19;
	v19 =	vadd.s32 s24, v0;
	v16 =	vld.idx.msk [tilespmem:v11+s17+$0x0], $0xffff  }
0xe5: {  	s24 =	sadd.s32 $0xE, s21;
	v6 =	vadd.f32 v7, v6;
	v7 =	vmul.f32 v10, v17;
	v10 =	vld.idx.msk [tilespmem:v11+s18+$0x0], $0xffff;
	v11 =	vor.u32 v4, v18  }
0xe6: {  	v18 =	vand.u32 $0x7F, v19;
	v19 =	vadd.s32 s24, v0;
	v17 =	vld.idx.msk [tilespmem:v9+s17+$0x0], $0xffff  }
0xe7: {  	s24 =	sadd.s32 $0xF, s21;
	s21 =	smov.u32 s22;
	v18 =	vor.u32 v4, v18;
	v6 =	vadd.f32 v7, v6;
	v7 =	vmul.f32 v8, v15;
	v20 =	vld.idx.msk [tilespmem:v9+s18+$0x0], $0xffff  }
0xe8: {  	v9 =	vand.u32 $0x7F, v19;
	v15 =	vadd.s32 s24, v0;
	v8 =	vld.idx.msk [tilespmem:v14+s17+$0x0], $0xffff  }
.Ltmp2:
0xe9: {  	v13 =	vmul.f32 v12, v13;
	v6 =	vadd.f32 v7, v6;
	v12 =	vld.idx.msk [tilespmem:v14+s18+$0x0], $0xffff;
	v14 =	vor.u32 v4, v9;
	(pc) =	sbr.rel @p0 .LBB2_8-.Ltmp2, $4  }
0xea: {  	v9 =	vand.u32 $0x7F, v15;
	v7 =	vld.idx.msk [tilespmem:v11+s17+$0x0], $0xffff  }
0xeb: {  	v15 =	vmul.f32 v10, v16;
	v10 =	vor.u32 v4, v9;
	v13 =	vadd.f32 v13, v6;
	v11 =	vld.idx.msk [tilespmem:v11+s18+$0x0], $0xffff  }
0xec: {  	s24 =	sadd.s32 $0x1, s22;
	v6 =	vor.u32 s22, v5;
	v9 =	vld.idx.msk [tilespmem:v18+s17+$0x0], $0xffff  }
0xed: {  	v16 =	vadd.s32 s24, v0;
	s24 =	sadd.s32 $0x2, s21;
	s22 =	sadd.s32 $0x10, s22;
	v17 =	vmul.f32 v20, v17;
	v15 =	vadd.f32 v15, v13;
	v13 =	vld.idx.msk [tilespmem:v18+s18+$0x0], $0xffff  }
0xee: {  	_ =	sdelay $0x3  }
0xef: {  	v5 =	vand.u32 $0x7F, v16;
	v57 =	vld.idx.msk [tilespmem:v14+s17+$0x0], $0xffff;
	v8 =	vmul.f32 v12, v8;
	v15 =	vadd.f32 v17, v15  }
0xf0: {  	v58 =	vadd.s32 s24, v0;
	v59 =	vld.idx.msk [tilespmem:v14+s18+$0x0], $0xffff;
	v5 =	vor.u32 v4, v5  }
0xf1: {  	s22 =	sadd.s32 $0x3, s21;
	v60 =	vld.idx.msk [tilespmem:v10+s17+$0x0], $0xffff;
	v12 =	vand.u32 $0x7F, v58;
	v7 =	vmul.f32 v11, v7;
	v8 =	vadd.f32 v8, v15  }
0xf2: {  	v62 =	vld.idx.msk [tilespmem:v10+s18+$0x0], $0xffff;
	v61 =	vadd.s32 s22, v0;
	v12 =	vor.u32 v4, v12  }
0xf3: {  	s24 =	sadd.s32 $0x4, s21;
	v63 =	vld.idx.msk [tilespmem:v6+s17+$0x0], $0xffff;
	v11 =	vand.u32 $0x7F, v61;
	v19 =	vmul.f32 v13, v9;
	v7 =	vadd.f32 v7, v8  }
0xf4: {  	v21 =	vld.idx.msk [tilespmem:v6+s18+$0x0], $0xffff;
	v20 =	vadd.s32 s24, v0;
	v11 =	vor.u32 v4, v11  }
0xf5: {  	s30 =	sadd.s32 $0x5, s21;
	v9 =	vand.u32 $0x7F, v20;
	v23 =	vmul.f32 v59, v57;
	v22 =	vld.idx.msk [tilespmem:v5+s17+$0x0], $0xffff;
	v7 =	vadd.f32 v19, v7  }
0xf6: {  	v24 =	vadd.s32 s30, v0;
	v9 =	vor.u32 v4, v9;
	v5 =	vld.idx.msk [tilespmem:v5+s18+$0x0], $0xffff  }
0xf7: {  	s31 =	sadd.s32 $0x6, s21;
	v14 =	vand.u32 $0x7F, v24;
	v26 =	vmul.f32 v62, v60;
	v25 =	vld.idx.msk [tilespmem:v12+s17+$0x0], $0xffff;
	v7 =	vadd.f32 v23, v7  }
0xf8: {  	v27 =	vadd.s32 s31, v0;
	v14 =	vor.u32 v4, v14;
	v12 =	vld.idx.msk [tilespmem:v12+s18+$0x0], $0xffff  }
0xf9: {  	s24 =	sadd.s32 $0x7, s21;
	v10 =	vand.u32 $0x7F, v27;
	v6 =	vmul.f32 v21, v63;
	v28 =	vld.idx.msk [tilespmem:v11+s17+$0x0], $0xffff;
	v7 =	vadd.f32 v26, v7  }
0xfa: {  	v29 =	vadd.s32 s24, v0;
	v10 =	vor.u32 v4, v10;
	v11 =	vld.idx.msk [tilespmem:v11+s18+$0x0], $0xffff  }
0xfb: {  	s30 =	sadd.s32 $0x8, s21;
	v8 =	vand.u32 $0x7F, v29;
	v30 =	vld.idx.msk [tilespmem:v9+s17+$0x0], $0xffff;
	v5 =	vmul.f32 v5, v22;
	v6 =	vadd.f32 v6, v7  }
0xfc: {  	v31 =	vadd.s32 s30, v0;
	v8 =	vor.u32 v4, v8;
	v9 =	vld.idx.msk [tilespmem:v9+s18+$0x0], $0xffff  }
0xfd: {  	s31 =	sadd.s32 $0x9, s21;
	v32 =	vld.idx.msk [tilespmem:v14+s17+$0x0], $0xffff;
	v33 =	vmul.f32 v12, v25;
	v7 =	vand.u32 $0x7F, v31;
	v5 =	vadd.f32 v5, v6  }
0xfe: {  	v34 =	vadd.s32 s31, v0;
	v14 =	vld.idx.msk [tilespmem:v14+s18+$0x0], $0xffff;
	v7 =	vor.u32 v4, v7  }
0xff: {  	s24 =	sadd.s32 $0xA, s21;
	v35 =	vld.idx.msk [tilespmem:v10+s17+$0x0], $0xffff;
	v12 =	vand.u32 $0x7F, v34;
	v36 =	vmul.f32 v11, v28;
	v5 =	vadd.f32 v33, v5  }
0x100: {  	v37 =	vadd.s32 s24, v0;
	v10 =	vld.idx.msk [tilespmem:v10+s18+$0x0], $0xffff;
	v12 =	vor.u32 v4, v12  }
0x101: {  	s30 =	sadd.s32 $0xB, s21;
	v38 =	vld.idx.msk [tilespmem:v8+s17+$0x0], $0xffff;
	v11 =	vand.u32 $0x7F, v37;
	v39 =	vmul.f32 v9, v30;
	v5 =	vadd.f32 v36, v5  }
0x102: {  	v40 =	vadd.s32 s30, v0;
	v8 =	vld.idx.msk [tilespmem:v8+s18+$0x0], $0xffff;
	v11 =	vor.u32 v4, v11  }
0x103: {  	s31 =	sadd.s32 $0xC, s21;
	v42 =	vmul.f32 v14, v32;
	v9 =	vand.u32 $0x7F, v40;
	v41 =	vld.idx.msk [tilespmem:v7+s17+$0x0], $0xffff;
	v5 =	vadd.f32 v39, v5  }
0x104: {  	v43 =	vadd.s32 s31, v0;
	v9 =	vor.u32 v4, v9;
	v7 =	vld.idx.msk [tilespmem:v7+s18+$0x0], $0xffff  }
0x105: {  	s24 =	sadd.s32 $0xD, s21;
	v13 =	vand.u32 $0x7F, v43;
	v45 =	vmul.f32 v10, v35;
	v44 =	vld.idx.msk [tilespmem:v12+s17+$0x0], $0xffff;
	v5 =	vadd.f32 v42, v5  }
0x106: {  	v46 =	vadd.s32 s24, v0;
	v13 =	vor.u32 v4, v13;
	v12 =	vld.idx.msk [tilespmem:v12+s18+$0x0], $0xffff  }
0x107: {  	s30 =	sadd.s32 $0xE, s21;
	v10 =	vand.u32 $0x7F, v46;
	v48 =	vmul.f32 v8, v38;
	v47 =	vld.idx.msk [tilespmem:v11+s17+$0x0], $0xffff;
	v5 =	vadd.f32 v45, v5  }
0x108: {  	v49 =	vadd.s32 s30, v0;
	v10 =	vor.u32 v4, v10;
	v11 =	vld.idx.msk [tilespmem:v11+s18+$0x0], $0xffff  }
0x109: {  	s31 =	sadd.s32 $0xF, s21;
	v8 =	vand.u32 $0x7F, v49;
	v50 =	vld.idx.msk [tilespmem:v9+s17+$0x0], $0xffff;
	v51 =	vmul.f32 v7, v41;
	v5 =	vadd.f32 v48, v5  }
0x10a: {  	v52 =	vadd.s32 s31, v0;
	v8 =	vor.u32 v4, v8;
	v9 =	vld.idx.msk [tilespmem:v9+s18+$0x0], $0xffff  }
0x10b: {  	v53 =	vld.idx.msk [tilespmem:v13+s17+$0x0], $0xffff;
	v54 =	vmul.f32 v12, v44;
	v7 =	vand.u32 $0x7F, v52;
	v5 =	vadd.f32 v51, v5  }
0x10c: {  	v55 =	vld.idx.msk [tilespmem:v13+s18+$0x0], $0xffff;
	v4 =	vor.u32 v4, v7  }
0x10d: {  	v56 =	vld.idx.msk [tilespmem:v10+s17+$0x0], $0xffff;
	v57 =	vmul.f32 v11, v47;
	v5 =	vadd.f32 v54, v5  }
0x10e: {  	v10 =	vld.idx.msk [tilespmem:v10+s18+$0x0], $0xffff  }
0x10f: {  	v58 =	vld.idx.msk [tilespmem:v8+s17+$0x0], $0xffff;
	v59 =	vmul.f32 v9, v50;
	v5 =	vadd.f32 v57, v5  }
0x110: {  	v8 =	vld.idx.msk [tilespmem:v8+s18+$0x0], $0xffff  }
0x111: {  	v61 =	vmul.f32 v55, v53;
	v60 =	vld.idx.msk [tilespmem:v4+s17+$0x0], $0xffff;
	v5 =	vadd.f32 v59, v5  }
0x112: {  	v4 =	vld.idx.msk [tilespmem:v4+s18+$0x0], $0xffff  }
0x113: {  	v62 =	vmul.f32 v10, v56;
	v5 =	vadd.f32 v61, v5;
	_ =	sdelay $0x1  }
0x114: {  	v63 =	vmul.f32 v8, v58;
	v5 =	vadd.f32 v62, v5;
	_ =	sdelay $0x1  }
0x115: {  	s1 =	sadd.s32 $0x1, s1;
	v4 =	vmul.f32 v4, v60;
	v5 =	vadd.f32 v63, v5  }
0x116: {  	p0 =	sne.s32 s1, $0xC  }
.Ltmp3:
0x117: {  	v4 =	vadd.f32 v4, v5;
	(pc) =	sbr.rel @p0 .LBB2_7-.Ltmp3, $3  }
0x118: {  	_ = 	snop  }
0x119: {  	v4 =	vadd.f32 v4, v2;
	_ =	sdelay $0x1  }
0x11a: {  	[tilespmem:v3+s10+$0x0 ss:$0x1] =	vst.idx.msk $0xffff, v4  }
0x11b: {  	s29 =	sadd.s32 $0x1, s29  }
0x11c: {  	p0 =	sne.s32 s29, $0x19  }
.Ltmp4:
0x11d: {  	_ = 	snop;
	(pc) =	sbr.rel @p0 .LBB2_2-.Ltmp4, $1  }
0x11e: {  	_ =	sdelay $0x3  }
0x11f: {  	s0 =	simm.s32 $0x2640  }
0x120: {  	[tilespmem:s17], [sflag:$0x2] =	stream.indirect.gather [hbm4b:s3+s14], $0x80, s0, s14, $0xb8;
	[tilespmem:$0x1F700] =	vst v63  }
0x121: {  	s31 =	simm.s32 $0x4DC0  }
0x122: {  	[tilespmem:s18], [sflag:$0x2] =	stream.indirect.gather [hbm4b:s4+s14], $0x80, s31, s14, $0xb8;
	[tilespmem:$0x1F700] =	vst v63  }
0x123: {  	_ =	swait.ge [sflag:s19], $0x6000  }
0x124: {  	[sflag:s19] =	ssyncset.done $0x0  }
0x125: {  	[sflag:s19] =	ssyncadd.s32 $0xFFFFA000  }
0x126: {  	_ =	swait.ge [sflag:s19], $0x6000  }
0x127: {  	[sflag:s19] =	ssyncset.done $0x0  }
0x128: {  	s1 =	simm.s32 $0x0;
	s0 =	simm.s32 $0x0;
	[sflag:s19] =	ssyncadd.s32 $0xFFFFA000  }
.LBB2_12:
0x129: {  	s10 =	sshll.u32 s1, $0x4  }
0x12a: {  	v3 =	vmov s10  }
0x12b: {  	v3 =	vshll.u32 v3, $0x7  }
0x12c: {  	v3 =	vor.u32 v1, v3  }
0x12d: {  	s21 =	simm.s32 $0x1;
	v4 =	vor.u32 v0, v3  }
0x12e: {  	v6 =	vadd.s32 s21, v0;
	v5 =	vor.u32 s0, v4  }
0x12f: {  	s24 =	simm.s32 $0x2;
	v6 =	vand.u32 $0x7F, v6  }
0x130: {  	v7 =	vadd.s32 s24, v0;
	v6 =	vor.u32 v3, v6  }
0x131: {  	s29 =	simm.s32 $0x3;
	v7 =	vand.u32 $0x7F, v7  }
0x132: {  	v8 =	vadd.s32 s29, v0;
	v7 =	vor.u32 v3, v7  }
0x133: {  	s30 =	simm.s32 $0x4;
	v8 =	vand.u32 $0x7F, v8;
	v9 =	vld.idx.msk [tilespmem:v5+s15+$0x0], $0xffff  }
0x134: {  	v10 =	vadd.s32 s30, v0;
	v8 =	vor.u32 v3, v8;
	v5 =	vld.idx.msk [tilespmem:v5+s16+$0x0], $0xffff  }
0x135: {  	s31 =	simm.s32 $0x5;
	v10 =	vand.u32 $0x7F, v10;
	v11 =	vld.idx.msk [tilespmem:v6+s15+$0x0], $0xffff  }
0x136: {  	v12 =	vadd.s32 s31, v0;
	v10 =	vor.u32 v3, v10;
	v6 =	vld.idx.msk [tilespmem:v6+s16+$0x0], $0xffff  }
0x137: {  	s22 =	simm.s32 $0x6;
	v12 =	vand.u32 $0x7F, v12;
	v13 =	vld.idx.msk [tilespmem:v7+s15+$0x0], $0xffff  }
0x138: {  	v14 =	vadd.s32 s22, v0;
	v12 =	vor.u32 v3, v12;
	v7 =	vld.idx.msk [tilespmem:v7+s16+$0x0], $0xffff  }
0x139: {  	s24 =	simm.s32 $0x7;
	v14 =	vand.u32 $0x7F, v14;
	v15 =	vld.idx.msk [tilespmem:v8+s15+$0x0], $0xffff;
	v5 =	vmul.f32 v5, v9  }
0x13a: {  	v16 =	vadd.s32 s24, v0;
	v8 =	vld.idx.msk [tilespmem:v8+s16+$0x0], $0xffff;
	v9 =	vor.u32 v3, v14;
	v14 =	vimm.f32 $0.0e+00  }
0x13b: {  	s29 =	simm.s32 $0x8;
	v16 =	vand.u32 $0x7F, v16;
	v17 =	vld.idx.msk [tilespmem:v10+s15+$0x0], $0xffff;
	v6 =	vmul.f32 v6, v11;
	v5 =	vadd.f32 v5, v14  }
0x13c: {  	v18 =	vadd.s32 s29, v0;
	v10 =	vld.idx.msk [tilespmem:v10+s16+$0x0], $0xffff;
	v11 =	vor.u32 v3, v16  }
0x13d: {  	s30 =	simm.s32 $0x9;
	v16 =	vand.u32 $0x7F, v18;
	v14 =	vld.idx.msk [tilespmem:v12+s15+$0x0], $0xffff;
	v5 =	vadd.f32 v6, v5;
	v6 =	vmul.f32 v7, v13  }
0x13e: {  	v18 =	vadd.s32 s30, v0;
	v7 =	vld.idx.msk [tilespmem:v12+s16+$0x0], $0xffff;
	v12 =	vor.u32 v3, v16  }
0x13f: {  	s31 =	simm.s32 $0xA;
	v16 =	vand.u32 $0x7F, v18;
	v13 =	vld.idx.msk [tilespmem:v9+s15+$0x0], $0xffff;
	v5 =	vadd.f32 v6, v5;
	v6 =	vmul.f32 v8, v15  }
0x140: {  	v18 =	vadd.s32 s31, v0;
	v8 =	vld.idx.msk [tilespmem:v9+s16+$0x0], $0xffff;
	v9 =	vor.u32 v3, v16  }
0x141: {  	s22 =	simm.s32 $0xB;
	v15 =	vld.idx.msk [tilespmem:v11+s15+$0x0], $0xffff;
	v16 =	vand.u32 $0x7F, v18;
	v5 =	vadd.f32 v6, v5;
	v6 =	vmul.f32 v10, v17  }
0x142: {  	v18 =	vadd.s32 s22, v0;
	v10 =	vld.idx.msk [tilespmem:v11+s16+$0x0], $0xffff;
	v11 =	vor.u32 v3, v16  }
0x143: {  	s24 =	simm.s32 $0xC;
	v17 =	vand.u32 $0x7F, v18;
	v16 =	vld.idx.msk [tilespmem:v12+s15+$0x0], $0xffff;
	v5 =	vadd.f32 v6, v5;
	v6 =	vmul.f32 v7, v14  }
0x144: {  	s29 =	simm.s32 $0xD;
	v18 =	vadd.s32 s24, v0;
	v12 =	vld.idx.msk [tilespmem:v12+s16+$0x0], $0xffff;
	v14 =	vor.u32 v3, v17  }
0x145: {  	v7 =	vand.u32 $0x7F, v18;
	v18 =	vadd.s32 s29, v0;
	v17 =	vld.idx.msk [tilespmem:v9+s15+$0x0], $0xffff;
	v5 =	vadd.f32 v6, v5  }
0x146: {  	v6 =	vmul.f32 v8, v13;
	v8 =	vld.idx.msk [tilespmem:v9+s16+$0x0], $0xffff;
	v9 =	vor.u32 v3, v7;
	v7 =	vand.u32 $0x7F, v18  }
0x147: {  	s30 =	simm.s32 $0xE;
	v19 =	vld.idx.msk [tilespmem:v11+s15+$0x0], $0xffff;
	v20 =	vor.u32 v3, v7  }
0x148: {  	v18 =	vld.idx.msk [tilespmem:v11+s16+$0x0], $0xffff;
	v5 =	vadd.f32 v6, v5;
	v6 =	vmul.f32 v10, v15;
	v10 =	vadd.s32 s30, v0  }
0x149: {  	s31 =	simm.s32 $0xF;
	v12 =	vmul.f32 v12, v16;
	v7 =	vld.idx.msk [tilespmem:v14+s15+$0x0], $0xffff;
	v13 =	vand.u32 $0x7F, v10  }
0x14a: {  	v11 =	vld.idx.msk [tilespmem:v14+s16+$0x0], $0xffff;
	v10 =	vadd.s32 s31, v0;
	v5 =	vadd.f32 v6, v5;
	v13 =	vor.u32 v3, v13  }
0x14b: {  	v14 =	vand.u32 $0x7F, v10;
	v6 =	vld.idx.msk [tilespmem:v9+s15+$0x0], $0xffff  }
0x14c: {  	s22 =	simm.s32 $0x11;
	v16 =	vmul.f32 v8, v17;
	v10 =	vld.idx.msk [tilespmem:v9+s16+$0x0], $0xffff;
	v9 =	vor.u32 v3, v14;
	v12 =	vadd.f32 v12, v5  }
0x14d: {  	s21 =	simm.s32 $0x10;
	v15 =	vadd.s32 s22, v0;
	v8 =	vld.idx.msk [tilespmem:v20+s15+$0x0], $0xffff  }
0x14e: {  	s24 =	simm.s32 $0x12;
	s22 =	simm.s32 $0x20;
	v5 =	vor.u32 s21, v4;
	v14 =	vadd.f32 v16, v12;
	v16 =	vmul.f32 v18, v19;
	v12 =	vld.idx.msk [tilespmem:v20+s16+$0x0], $0xffff  }
.LBB2_13:
0x14f: {  	p0 =	slt.u32 s22, $0x70;
	v15 =	vand.u32 $0x7F, v15;
	v17 =	vadd.s32 s24, v0;
	v18 =	vld.idx.msk [tilespmem:v13+s15+$0x0], $0xffff  }
0x150: {  	s24 =	sadd.s32 $0x3, s21;
	v7 =	vmul.f32 v11, v7;
	v15 =	vor.u32 v3, v15;
	v14 =	vadd.f32 v16, v14;
	v11 =	vld.idx.msk [tilespmem:v13+s16+$0x0], $0xffff  }
0x151: {  	v13 =	vand.u32 $0x7F, v17;
	v16 =	vadd.s32 s24, v0;
	v17 =	vld.idx.msk [tilespmem:v9+s15+$0x0], $0xffff  }
0x152: {  	s24 =	sadd.s32 $0x4, s21;
	v13 =	vor.u32 v3, v13;
	v6 =	vmul.f32 v10, v6;
	v7 =	vadd.f32 v7, v14;
	v9 =	vld.idx.msk [tilespmem:v9+s16+$0x0], $0xffff  }
0x153: {  	v14 =	vand.u32 $0x7F, v16;
	v16 =	vadd.s32 s24, v0;
	v10 =	vld.idx.msk [tilespmem:v5+s15+$0x0], $0xffff  }
0x154: {  	s24 =	sadd.s32 $0x5, s21;
	v14 =	vor.u32 v3, v14;
	v5 =	vld.idx.msk [tilespmem:v5+s16+$0x0], $0xffff;
	v6 =	vadd.f32 v6, v7;
	v7 =	vmul.f32 v12, v8  }
0x155: {  	v12 =	vand.u32 $0x7F, v16;
	v16 =	vadd.s32 s24, v0;
	v8 =	vld.idx.msk [tilespmem:v15+s15+$0x0], $0xffff  }
0x156: {  	s24 =	sadd.s32 $0x6, s21;
	v12 =	vor.u32 v3, v12;
	v15 =	vld.idx.msk [tilespmem:v15+s16+$0x0], $0xffff;
	v6 =	vadd.f32 v7, v6;
	v7 =	vmul.f32 v11, v18  }
0x157: {  	v16 =	vand.u32 $0x7F, v16;
	v18 =	vadd.s32 s24, v0;
	v11 =	vld.idx.msk [tilespmem:v13+s15+$0x0], $0xffff  }
0x158: {  	v16 =	vor.u32 v3, v16;
	s24 =	sadd.s32 $0x7, s21;
	v13 =	vld.idx.msk [tilespmem:v13+s16+$0x0], $0xffff;
	v6 =	vadd.f32 v7, v6;
	v7 =	vmul.f32 v9, v17  }
0x159: {  	v17 =	vand.u32 $0x7F, v18;
	v18 =	vadd.s32 s24, v0;
	v9 =	vld.idx.msk [tilespmem:v14+s15+$0x0], $0xffff  }
0x15a: {  	s24 =	sadd.s32 $0x8, s21;
	v5 =	vmul.f32 v5, v10;
	v10 =	vld.idx.msk [tilespmem:v14+s16+$0x0], $0xffff;
	v14 =	vor.u32 v3, v17;
	v6 =	vadd.f32 v7, v6  }
0x15b: {  	v17 =	vand.u32 $0x7F, v18;
	v18 =	vadd.s32 s24, v0;
	v7 =	vld.idx.msk [tilespmem:v12+s15+$0x0], $0xffff  }
0x15c: {  	s24 =	sadd.s32 $0x9, s21;
	v5 =	vadd.f32 v5, v6;
	v6 =	vmul.f32 v15, v8;
	v8 =	vld.idx.msk [tilespmem:v12+s16+$0x0], $0xffff;
	v12 =	vor.u32 v3, v17  }
0x15d: {  	v17 =	vand.u32 $0x7F, v18;
	v18 =	vadd.s32 s24, v0;
	v15 =	vld.idx.msk [tilespmem:v16+s15+$0x0], $0xffff  }
0x15e: {  	s24 =	sadd.s32 $0xA, s21;
	v5 =	vadd.f32 v6, v5;
	v6 =	vmul.f32 v13, v11;
	v11 =	vld.idx.msk [tilespmem:v16+s16+$0x0], $0xffff;
	v13 =	vor.u32 v3, v17  }
0x15f: {  	v17 =	vand.u32 $0x7F, v18;
	v18 =	vadd.s32 s24, v0;
	v16 =	vld.idx.msk [tilespmem:v14+s15+$0x0], $0xffff  }
0x160: {  	s24 =	sadd.s32 $0xB, s21;
	v5 =	vadd.f32 v6, v5;
	v6 =	vmul.f32 v10, v9;
	v9 =	vld.idx.msk [tilespmem:v14+s16+$0x0], $0xffff;
	v10 =	vor.u32 v3, v17  }
0x161: {  	v17 =	vand.u32 $0x7F, v18;
	v18 =	vadd.s32 s24, v0;
	v14 =	vld.idx.msk [tilespmem:v12+s15+$0x0], $0xffff  }
0x162: {  	s24 =	sadd.s32 $0xC, s21;
	v5 =	vadd.f32 v6, v5;
	v6 =	vmul.f32 v8, v7;
	v7 =	vld.idx.msk [tilespmem:v12+s16+$0x0], $0xffff;
	v8 =	vor.u32 v3, v17  }
0x163: {  	v17 =	vand.u32 $0x7F, v18;
	v18 =	vadd.s32 s24, v0;
	v12 =	vld.idx.msk [tilespmem:v13+s15+$0x0], $0xffff  }
0x164: {  	s24 =	sadd.s32 $0xD, s21;
	v5 =	vadd.f32 v6, v5;
	v6 =	vmul.f32 v11, v15;
	v11 =	vld.idx.msk [tilespmem:v13+s16+$0x0], $0xffff;
	v13 =	vor.u32 v3, v17  }
0x165: {  	v17 =	vand.u32 $0x7F, v18;
	v18 =	vadd.s32 s24, v0;
	v15 =	vld.idx.msk [tilespmem:v10+s15+$0x0], $0xffff  }
0x166: {  	s24 =	sadd.s32 $0xE, s21;
	v5 =	vadd.f32 v6, v5;
	v6 =	vmul.f32 v9, v16;
	v9 =	vld.idx.msk [tilespmem:v10+s16+$0x0], $0xffff;
	v10 =	vor.u32 v3, v17  }
0x167: {  	v17 =	vand.u32 $0x7F, v18;
	v18 =	vadd.s32 s24, v0;
	v16 =	vld.idx.msk [tilespmem:v8+s15+$0x0], $0xffff  }
0x168: {  	s24 =	sadd.s32 $0xF, s21;
	s21 =	smov.u32 s22;
	v17 =	vor.u32 v3, v17;
	v5 =	vadd.f32 v6, v5;
	v6 =	vmul.f32 v7, v14;
	v19 =	vld.idx.msk [tilespmem:v8+s16+$0x0], $0xffff  }
0x169: {  	v8 =	vand.u32 $0x7F, v18;
	v14 =	vadd.s32 s24, v0;
	v7 =	vld.idx.msk [tilespmem:v13+s15+$0x0], $0xffff  }
.Ltmp5:
0x16a: {  	v12 =	vmul.f32 v11, v12;
	v5 =	vadd.f32 v6, v5;
	v11 =	vld.idx.msk [tilespmem:v13+s16+$0x0], $0xffff;
	v13 =	vor.u32 v3, v8;
	(pc) =	sbr.rel @p0 .LBB2_13-.Ltmp5, $4  }
0x16b: {  	v8 =	vand.u32 $0x7F, v14;
	v6 =	vld.idx.msk [tilespmem:v10+s15+$0x0], $0xffff  }
0x16c: {  	v14 =	vmul.f32 v9, v15;
	v9 =	vor.u32 v3, v8;
	v12 =	vadd.f32 v12, v5;
	v10 =	vld.idx.msk [tilespmem:v10+s16+$0x0], $0xffff  }
0x16d: {  	s24 =	sadd.s32 $0x1, s22;
	v5 =	vor.u32 s22, v4;
	v8 =	vld.idx.msk [tilespmem:v17+s15+$0x0], $0xffff  }
0x16e: {  	v15 =	vadd.s32 s24, v0;
	s24 =	sadd.s32 $0x2, s21;
	s22 =	sadd.s32 $0x10, s22;
	v16 =	vmul.f32 v19, v16;
	v14 =	vadd.f32 v14, v12;
	v12 =	vld.idx.msk [tilespmem:v17+s16+$0x0], $0xffff  }
0x16f: {  	_ =	sdelay $0x3  }
0x170: {  	v4 =	vand.u32 $0x7F, v15;
	v57 =	vld.idx.msk [tilespmem:v13+s15+$0x0], $0xffff;
	v7 =	vmul.f32 v11, v7;
	v14 =	vadd.f32 v16, v14  }
0x171: {  	v58 =	vadd.s32 s24, v0;
	v59 =	vld.idx.msk [tilespmem:v13+s16+$0x0], $0xffff;
	v4 =	vor.u32 v3, v4  }
0x172: {  	s22 =	sadd.s32 $0x3, s21;
	v60 =	vld.idx.msk [tilespmem:v9+s15+$0x0], $0xffff;
	v11 =	vand.u32 $0x7F, v58;
	v6 =	vmul.f32 v10, v6;
	v7 =	vadd.f32 v7, v14  }
0x173: {  	v62 =	vld.idx.msk [tilespmem:v9+s16+$0x0], $0xffff;
	v61 =	vadd.s32 s22, v0;
	v11 =	vor.u32 v3, v11  }
0x174: {  	s24 =	sadd.s32 $0x4, s21;
	v63 =	vld.idx.msk [tilespmem:v5+s15+$0x0], $0xffff;
	v10 =	vand.u32 $0x7F, v61;
	v19 =	vmul.f32 v12, v8;
	v6 =	vadd.f32 v6, v7  }
0x175: {  	v21 =	vld.idx.msk [tilespmem:v5+s16+$0x0], $0xffff;
	v20 =	vadd.s32 s24, v0;
	v10 =	vor.u32 v3, v10  }
0x176: {  	s29 =	sadd.s32 $0x5, s21;
	v8 =	vand.u32 $0x7F, v20;
	v23 =	vmul.f32 v59, v57;
	v22 =	vld.idx.msk [tilespmem:v4+s15+$0x0], $0xffff;
	v6 =	vadd.f32 v19, v6  }
0x177: {  	v24 =	vadd.s32 s29, v0;
	v8 =	vor.u32 v3, v8;
	v4 =	vld.idx.msk [tilespmem:v4+s16+$0x0], $0xffff  }
0x178: {  	s30 =	sadd.s32 $0x6, s21;
	v13 =	vand.u32 $0x7F, v24;
	v26 =	vmul.f32 v62, v60;
	v25 =	vld.idx.msk [tilespmem:v11+s15+$0x0], $0xffff;
	v6 =	vadd.f32 v23, v6  }
0x179: {  	v27 =	vadd.s32 s30, v0;
	v13 =	vor.u32 v3, v13;
	v11 =	vld.idx.msk [tilespmem:v11+s16+$0x0], $0xffff  }
0x17a: {  	s31 =	sadd.s32 $0x7, s21;
	v9 =	vand.u32 $0x7F, v27;
	v5 =	vmul.f32 v21, v63;
	v28 =	vld.idx.msk [tilespmem:v10+s15+$0x0], $0xffff;
	v6 =	vadd.f32 v26, v6  }
0x17b: {  	v29 =	vadd.s32 s31, v0;
	v9 =	vor.u32 v3, v9;
	v10 =	vld.idx.msk [tilespmem:v10+s16+$0x0], $0xffff  }
0x17c: {  	s24 =	sadd.s32 $0x8, s21;
	v7 =	vand.u32 $0x7F, v29;
	v30 =	vld.idx.msk [tilespmem:v8+s15+$0x0], $0xffff;
	v4 =	vmul.f32 v4, v22;
	v5 =	vadd.f32 v5, v6  }
0x17d: {  	v31 =	vadd.s32 s24, v0;
	v7 =	vor.u32 v3, v7;
	v8 =	vld.idx.msk [tilespmem:v8+s16+$0x0], $0xffff  }
0x17e: {  	s29 =	sadd.s32 $0x9, s21;
	v32 =	vld.idx.msk [tilespmem:v13+s15+$0x0], $0xffff;
	v33 =	vmul.f32 v11, v25;
	v6 =	vand.u32 $0x7F, v31;
	v4 =	vadd.f32 v4, v5  }
0x17f: {  	v34 =	vadd.s32 s29, v0;
	v13 =	vld.idx.msk [tilespmem:v13+s16+$0x0], $0xffff;
	v6 =	vor.u32 v3, v6  }
0x180: {  	s30 =	sadd.s32 $0xA, s21;
	v35 =	vld.idx.msk [tilespmem:v9+s15+$0x0], $0xffff;
	v11 =	vand.u32 $0x7F, v34;
	v36 =	vmul.f32 v10, v28;
	v4 =	vadd.f32 v33, v4  }
0x181: {  	v37 =	vadd.s32 s30, v0;
	v9 =	vld.idx.msk [tilespmem:v9+s16+$0x0], $0xffff;
	v11 =	vor.u32 v3, v11  }
0x182: {  	s31 =	sadd.s32 $0xB, s21;
	v38 =	vld.idx.msk [tilespmem:v7+s15+$0x0], $0xffff;
	v10 =	vand.u32 $0x7F, v37;
	v39 =	vmul.f32 v8, v30;
	v4 =	vadd.f32 v36, v4  }
0x183: {  	v40 =	vadd.s32 s31, v0;
	v7 =	vld.idx.msk [tilespmem:v7+s16+$0x0], $0xffff;
	v10 =	vor.u32 v3, v10  }
0x184: {  	s24 =	sadd.s32 $0xC, s21;
	v42 =	vmul.f32 v13, v32;
	v8 =	vand.u32 $0x7F, v40;
	v41 =	vld.idx.msk [tilespmem:v6+s15+$0x0], $0xffff;
	v4 =	vadd.f32 v39, v4  }
0x185: {  	v43 =	vadd.s32 s24, v0;
	v8 =	vor.u32 v3, v8;
	v6 =	vld.idx.msk [tilespmem:v6+s16+$0x0], $0xffff  }
0x186: {  	s29 =	sadd.s32 $0xD, s21;
	v12 =	vand.u32 $0x7F, v43;
	v45 =	vmul.f32 v9, v35;
	v44 =	vld.idx.msk [tilespmem:v11+s15+$0x0], $0xffff;
	v4 =	vadd.f32 v42, v4  }
0x187: {  	v46 =	vadd.s32 s29, v0;
	v12 =	vor.u32 v3, v12;
	v11 =	vld.idx.msk [tilespmem:v11+s16+$0x0], $0xffff  }
0x188: {  	s30 =	sadd.s32 $0xE, s21;
	v9 =	vand.u32 $0x7F, v46;
	v48 =	vmul.f32 v7, v38;
	v47 =	vld.idx.msk [tilespmem:v10+s15+$0x0], $0xffff;
	v4 =	vadd.f32 v45, v4  }
0x189: {  	v49 =	vadd.s32 s30, v0;
	v9 =	vor.u32 v3, v9;
	v10 =	vld.idx.msk [tilespmem:v10+s16+$0x0], $0xffff  }
0x18a: {  	s31 =	sadd.s32 $0xF, s21;
	v7 =	vand.u32 $0x7F, v49;
	v50 =	vld.idx.msk [tilespmem:v8+s15+$0x0], $0xffff;
	v51 =	vmul.f32 v6, v41;
	v4 =	vadd.f32 v48, v4  }
0x18b: {  	v52 =	vadd.s32 s31, v0;
	v7 =	vor.u32 v3, v7;
	v8 =	vld.idx.msk [tilespmem:v8+s16+$0x0], $0xffff  }
0x18c: {  	v53 =	vld.idx.msk [tilespmem:v12+s15+$0x0], $0xffff;
	v54 =	vmul.f32 v11, v44;
	v6 =	vand.u32 $0x7F, v52;
	v4 =	vadd.f32 v51, v4  }
0x18d: {  	v55 =	vld.idx.msk [tilespmem:v12+s16+$0x0], $0xffff;
	v3 =	vor.u32 v3, v6  }
0x18e: {  	v56 =	vld.idx.msk [tilespmem:v9+s15+$0x0], $0xffff;
	v57 =	vmul.f32 v10, v47;
	v4 =	vadd.f32 v54, v4  }
0x18f: {  	v9 =	vld.idx.msk [tilespmem:v9+s16+$0x0], $0xffff  }
0x190: {  	v58 =	vld.idx.msk [tilespmem:v7+s15+$0x0], $0xffff;
	v59 =	vmul.f32 v8, v50;
	v4 =	vadd.f32 v57, v4  }
0x191: {  	v7 =	vld.idx.msk [tilespmem:v7+s16+$0x0], $0xffff  }
0x192: {  	v61 =	vmul.f32 v55, v53;
	v60 =	vld.idx.msk [tilespmem:v3+s15+$0x0], $0xffff;
	v4 =	vadd.f32 v59, v4  }
0x193: {  	v3 =	vld.idx.msk [tilespmem:v3+s16+$0x0], $0xffff  }
0x194: {  	v62 =	vmul.f32 v9, v56;
	v4 =	vadd.f32 v61, v4;
	_ =	sdelay $0x1  }
0x195: {  	v63 =	vmul.f32 v7, v58;
	v4 =	vadd.f32 v62, v4;
	_ =	sdelay $0x1  }
0x196: {  	s1 =	sadd.s32 $0x1, s1;
	v3 =	vmul.f32 v3, v60;
	v4 =	vadd.f32 v63, v4  }
0x197: {  	p0 =	sne.s32 s1, $0xC  }
.Ltmp6:
0x198: {  	v3 =	vadd.f32 v3, v4;
	(pc) =	sbr.rel @p0 .LBB2_12-.Ltmp6, $4  }
0x199: {  	_ = 	snop  }
0x19a: {  	v3 =	vadd.f32 v3, v2  }
0x19b: {  	s10 =	sand.u32 $0xF0, s10  }
0x19c: {  	[tilespmem:s10+$0x1F480] =	vst v3  }
0x19d: {  	s0 =	simm.s32 $0x2700  }
0x19e: {  	[tilespmem:s15], [sflag:$0x1] =	stream.indirect.gather [hbm4b:s3+s23], $0x80, s0, s23, $0xb8;
	[tilespmem:$0x1F700] =	vst v63  }
0x19f: {  	_ = 	snop  }
0x1a0: {  	[tilespmem:s16], [sflag:$0x1] =	stream.indirect.gather [hbm4b:s4+s23], $0x80, s25, s23, $0xb8;
	[tilespmem:$0x1F700] =	vst v63  }
0x1a1: {  	_ =	swait.ge [sflag:s20], $0x6000  }
0x1a2: {  	[sflag:s20] =	ssyncset.done $0x0  }
0x1a3: {  	[sflag:s20] =	ssyncadd.s32 $0xFFFFA000  }
0x1a4: {  	_ =	swait.ge [sflag:s20], $0x6000  }
0x1a5: {  	[sflag:s20] =	ssyncset.done $0x0  }
0x1a6: {  	s1 =	simm.s32 $0x0;
	s0 =	simm.s32 $0x0;
	[sflag:s20] =	ssyncadd.s32 $0xFFFFA000  }
.LBB2_16:
0x1a7: {  	s10 =	sshll.u32 s1, $0x4  }
0x1a8: {  	v3 =	vmov s10  }
0x1a9: {  	v3 =	vshll.u32 v3, $0x7  }
0x1aa: {  	v3 =	vor.u32 v1, v3  }
0x1ab: {  	s21 =	simm.s32 $0x1;
	v4 =	vor.u32 v0, v3  }
0x1ac: {  	v6 =	vadd.s32 s21, v0;
	v5 =	vor.u32 s0, v4  }
0x1ad: {  	s24 =	simm.s32 $0x2;
	v6 =	vand.u32 $0x7F, v6  }
0x1ae: {  	v7 =	vadd.s32 s24, v0;
	v6 =	vor.u32 v3, v6  }
0x1af: {  	s29 =	simm.s32 $0x3;
	v7 =	vand.u32 $0x7F, v7  }
0x1b0: {  	v8 =	vadd.s32 s29, v0;
	v7 =	vor.u32 v3, v7  }
0x1b1: {  	s30 =	simm.s32 $0x4;
	v8 =	vand.u32 $0x7F, v8;
	v9 =	vld.idx.msk [tilespmem:v5+s17+$0x0], $0xffff  }
0x1b2: {  	v10 =	vadd.s32 s30, v0;
	v8 =	vor.u32 v3, v8;
	v5 =	vld.idx.msk [tilespmem:v5+s18+$0x0], $0xffff  }
0x1b3: {  	s31 =	simm.s32 $0x5;
	v10 =	vand.u32 $0x7F, v10;
	v11 =	vld.idx.msk [tilespmem:v6+s17+$0x0], $0xffff  }
0x1b4: {  	v12 =	vadd.s32 s31, v0;
	v10 =	vor.u32 v3, v10;
	v6 =	vld.idx.msk [tilespmem:v6+s18+$0x0], $0xffff  }
0x1b5: {  	s22 =	simm.s32 $0x6;
	v12 =	vand.u32 $0x7F, v12;
	v13 =	vld.idx.msk [tilespmem:v7+s17+$0x0], $0xffff  }
0x1b6: {  	v14 =	vadd.s32 s22, v0;
	v12 =	vor.u32 v3, v12;
	v7 =	vld.idx.msk [tilespmem:v7+s18+$0x0], $0xffff  }
0x1b7: {  	s24 =	simm.s32 $0x7;
	v14 =	vand.u32 $0x7F, v14;
	v15 =	vld.idx.msk [tilespmem:v8+s17+$0x0], $0xffff;
	v5 =	vmul.f32 v5, v9  }
0x1b8: {  	v16 =	vadd.s32 s24, v0;
	v8 =	vld.idx.msk [tilespmem:v8+s18+$0x0], $0xffff;
	v9 =	vor.u32 v3, v14;
	v14 =	vimm.f32 $0.0e+00  }
0x1b9: {  	s29 =	simm.s32 $0x8;
	v16 =	vand.u32 $0x7F, v16;
	v17 =	vld.idx.msk [tilespmem:v10+s17+$0x0], $0xffff;
	v6 =	vmul.f32 v6, v11;
	v5 =	vadd.f32 v5, v14  }
0x1ba: {  	v18 =	vadd.s32 s29, v0;
	v10 =	vld.idx.msk [tilespmem:v10+s18+$0x0], $0xffff;
	v11 =	vor.u32 v3, v16  }
0x1bb: {  	s30 =	simm.s32 $0x9;
	v16 =	vand.u32 $0x7F, v18;
	v14 =	vld.idx.msk [tilespmem:v12+s17+$0x0], $0xffff;
	v5 =	vadd.f32 v6, v5;
	v6 =	vmul.f32 v7, v13  }
0x1bc: {  	v18 =	vadd.s32 s30, v0;
	v7 =	vld.idx.msk [tilespmem:v12+s18+$0x0], $0xffff;
	v12 =	vor.u32 v3, v16  }
0x1bd: {  	s31 =	simm.s32 $0xA;
	v16 =	vand.u32 $0x7F, v18;
	v13 =	vld.idx.msk [tilespmem:v9+s17+$0x0], $0xffff;
	v5 =	vadd.f32 v6, v5;
	v6 =	vmul.f32 v8, v15  }
0x1be: {  	v18 =	vadd.s32 s31, v0;
	v8 =	vld.idx.msk [tilespmem:v9+s18+$0x0], $0xffff;
	v9 =	vor.u32 v3, v16  }
0x1bf: {  	s22 =	simm.s32 $0xB;
	v15 =	vld.idx.msk [tilespmem:v11+s17+$0x0], $0xffff;
	v16 =	vand.u32 $0x7F, v18;
	v5 =	vadd.f32 v6, v5;
	v6 =	vmul.f32 v10, v17  }
0x1c0: {  	v18 =	vadd.s32 s22, v0;
	v10 =	vld.idx.msk [tilespmem:v11+s18+$0x0], $0xffff;
	v11 =	vor.u32 v3, v16  }
0x1c1: {  	s24 =	simm.s32 $0xC;
	v17 =	vand.u32 $0x7F, v18;
	v16 =	vld.idx.msk [tilespmem:v12+s17+$0x0], $0xffff;
	v5 =	vadd.f32 v6, v5;
	v6 =	vmul.f32 v7, v14  }
0x1c2: {  	s29 =	simm.s32 $0xD;
	v18 =	vadd.s32 s24, v0;
	v12 =	vld.idx.msk [tilespmem:v12+s18+$0x0], $0xffff;
	v14 =	vor.u32 v3, v17  }
0x1c3: {  	v7 =	vand.u32 $0x7F, v18;
	v18 =	vadd.s32 s29, v0;
	v17 =	vld.idx.msk [tilespmem:v9+s17+$0x0], $0xffff;
	v5 =	vadd.f32 v6, v5  }
0x1c4: {  	v6 =	vmul.f32 v8, v13;
	v8 =	vld.idx.msk [tilespmem:v9+s18+$0x0], $0xffff;
	v9 =	vor.u32 v3, v7;
	v7 =	vand.u32 $0x7F, v18  }
0x1c5: {  	s30 =	simm.s32 $0xE;
	v19 =	vld.idx.msk [tilespmem:v11+s17+$0x0], $0xffff;
	v20 =	vor.u32 v3, v7  }
0x1c6: {  	v18 =	vld.idx.msk [tilespmem:v11+s18+$0x0], $0xffff;
	v5 =	vadd.f32 v6, v5;
	v6 =	vmul.f32 v10, v15;
	v10 =	vadd.s32 s30, v0  }
0x1c7: {  	s31 =	simm.s32 $0xF;
	v12 =	vmul.f32 v12, v16;
	v7 =	vld.idx.msk [tilespmem:v14+s17+$0x0], $0xffff;
	v13 =	vand.u32 $0x7F, v10  }
0x1c8: {  	v11 =	vld.idx.msk [tilespmem:v14+s18+$0x0], $0xffff;
	v10 =	vadd.s32 s31, v0;
	v5 =	vadd.f32 v6, v5;
	v13 =	vor.u32 v3, v13  }
0x1c9: {  	v14 =	vand.u32 $0x7F, v10;
	v6 =	vld.idx.msk [tilespmem:v9+s17+$0x0], $0xffff  }
0x1ca: {  	s22 =	simm.s32 $0x11;
	v16 =	vmul.f32 v8, v17;
	v10 =	vld.idx.msk [tilespmem:v9+s18+$0x0], $0xffff;
	v9 =	vor.u32 v3, v14;
	v12 =	vadd.f32 v12, v5  }
0x1cb: {  	s21 =	simm.s32 $0x10;
	v15 =	vadd.s32 s22, v0;
	v8 =	vld.idx.msk [tilespmem:v20+s17+$0x0], $0xffff  }
0x1cc: {  	s24 =	simm.s32 $0x12;
	s22 =	simm.s32 $0x20;
	v5 =	vor.u32 s21, v4;
	v14 =	vadd.f32 v16, v12;
	v16 =	vmul.f32 v18, v19;
	v12 =	vld.idx.msk [tilespmem:v20+s18+$0x0], $0xffff  }
.LBB2_17:
0x1cd: {  	p0 =	slt.u32 s22, $0x70;
	v15 =	vand.u32 $0x7F, v15;
	v17 =	vadd.s32 s24, v0;
	v18 =	vld.idx.msk [tilespmem:v13+s17+$0x0], $0xffff  }
0x1ce: {  	s24 =	sadd.s32 $0x3, s21;
	v7 =	vmul.f32 v11, v7;
	v15 =	vor.u32 v3, v15;
	v14 =	vadd.f32 v16, v14;
	v11 =	vld.idx.msk [tilespmem:v13+s18+$0x0], $0xffff  }
0x1cf: {  	v13 =	vand.u32 $0x7F, v17;
	v16 =	vadd.s32 s24, v0;
	v17 =	vld.idx.msk [tilespmem:v9+s17+$0x0], $0xffff  }
0x1d0: {  	s24 =	sadd.s32 $0x4, s21;
	v13 =	vor.u32 v3, v13;
	v6 =	vmul.f32 v10, v6;
	v7 =	vadd.f32 v7, v14;
	v9 =	vld.idx.msk [tilespmem:v9+s18+$0x0], $0xffff  }
0x1d1: {  	v14 =	vand.u32 $0x7F, v16;
	v16 =	vadd.s32 s24, v0;
	v10 =	vld.idx.msk [tilespmem:v5+s17+$0x0], $0xffff  }
0x1d2: {  	s24 =	sadd.s32 $0x5, s21;
	v14 =	vor.u32 v3, v14;
	v5 =	vld.idx.msk [tilespmem:v5+s18+$0x0], $0xffff;
	v6 =	vadd.f32 v6, v7;
	v7 =	vmul.f32 v12, v8  }
0x1d3: {  	v12 =	vand.u32 $0x7F, v16;
	v16 =	vadd.s32 s24, v0;
	v8 =	vld.idx.msk [tilespmem:v15+s17+$0x0], $0xffff  }
0x1d4: {  	s24 =	sadd.s32 $0x6, s21;
	v12 =	vor.u32 v3, v12;
	v15 =	vld.idx.msk [tilespmem:v15+s18+$0x0], $0xffff;
	v6 =	vadd.f32 v7, v6;
	v7 =	vmul.f32 v11, v18  }
0x1d5: {  	v16 =	vand.u32 $0x7F, v16;
	v18 =	vadd.s32 s24, v0;
	v11 =	vld.idx.msk [tilespmem:v13+s17+$0x0], $0xffff  }
0x1d6: {  	v16 =	vor.u32 v3, v16;
	s24 =	sadd.s32 $0x7, s21;
	v13 =	vld.idx.msk [tilespmem:v13+s18+$0x0], $0xffff;
	v6 =	vadd.f32 v7, v6;
	v7 =	vmul.f32 v9, v17  }
0x1d7: {  	v17 =	vand.u32 $0x7F, v18;
	v18 =	vadd.s32 s24, v0;
	v9 =	vld.idx.msk [tilespmem:v14+s17+$0x0], $0xffff  }
0x1d8: {  	s24 =	sadd.s32 $0x8, s21;
	v5 =	vmul.f32 v5, v10;
	v10 =	vld.idx.msk [tilespmem:v14+s18+$0x0], $0xffff;
	v14 =	vor.u32 v3, v17;
	v6 =	vadd.f32 v7, v6  }
0x1d9: {  	v17 =	vand.u32 $0x7F, v18;
	v18 =	vadd.s32 s24, v0;
	v7 =	vld.idx.msk [tilespmem:v12+s17+$0x0], $0xffff  }
0x1da: {  	s24 =	sadd.s32 $0x9, s21;
	v5 =	vadd.f32 v5, v6;
	v6 =	vmul.f32 v15, v8;
	v8 =	vld.idx.msk [tilespmem:v12+s18+$0x0], $0xffff;
	v12 =	vor.u32 v3, v17  }
0x1db: {  	v17 =	vand.u32 $0x7F, v18;
	v18 =	vadd.s32 s24, v0;
	v15 =	vld.idx.msk [tilespmem:v16+s17+$0x0], $0xffff  }
0x1dc: {  	s24 =	sadd.s32 $0xA, s21;
	v5 =	vadd.f32 v6, v5;
	v6 =	vmul.f32 v13, v11;
	v11 =	vld.idx.msk [tilespmem:v16+s18+$0x0], $0xffff;
	v13 =	vor.u32 v3, v17  }
0x1dd: {  	v17 =	vand.u32 $0x7F, v18;
	v18 =	vadd.s32 s24, v0;
	v16 =	vld.idx.msk [tilespmem:v14+s17+$0x0], $0xffff  }
0x1de: {  	s24 =	sadd.s32 $0xB, s21;
	v5 =	vadd.f32 v6, v5;
	v6 =	vmul.f32 v10, v9;
	v9 =	vld.idx.msk [tilespmem:v14+s18+$0x0], $0xffff;
	v10 =	vor.u32 v3, v17  }
0x1df: {  	v17 =	vand.u32 $0x7F, v18;
	v18 =	vadd.s32 s24, v0;
	v14 =	vld.idx.msk [tilespmem:v12+s17+$0x0], $0xffff  }
0x1e0: {  	s24 =	sadd.s32 $0xC, s21;
	v5 =	vadd.f32 v6, v5;
	v6 =	vmul.f32 v8, v7;
	v7 =	vld.idx.msk [tilespmem:v12+s18+$0x0], $0xffff;
	v8 =	vor.u32 v3, v17  }
0x1e1: {  	v17 =	vand.u32 $0x7F, v18;
	v18 =	vadd.s32 s24, v0;
	v12 =	vld.idx.msk [tilespmem:v13+s17+$0x0], $0xffff  }
0x1e2: {  	s24 =	sadd.s32 $0xD, s21;
	v5 =	vadd.f32 v6, v5;
	v6 =	vmul.f32 v11, v15;
	v11 =	vld.idx.msk [tilespmem:v13+s18+$0x0], $0xffff;
	v13 =	vor.u32 v3, v17  }
0x1e3: {  	v17 =	vand.u32 $0x7F, v18;
	v18 =	vadd.s32 s24, v0;
	v15 =	vld.idx.msk [tilespmem:v10+s17+$0x0], $0xffff  }
0x1e4: {  	s24 =	sadd.s32 $0xE, s21;
	v5 =	vadd.f32 v6, v5;
	v6 =	vmul.f32 v9, v16;
	v9 =	vld.idx.msk [tilespmem:v10+s18+$0x0], $0xffff;
	v10 =	vor.u32 v3, v17  }
0x1e5: {  	v17 =	vand.u32 $0x7F, v18;
	v18 =	vadd.s32 s24, v0;
	v16 =	vld.idx.msk [tilespmem:v8+s17+$0x0], $0xffff  }
0x1e6: {  	s24 =	sadd.s32 $0xF, s21;
	s21 =	smov.u32 s22;
	v17 =	vor.u32 v3, v17;
	v5 =	vadd.f32 v6, v5;
	v6 =	vmul.f32 v7, v14;
	v19 =	vld.idx.msk [tilespmem:v8+s18+$0x0], $0xffff  }
0x1e7: {  	v8 =	vand.u32 $0x7F, v18;
	v14 =	vadd.s32 s24, v0;
	v7 =	vld.idx.msk [tilespmem:v13+s17+$0x0], $0xffff  }
.Ltmp7:
0x1e8: {  	v12 =	vmul.f32 v11, v12;
	v5 =	vadd.f32 v6, v5;
	v11 =	vld.idx.msk [tilespmem:v13+s18+$0x0], $0xffff;
	v13 =	vor.u32 v3, v8;
	(pc) =	sbr.rel @p0 .LBB2_17-.Ltmp7, $4  }
0x1e9: {  	v8 =	vand.u32 $0x7F, v14;
	v6 =	vld.idx.msk [tilespmem:v10+s17+$0x0], $0xffff  }
0x1ea: {  	v14 =	vmul.f32 v9, v15;
	v9 =	vor.u32 v3, v8;
	v12 =	vadd.f32 v12, v5;
	v10 =	vld.idx.msk [tilespmem:v10+s18+$0x0], $0xffff  }
0x1eb: {  	s24 =	sadd.s32 $0x1, s22;
	v5 =	vor.u32 s22, v4;
	v8 =	vld.idx.msk [tilespmem:v17+s17+$0x0], $0xffff  }
0x1ec: {  	v15 =	vadd.s32 s24, v0;
	s24 =	sadd.s32 $0x2, s21;
	s22 =	sadd.s32 $0x10, s22;
	v16 =	vmul.f32 v19, v16;
	v14 =	vadd.f32 v14, v12;
	v12 =	vld.idx.msk [tilespmem:v17+s18+$0x0], $0xffff  }
0x1ed: {  	_ =	sdelay $0x3  }
0x1ee: {  	v4 =	vand.u32 $0x7F, v15;
	v57 =	vld.idx.msk [tilespmem:v13+s17+$0x0], $0xffff;
	v7 =	vmul.f32 v11, v7;
	v14 =	vadd.f32 v16, v14  }
0x1ef: {  	v58 =	vadd.s32 s24, v0;
	v59 =	vld.idx.msk [tilespmem:v13+s18+$0x0], $0xffff;
	v4 =	vor.u32 v3, v4  }
0x1f0: {  	s22 =	sadd.s32 $0x3, s21;
	v60 =	vld.idx.msk [tilespmem:v9+s17+$0x0], $0xffff;
	v11 =	vand.u32 $0x7F, v58;
	v6 =	vmul.f32 v10, v6;
	v7 =	vadd.f32 v7, v14  }
0x1f1: {  	v62 =	vld.idx.msk [tilespmem:v9+s18+$0x0], $0xffff;
	v61 =	vadd.s32 s22, v0;
	v11 =	vor.u32 v3, v11  }
0x1f2: {  	s24 =	sadd.s32 $0x4, s21;
	v63 =	vld.idx.msk [tilespmem:v5+s17+$0x0], $0xffff;
	v10 =	vand.u32 $0x7F, v61;
	v19 =	vmul.f32 v12, v8;
	v6 =	vadd.f32 v6, v7  }
0x1f3: {  	v21 =	vld.idx.msk [tilespmem:v5+s18+$0x0], $0xffff;
	v20 =	vadd.s32 s24, v0;
	v10 =	vor.u32 v3, v10  }
0x1f4: {  	s29 =	sadd.s32 $0x5, s21;
	v8 =	vand.u32 $0x7F, v20;
	v23 =	vmul.f32 v59, v57;
	v22 =	vld.idx.msk [tilespmem:v4+s17+$0x0], $0xffff;
	v6 =	vadd.f32 v19, v6  }
0x1f5: {  	v24 =	vadd.s32 s29, v0;
	v8 =	vor.u32 v3, v8;
	v4 =	vld.idx.msk [tilespmem:v4+s18+$0x0], $0xffff  }
0x1f6: {  	s30 =	sadd.s32 $0x6, s21;
	v13 =	vand.u32 $0x7F, v24;
	v26 =	vmul.f32 v62, v60;
	v25 =	vld.idx.msk [tilespmem:v11+s17+$0x0], $0xffff;
	v6 =	vadd.f32 v23, v6  }
0x1f7: {  	v27 =	vadd.s32 s30, v0;
	v13 =	vor.u32 v3, v13;
	v11 =	vld.idx.msk [tilespmem:v11+s18+$0x0], $0xffff  }
0x1f8: {  	s31 =	sadd.s32 $0x7, s21;
	v9 =	vand.u32 $0x7F, v27;
	v5 =	vmul.f32 v21, v63;
	v28 =	vld.idx.msk [tilespmem:v10+s17+$0x0], $0xffff;
	v6 =	vadd.f32 v26, v6  }
0x1f9: {  	v29 =	vadd.s32 s31, v0;
	v9 =	vor.u32 v3, v9;
	v10 =	vld.idx.msk [tilespmem:v10+s18+$0x0], $0xffff  }
0x1fa: {  	s24 =	sadd.s32 $0x8, s21;
	v7 =	vand.u32 $0x7F, v29;
	v30 =	vld.idx.msk [tilespmem:v8+s17+$0x0], $0xffff;
	v4 =	vmul.f32 v4, v22;
	v5 =	vadd.f32 v5, v6  }
0x1fb: {  	v31 =	vadd.s32 s24, v0;
	v7 =	vor.u32 v3, v7;
	v8 =	vld.idx.msk [tilespmem:v8+s18+$0x0], $0xffff  }
0x1fc: {  	s29 =	sadd.s32 $0x9, s21;
	v32 =	vld.idx.msk [tilespmem:v13+s17+$0x0], $0xffff;
	v33 =	vmul.f32 v11, v25;
	v6 =	vand.u32 $0x7F, v31;
	v4 =	vadd.f32 v4, v5  }
0x1fd: {  	v34 =	vadd.s32 s29, v0;
	v13 =	vld.idx.msk [tilespmem:v13+s18+$0x0], $0xffff;
	v6 =	vor.u32 v3, v6  }
0x1fe: {  	s30 =	sadd.s32 $0xA, s21;
	v35 =	vld.idx.msk [tilespmem:v9+s17+$0x0], $0xffff;
	v11 =	vand.u32 $0x7F, v34;
	v36 =	vmul.f32 v10, v28;
	v4 =	vadd.f32 v33, v4  }
0x1ff: {  	v37 =	vadd.s32 s30, v0;
	v9 =	vld.idx.msk [tilespmem:v9+s18+$0x0], $0xffff;
	v11 =	vor.u32 v3, v11  }
0x200: {  	s31 =	sadd.s32 $0xB, s21;
	v38 =	vld.idx.msk [tilespmem:v7+s17+$0x0], $0xffff;
	v10 =	vand.u32 $0x7F, v37;
	v39 =	vmul.f32 v8, v30;
	v4 =	vadd.f32 v36, v4  }
0x201: {  	v40 =	vadd.s32 s31, v0;
	v7 =	vld.idx.msk [tilespmem:v7+s18+$0x0], $0xffff;
	v10 =	vor.u32 v3, v10  }
0x202: {  	s24 =	sadd.s32 $0xC, s21;
	v42 =	vmul.f32 v13, v32;
	v8 =	vand.u32 $0x7F, v40;
	v41 =	vld.idx.msk [tilespmem:v6+s17+$0x0], $0xffff;
	v4 =	vadd.f32 v39, v4  }
0x203: {  	v43 =	vadd.s32 s24, v0;
	v8 =	vor.u32 v3, v8;
	v6 =	vld.idx.msk [tilespmem:v6+s18+$0x0], $0xffff  }
0x204: {  	s29 =	sadd.s32 $0xD, s21;
	v12 =	vand.u32 $0x7F, v43;
	v45 =	vmul.f32 v9, v35;
	v44 =	vld.idx.msk [tilespmem:v11+s17+$0x0], $0xffff;
	v4 =	vadd.f32 v42, v4  }
0x205: {  	v46 =	vadd.s32 s29, v0;
	v12 =	vor.u32 v3, v12;
	v11 =	vld.idx.msk [tilespmem:v11+s18+$0x0], $0xffff  }
0x206: {  	s30 =	sadd.s32 $0xE, s21;
	v9 =	vand.u32 $0x7F, v46;
	v48 =	vmul.f32 v7, v38;
	v47 =	vld.idx.msk [tilespmem:v10+s17+$0x0], $0xffff;
	v4 =	vadd.f32 v45, v4  }
0x207: {  	v49 =	vadd.s32 s30, v0;
	v9 =	vor.u32 v3, v9;
	v10 =	vld.idx.msk [tilespmem:v10+s18+$0x0], $0xffff  }
0x208: {  	s31 =	sadd.s32 $0xF, s21;
	v7 =	vand.u32 $0x7F, v49;
	v50 =	vld.idx.msk [tilespmem:v8+s17+$0x0], $0xffff;
	v51 =	vmul.f32 v6, v41;
	v4 =	vadd.f32 v48, v4  }
0x209: {  	v52 =	vadd.s32 s31, v0;
	v7 =	vor.u32 v3, v7;
	v8 =	vld.idx.msk [tilespmem:v8+s18+$0x0], $0xffff  }
0x20a: {  	v53 =	vld.idx.msk [tilespmem:v12+s17+$0x0], $0xffff;
	v54 =	vmul.f32 v11, v44;
	v6 =	vand.u32 $0x7F, v52;
	v4 =	vadd.f32 v51, v4  }
0x20b: {  	v55 =	vld.idx.msk [tilespmem:v12+s18+$0x0], $0xffff;
	v3 =	vor.u32 v3, v6  }
0x20c: {  	v56 =	vld.idx.msk [tilespmem:v9+s17+$0x0], $0xffff;
	v57 =	vmul.f32 v10, v47;
	v4 =	vadd.f32 v54, v4  }
0x20d: {  	v9 =	vld.idx.msk [tilespmem:v9+s18+$0x0], $0xffff  }
0x20e: {  	v58 =	vld.idx.msk [tilespmem:v7+s17+$0x0], $0xffff;
	v59 =	vmul.f32 v8, v50;
	v4 =	vadd.f32 v57, v4  }
0x20f: {  	v7 =	vld.idx.msk [tilespmem:v7+s18+$0x0], $0xffff  }
0x210: {  	v61 =	vmul.f32 v55, v53;
	v60 =	vld.idx.msk [tilespmem:v3+s17+$0x0], $0xffff;
	v4 =	vadd.f32 v59, v4  }
0x211: {  	v3 =	vld.idx.msk [tilespmem:v3+s18+$0x0], $0xffff  }
0x212: {  	v62 =	vmul.f32 v9, v56;
	v4 =	vadd.f32 v61, v4;
	_ =	sdelay $0x1  }
0x213: {  	v63 =	vmul.f32 v7, v58;
	v4 =	vadd.f32 v62, v4;
	_ =	sdelay $0x1  }
0x214: {  	s1 =	sadd.s32 $0x1, s1;
	v3 =	vmul.f32 v3, v60;
	v4 =	vadd.f32 v63, v4  }
0x215: {  	p0 =	sne.s32 s1, $0xC  }
.Ltmp8:
0x216: {  	v3 =	vadd.f32 v3, v4;
	(pc) =	sbr.rel @p0 .LBB2_16-.Ltmp8, $3  }
0x217: {  	_ = 	snop  }
0x218: {  	v3 =	vadd.f32 v3, v2;
	_ =	sdelay $0x1  }
0x219: {  	[tilespmem:s10+$0x1F540] =	vst v3  }
0x21a: {  	v3 =	vmul.u32 $0x81, v0  }
0x21b: {  	_ =	swait.ge [sflag:s19], $0x800;
	s0 =	simm.s32 $0x0;
	s1 =	simm.s32 $0x1  }
0x21c: {  	[sflag:s19] =	ssyncset.done $0x0;
	v4 =	vadd.s32 s1, v0;
	v5 =	vor.u32 s0, v3  }
0x21d: {  	s10 =	simm.s32 $0x2;
	[sflag:s19] =	ssyncadd.s32 $0xFFFFF800;
	v4 =	vand.u32 $0x7F, v4  }
0x21e: {  	v6 =	vadd.s32 s10, v0;
	_ =	swait.ge [sflag:s19], $0x800;
	v4 =	vor.u32 v1, v4  }
0x21f: {  	s21 =	simm.s32 $0x3;
	v6 =	vand.u32 $0x7F, v6;
	[sflag:s19] =	ssyncset.done $0x0  }
0x220: {  	v7 =	vadd.s32 s21, v0;
	v6 =	vor.u32 v1, v6;
	[sflag:s19] =	ssyncadd.s32 $0xFFFFF800  }
0x221: {  	s22 =	simm.s32 $0x4;
	v7 =	vand.u32 $0x7F, v7;
	v8 =	vld.idx.msk [tilespmem:v5+s15+$0x0], $0xffff  }
0x222: {  	v9 =	vadd.s32 s22, v0;
	v7 =	vor.u32 v1, v7;
	v5 =	vld.idx.msk [tilespmem:v5+s16+$0x0], $0xffff  }
0x223: {  	s24 =	simm.s32 $0x5;
	v9 =	vand.u32 $0x7F, v9;
	v10 =	vld.idx.msk [tilespmem:v4+s15+$0x0], $0xffff  }
0x224: {  	v11 =	vadd.s32 s24, v0;
	v9 =	vor.u32 v1, v9;
	v4 =	vld.idx.msk [tilespmem:v4+s16+$0x0], $0xffff  }
0x225: {  	s29 =	simm.s32 $0x6;
	v11 =	vand.u32 $0x7F, v11;
	v12 =	vld.idx.msk [tilespmem:v6+s15+$0x0], $0xffff  }
0x226: {  	v13 =	vadd.s32 s29, v0;
	v11 =	vor.u32 v1, v11;
	v6 =	vld.idx.msk [tilespmem:v6+s16+$0x0], $0xffff  }
0x227: {  	s30 =	simm.s32 $0x7;
	v13 =	vand.u32 $0x7F, v13;
	v14 =	vld.idx.msk [tilespmem:v7+s15+$0x0], $0xffff  }
0x228: {  	s31 =	simm.s32 $0x8;
	v15 =	vadd.s32 s30, v0;
	v7 =	vld.idx.msk [tilespmem:v7+s16+$0x0], $0xffff;
	v5 =	vmul.f32 v5, v8;
	v8 =	vor.u32 v1, v13  }
0x229: {  	v17 =	vadd.s32 s31, v0;
	v15 =	vand.u32 $0x7F, v15;
	v16 =	vld.idx.msk [tilespmem:v9+s15+$0x0], $0xffff;
	v13 =	vimm.f32 $0.0e+00  }
0x22a: {  	s1 =	simm.s32 $0x9;
	v9 =	vld.idx.msk [tilespmem:v9+s16+$0x0], $0xffff;
	v4 =	vmul.f32 v4, v10;
	v10 =	vor.u32 v1, v15;
	v5 =	vadd.f32 v5, v13  }
0x22b: {  	v15 =	vand.u32 $0x7F, v17;
	v17 =	vadd.s32 s1, v0;
	v13 =	vld.idx.msk [tilespmem:v11+s15+$0x0], $0xffff  }
0x22c: {  	s10 =	simm.s32 $0xA;
	v4 =	vadd.f32 v4, v5;
	v5 =	vmul.f32 v6, v12;
	v6 =	vld.idx.msk [tilespmem:v11+s16+$0x0], $0xffff;
	v11 =	vor.u32 v1, v15  }
0x22d: {  	v15 =	vand.u32 $0x7F, v17;
	v17 =	vadd.s32 s10, v0;
	v12 =	vld.idx.msk [tilespmem:v8+s15+$0x0], $0xffff  }
0x22e: {  	s21 =	simm.s32 $0xB;
	v4 =	vadd.f32 v5, v4;
	v5 =	vmul.f32 v7, v14;
	v7 =	vld.idx.msk [tilespmem:v8+s16+$0x0], $0xffff;
	v8 =	vor.u32 v1, v15  }
0x22f: {  	v14 =	vld.idx.msk [tilespmem:v10+s15+$0x0], $0xffff;
	v15 =	vand.u32 $0x7F, v17;
	v17 =	vadd.s32 s21, v0  }
0x230: {  	s22 =	simm.s32 $0xC;
	v4 =	vadd.f32 v5, v4;
	v5 =	vmul.f32 v9, v16;
	v9 =	vld.idx.msk [tilespmem:v10+s16+$0x0], $0xffff;
	v10 =	vor.u32 v1, v15  }
0x231: {  	v16 =	vand.u32 $0x7F, v17;
	v17 =	vadd.s32 s22, v0;
	v15 =	vld.idx.msk [tilespmem:v11+s15+$0x0], $0xffff  }
0x232: {  	s24 =	simm.s32 $0xD;
	v11 =	vld.idx.msk [tilespmem:v11+s16+$0x0], $0xffff;
	v4 =	vadd.f32 v5, v4;
	v5 =	vmul.f32 v6, v13;
	v13 =	vor.u32 v1, v16  }
0x233: {  	v6 =	vand.u32 $0x7F, v17;
	v17 =	vadd.s32 s24, v0;
	v16 =	vld.idx.msk [tilespmem:v8+s15+$0x0], $0xffff;
	v7 =	vmul.f32 v7, v12  }
0x234: {  	v18 =	vld.idx.msk [tilespmem:v8+s16+$0x0], $0xffff;
	v19 =	vor.u32 v1, v6;
	v6 =	vand.u32 $0x7F, v17;
	v5 =	vadd.f32 v5, v4  }
0x235: {  	s29 =	simm.s32 $0xE;
	v8 =	vor.u32 v1, v6;
	v4 =	vld.idx.msk [tilespmem:v10+s15+$0x0], $0xffff  }
0x236: {  	v5 =	vadd.f32 v7, v5;
	v7 =	vmul.f32 v9, v14;
	v9 =	vld.idx.msk [tilespmem:v10+s16+$0x0], $0xffff;
	v10 =	vadd.s32 s29, v0  }
0x237: {  	s30 =	simm.s32 $0xF;
	v11 =	vmul.f32 v11, v15;
	v6 =	vld.idx.msk [tilespmem:v13+s15+$0x0], $0xffff;
	v10 =	vand.u32 $0x7F, v10  }
0x238: {  	v14 =	vadd.s32 s30, v0;
	v12 =	vld.idx.msk [tilespmem:v13+s16+$0x0], $0xffff;
	v7 =	vadd.f32 v7, v5;
	v13 =	vor.u32 v1, v10  }
0x239: {  	v5 =	vld.idx.msk [tilespmem:v19+s15+$0x0], $0xffff;
	v10 =	vand.u32 $0x7F, v14  }
0x23a: {  	s31 =	simm.s32 $0x11;
	v16 =	vmul.f32 v18, v16;
	v10 =	vor.u32 v1, v10;
	v14 =	vadd.f32 v11, v7;
	v11 =	vld.idx.msk [tilespmem:v19+s16+$0x0], $0xffff  }
0x23b: {  	s0 =	simm.s32 $0x10;
	s1 =	simm.s32 $0x20;
	v15 =	vadd.s32 s31, v0;
	v7 =	vld.idx.msk [tilespmem:v8+s15+$0x0], $0xffff  }
.LBB2_20:
0x23c: {  	p0 =	slt.u32 s1, $0x70;
	v17 =	vor.u32 s0, v3;
	s10 =	sadd.s32 $0x2, s0;
	v14 =	vadd.f32 v16, v14;
	v4 =	vmul.f32 v9, v4;
	v8 =	vld.idx.msk [tilespmem:v8+s16+$0x0], $0xffff  }
0x23d: {  	v9 =	vand.u32 $0x7F, v15;
	v15 =	vadd.s32 s10, v0;
	v16 =	vld.idx.msk [tilespmem:v13+s15+$0x0], $0xffff  }
0x23e: {  	v9 =	vor.u32 v1, v9;
	s10 =	sadd.s32 $0x3, s0;
	v6 =	vmul.f32 v12, v6;
	v4 =	vadd.f32 v4, v14;
	v12 =	vld.idx.msk [tilespmem:v13+s16+$0x0], $0xffff  }
0x23f: {  	v13 =	vand.u32 $0x7F, v15;
	v14 =	vadd.s32 s10, v0;
	v15 =	vld.idx.msk [tilespmem:v10+s15+$0x0], $0xffff  }
0x240: {  	s10 =	sadd.s32 $0x4, s0;
	v13 =	vor.u32 v1, v13;
	v5 =	vmul.f32 v11, v5;
	v4 =	vadd.f32 v6, v4;
	v6 =	vld.idx.msk [tilespmem:v10+s16+$0x0], $0xffff  }
0x241: {  	v11 =	vand.u32 $0x7F, v14;
	v14 =	vadd.s32 s10, v0;
	v10 =	vld.idx.msk [tilespmem:v17+s15+$0x0], $0xffff  }
0x242: {  	s10 =	sadd.s32 $0x5, s0;
	v11 =	vor.u32 v1, v11;
	v17 =	vld.idx.msk [tilespmem:v17+s16+$0x0], $0xffff;
	v4 =	vadd.f32 v5, v4;
	v5 =	vmul.f32 v8, v7  }
0x243: {  	v8 =	vand.u32 $0x7F, v14;
	v14 =	vadd.s32 s10, v0;
	v7 =	vld.idx.msk [tilespmem:v9+s15+$0x0], $0xffff  }
0x244: {  	s10 =	sadd.s32 $0x6, s0;
	v8 =	vor.u32 v1, v8;
	v9 =	vld.idx.msk [tilespmem:v9+s16+$0x0], $0xffff;
	v4 =	vadd.f32 v5, v4;
	v5 =	vmul.f32 v12, v16  }
0x245: {  	v14 =	vand.u32 $0x7F, v14;
	v16 =	vadd.s32 s10, v0;
	v12 =	vld.idx.msk [tilespmem:v13+s15+$0x0], $0xffff  }
0x246: {  	v14 =	vor.u32 v1, v14;
	s10 =	sadd.s32 $0x7, s0;
	v13 =	vld.idx.msk [tilespmem:v13+s16+$0x0], $0xffff;
	v4 =	vadd.f32 v5, v4;
	v5 =	vmul.f32 v6, v15  }
0x247: {  	v15 =	vand.u32 $0x7F, v16;
	v16 =	vadd.s32 s10, v0;
	v6 =	vld.idx.msk [tilespmem:v11+s15+$0x0], $0xffff  }
0x248: {  	s10 =	sadd.s32 $0x8, s0;
	v10 =	vmul.f32 v17, v10;
	v15 =	vor.u32 v1, v15;
	v11 =	vld.idx.msk [tilespmem:v11+s16+$0x0], $0xffff;
	v4 =	vadd.f32 v5, v4  }
0x249: {  	v16 =	vand.u32 $0x7F, v16;
	v17 =	vadd.s32 s10, v0;
	v5 =	vld.idx.msk [tilespmem:v8+s15+$0x0], $0xffff  }
0x24a: {  	s10 =	sadd.s32 $0x9, s0;
	v7 =	vmul.f32 v9, v7;
	v9 =	vor.u32 v1, v16;
	v4 =	vadd.f32 v10, v4;
	v8 =	vld.idx.msk [tilespmem:v8+s16+$0x0], $0xffff  }
0x24b: {  	v16 =	vand.u32 $0x7F, v17;
	v17 =	vadd.s32 s10, v0;
	v10 =	vld.idx.msk [tilespmem:v14+s15+$0x0], $0xffff  }
0x24c: {  	s10 =	sadd.s32 $0xA, s0;
	v4 =	vadd.f32 v7, v4;
	v7 =	vmul.f32 v13, v12;
	v12 =	vld.idx.msk [tilespmem:v14+s16+$0x0], $0xffff;
	v13 =	vor.u32 v1, v16  }
0x24d: {  	v16 =	vand.u32 $0x7F, v17;
	v17 =	vadd.s32 s10, v0;
	v14 =	vld.idx.msk [tilespmem:v15+s15+$0x0], $0xffff  }
0x24e: {  	s10 =	sadd.s32 $0xB, s0;
	v6 =	vmul.f32 v11, v6;
	v11 =	vor.u32 v1, v16;
	v4 =	vadd.f32 v7, v4;
	v7 =	vld.idx.msk [tilespmem:v15+s16+$0x0], $0xffff  }
0x24f: {  	v16 =	vand.u32 $0x7F, v17;
	v17 =	vadd.s32 s10, v0;
	v15 =	vld.idx.msk [tilespmem:v9+s15+$0x0], $0xffff  }
0x250: {  	s10 =	sadd.s32 $0xC, s0;
	v5 =	vmul.f32 v8, v5;
	v8 =	vor.u32 v1, v16;
	v4 =	vadd.f32 v6, v4;
	v6 =	vld.idx.msk [tilespmem:v9+s16+$0x0], $0xffff  }
0x251: {  	v9 =	vand.u32 $0x7F, v17;
	v17 =	vadd.s32 s10, v0;
	v16 =	vld.idx.msk [tilespmem:v13+s15+$0x0], $0xffff  }
0x252: {  	s10 =	sadd.s32 $0xD, s0;
	v4 =	vadd.f32 v5, v4;
	v5 =	vmul.f32 v12, v10;
	v10 =	vld.idx.msk [tilespmem:v13+s16+$0x0], $0xffff;
	v12 =	vor.u32 v1, v9  }
0x253: {  	v9 =	vand.u32 $0x7F, v17;
	v13 =	vadd.s32 s10, v0;
	v18 =	vld.idx.msk [tilespmem:v11+s15+$0x0], $0xffff  }
0x254: {  	s10 =	sadd.s32 $0xE, s0;
	v7 =	vmul.f32 v7, v14;
	v17 =	vor.u32 v1, v9;
	v5 =	vadd.f32 v5, v4;
	v11 =	vld.idx.msk [tilespmem:v11+s16+$0x0], $0xffff  }
0x255: {  	v13 =	vand.u32 $0x7F, v13;
	v14 =	vadd.s32 s10, v0;
	v4 =	vld.idx.msk [tilespmem:v8+s15+$0x0], $0xffff  }
0x256: {  	s10 =	sadd.s32 $0xF, s0;
	s0 =	smov.u32 s1;
	v5 =	vadd.f32 v7, v5;
	v7 =	vmul.f32 v6, v15;
	v9 =	vld.idx.msk [tilespmem:v8+s16+$0x0], $0xffff;
	v8 =	vor.u32 v1, v13  }
.Ltmp9:
0x257: {  	v13 =	vand.u32 $0x7F, v14;
	v14 =	vadd.s32 s10, v0;
	v6 =	vld.idx.msk [tilespmem:v12+s15+$0x0], $0xffff;
	(pc) =	sbr.rel @p0 .LBB2_20-.Ltmp9, $4  }
0x258: {  	v10 =	vmul.f32 v10, v16;
	v13 =	vor.u32 v1, v13;
	v7 =	vadd.f32 v7, v5;
	v12 =	vld.idx.msk [tilespmem:v12+s16+$0x0], $0xffff  }
0x259: {  	v15 =	vand.u32 $0x7F, v14;
	v5 =	vld.idx.msk [tilespmem:v17+s15+$0x0], $0xffff  }
0x25a: {  	s10 =	sadd.s32 $0x1, s1;
	v16 =	vmul.f32 v11, v18;
	v14 =	vadd.f32 v10, v7;
	v11 =	vld.idx.msk [tilespmem:v17+s16+$0x0], $0xffff;
	v10 =	vor.u32 v1, v15  }
0x25b: {  	s1 =	sadd.s32 $0x10, s1;
	v15 =	vadd.s32 s10, v0;
	v7 =	vld.idx.msk [tilespmem:v8+s15+$0x0], $0xffff  }
0x25c: {  	_ =	sdelay $0x2  }
0x25d: {  	v14 =	vadd.f32 v16, v14;
	v4 =	vmul.f32 v9, v4  }
0x25e: {  	v3 =	vor.u32 s0, v3;
	v8 =	vld.idx.msk [tilespmem:v8+s16+$0x0], $0xffff  }
0x25f: {  	s1 =	sadd.s32 $0x2, s0;
	v55 =	vand.u32 $0x7F, v15;
	v56 =	vld.idx.msk [tilespmem:v13+s15+$0x0], $0xffff;
	v6 =	vmul.f32 v12, v6;
	v4 =	vadd.f32 v4, v14  }
0x260: {  	v58 =	vld.idx.msk [tilespmem:v13+s16+$0x0], $0xffff;
	v57 =	vadd.s32 s1, v0;
	v9 =	vor.u32 v1, v55  }
0x261: {  	s21 =	sadd.s32 $0x3, s0;
	v59 =	vld.idx.msk [tilespmem:v10+s15+$0x0], $0xffff;
	v12 =	vand.u32 $0x7F, v57;
	v5 =	vmul.f32 v11, v5;
	v4 =	vadd.f32 v6, v4  }
0x262: {  	v62 =	vld.idx.msk [tilespmem:v10+s16+$0x0], $0xffff;
	v60 =	vadd.s32 s21, v0;
	v61 =	vor.u32 v1, v12  }
0x263: {  	s22 =	sadd.s32 $0x4, s0;
	v6 =	vand.u32 $0x7F, v60;
	v63 =	vld.idx.msk [tilespmem:v3+s15+$0x0], $0xffff;
	v18 =	vmul.f32 v8, v7;
	v4 =	vadd.f32 v5, v4  }
0x264: {  	v19 =	vadd.s32 s22, v0;
	v3 =	vld.idx.msk [tilespmem:v3+s16+$0x0], $0xffff;
	v6 =	vor.u32 v1, v6  }
0x265: {  	s24 =	sadd.s32 $0x5, s0;
	v7 =	vand.u32 $0x7F, v19;
	v21 =	vmul.f32 v58, v56;
	v20 =	vld.idx.msk [tilespmem:v9+s15+$0x0], $0xffff;
	v4 =	vadd.f32 v18, v4  }
0x266: {  	v22 =	vadd.s32 s24, v0;
	v9 =	vld.idx.msk [tilespmem:v9+s16+$0x0], $0xffff;
	v7 =	vor.u32 v1, v7  }
0x267: {  	s29 =	sadd.s32 $0x6, s0;
	v13 =	vand.u32 $0x7F, v22;
	v24 =	vmul.f32 v62, v59;
	v23 =	vld.idx.msk [tilespmem:v61+s15+$0x0], $0xffff;
	v4 =	vadd.f32 v21, v4  }
0x268: {  	v25 =	vadd.s32 s29, v0;
	v13 =	vor.u32 v1, v13;
	v11 =	vld.idx.msk [tilespmem:v61+s16+$0x0], $0xffff  }
0x269: {  	s30 =	sadd.s32 $0x7, s0;
	v10 =	vand.u32 $0x7F, v25;
	v26 =	vld.idx.msk [tilespmem:v6+s15+$0x0], $0xffff;
	v3 =	vmul.f32 v3, v63;
	v4 =	vadd.f32 v24, v4  }
0x26a: {  	v27 =	vadd.s32 s30, v0;
	v10 =	vor.u32 v1, v10;
	v6 =	vld.idx.msk [tilespmem:v6+s16+$0x0], $0xffff  }
0x26b: {  	s31 =	sadd.s32 $0x8, s0;
	v5 =	vand.u32 $0x7F, v27;
	v28 =	vld.idx.msk [tilespmem:v7+s15+$0x0], $0xffff;
	v29 =	vmul.f32 v9, v20;
	v3 =	vadd.f32 v3, v4  }
0x26c: {  	v30 =	vadd.s32 s31, v0;
	v5 =	vor.u32 v1, v5;
	v7 =	vld.idx.msk [tilespmem:v7+s16+$0x0], $0xffff  }
0x26d: {  	s10 =	sadd.s32 $0x9, s0;
	v8 =	vand.u32 $0x7F, v30;
	v31 =	vld.idx.msk [tilespmem:v13+s15+$0x0], $0xffff;
	v32 =	vmul.f32 v11, v23;
	v3 =	vadd.f32 v29, v3  }
0x26e: {  	v33 =	vadd.s32 s10, v0;
	v8 =	vor.u32 v1, v8;
	v13 =	vld.idx.msk [tilespmem:v13+s16+$0x0], $0xffff  }
0x26f: {  	s21 =	sadd.s32 $0xA, s0;
	v34 =	vld.idx.msk [tilespmem:v10+s15+$0x0], $0xffff;
	v11 =	vand.u32 $0x7F, v33;
	v35 =	vmul.f32 v6, v26;
	v3 =	vadd.f32 v32, v3  }
0x270: {  	v36 =	vadd.s32 s21, v0;
	v10 =	vld.idx.msk [tilespmem:v10+s16+$0x0], $0xffff;
	v11 =	vor.u32 v1, v11  }
0x271: {  	s22 =	sadd.s32 $0xB, s0;
	v37 =	vld.idx.msk [tilespmem:v5+s15+$0x0], $0xffff;
	v6 =	vand.u32 $0x7F, v36;
	v38 =	vmul.f32 v7, v28;
	v3 =	vadd.f32 v35, v3  }
0x272: {  	v39 =	vadd.s32 s22, v0;
	v5 =	vld.idx.msk [tilespmem:v5+s16+$0x0], $0xffff;
	v6 =	vor.u32 v1, v6  }
0x273: {  	s24 =	sadd.s32 $0xC, s0;
	v40 =	vld.idx.msk [tilespmem:v8+s15+$0x0], $0xffff;
	v41 =	vmul.f32 v13, v31;
	v7 =	vand.u32 $0x7F, v39;
	v3 =	vadd.f32 v38, v3  }
0x274: {  	v42 =	vadd.s32 s24, v0;
	v8 =	vld.idx.msk [tilespmem:v8+s16+$0x0], $0xffff;
	v7 =	vor.u32 v1, v7  }
0x275: {  	s29 =	sadd.s32 $0xD, s0;
	v9 =	vand.u32 $0x7F, v42;
	v44 =	vmul.f32 v10, v34;
	v43 =	vld.idx.msk [tilespmem:v11+s15+$0x0], $0xffff;
	v3 =	vadd.f32 v41, v3  }
0x276: {  	v45 =	vadd.s32 s29, v0;
	v9 =	vor.u32 v1, v9;
	v11 =	vld.idx.msk [tilespmem:v11+s16+$0x0], $0xffff  }
0x277: {  	s30 =	sadd.s32 $0xE, s0;
	v10 =	vand.u32 $0x7F, v45;
	v47 =	vmul.f32 v5, v37;
	v46 =	vld.idx.msk [tilespmem:v6+s15+$0x0], $0xffff;
	v3 =	vadd.f32 v44, v3  }
0x278: {  	v48 =	vadd.s32 s30, v0;
	v10 =	vor.u32 v1, v10;
	v6 =	vld.idx.msk [tilespmem:v6+s16+$0x0], $0xffff  }
0x279: {  	s31 =	sadd.s32 $0xF, s0;
	v50 =	vmul.f32 v8, v40;
	v5 =	vand.u32 $0x7F, v48;
	v49 =	vld.idx.msk [tilespmem:v7+s15+$0x0], $0xffff;
	v3 =	vadd.f32 v47, v3  }
0x27a: {  	v51 =	vadd.s32 s31, v0;
	v5 =	vor.u32 v1, v5;
	v7 =	vld.idx.msk [tilespmem:v7+s16+$0x0], $0xffff  }
0x27b: {  	v8 =	vand.u32 $0x7F, v51;
	v52 =	vld.idx.msk [tilespmem:v9+s15+$0x0], $0xffff;
	v53 =	vmul.f32 v11, v43;
	v3 =	vadd.f32 v50, v3  }
0x27c: {  	v9 =	vld.idx.msk [tilespmem:v9+s16+$0x0], $0xffff;
	v8 =	vor.u32 v1, v8  }
0x27d: {  	v54 =	vld.idx.msk [tilespmem:v10+s15+$0x0], $0xffff;
	v55 =	vmul.f32 v6, v46;
	v3 =	vadd.f32 v53, v3  }
0x27e: {  	v56 =	vld.idx.msk [tilespmem:v10+s16+$0x0], $0xffff  }
0x27f: {  	v57 =	vld.idx.msk [tilespmem:v5+s15+$0x0], $0xffff;
	v58 =	vmul.f32 v7, v49;
	v3 =	vadd.f32 v55, v3  }
0x280: {  	v5 =	vld.idx.msk [tilespmem:v5+s16+$0x0], $0xffff  }
0x281: {  	v59 =	vld.idx.msk [tilespmem:v8+s15+$0x0], $0xffff;
	v60 =	vmul.f32 v9, v52;
	v3 =	vadd.f32 v58, v3  }
0x282: {  	v8 =	vld.idx.msk [tilespmem:v8+s16+$0x0], $0xffff  }
0x283: {  	v61 =	vmul.f32 v56, v54;
	v3 =	vadd.f32 v60, v3;
	_ =	sdelay $0x1  }
0x284: {  	v62 =	vmul.f32 v5, v57;
	v3 =	vadd.f32 v61, v3;
	_ =	sdelay $0x1  }
0x285: {  	v63 =	vmul.f32 v8, v59;
	v3 =	vadd.f32 v62, v3;
	_ =	sdelay $0x1  }
0x286: {  	v3 =	vadd.f32 v63, v3;
	_ =	sdelay $0x1  }
0x287: {  	s28 =	sadd.s32 $0x1, s28;
	v2 =	vadd.f32 v3, v2  }
0x288: {  	p0 =	sne.s32 s28, s9  }
.Ltmp10:
0x289: {  	[tilespmem:$0x1F600] =	vst v2;
	(pc) =	sbr.rel @p0 .LBB2_1-.Ltmp10, $4  }
0x28a: {  	[hbm4b:s8+s2] =	stream.linear.scatter [tilespmem:s26], [sflag:$0x4], $0x2710, $0x38;
	[tilespmem:$0x1F700] =	vst v63  }
0x28b: {  	_ =	swait.ge [sflag:s11], $0x2710  }
0x28c: {  	[sflag:s11] =	ssyncset.done $0x0  }
0x28d: {  	[sflag:s11] =	ssyncadd.s32 $0xFFFFD8F0  }
0x28e: {  	_ =	sfence.sel $0x180000  }
0x28f: {  	[bflag:$0x0] =	sbarrier.arrive $0xFFFF  }
0x290: {  	_ =	strace $0x90000047  }
0x291: {  	s0 =	stileid.u32;
	[bflag:$0x2] =	sbarrier.arrive $0xFFFF  }
0x292: {  	p0 =	sne.s32 s0, $0x0;
	s0 =	rddreg [dreg:$0x2]  }
0x293: {  	s0 =	sadd.s32 @!p0 $0x100000, s0  }
0x294: {  	[sflag:s0] =	ssyncadd.tile.s32 @!p0 $0x1;
	_ =	shalt  }
.Lfunc_end2:
_tile_overlayer_lowered:
.L_overlay_start_2:
0x295: {  	(tag) =	ssettag $0x2  }
0x296: {  	s0 =	rddreg [dreg:$0x0];
	s2 =	stileid.u32  }
0x297: {  	s1 =	rddreg [dreg:$0x1];
	p0 =	sne.s32 s2, $0x0  }
0x298: {  	s3 =	rddreg [dreg:$0x2];
	[bflag:$0x3] =	sbarrier.arrive $0xFFFF;
	s2 =	simm.s32 @!p0 $0x1C04  }
0x299: {  	[timem:s3], [sflag:s2] =	dma.local @!p0 [hbm:s0], s1  }
0x29a: {  	s0 =	simm.s32 @!p0 $0x4  }
0x29b: {  	_ =	swait.ge @!p0 [sflag:s0], s1  }
0x29c: {  	s1 =	ssub.s32 @!p0 $0x0, s1;
	[sflag:s0] =	ssyncset.done @!p0 $0x0  }
0x29d: {  	[sflag:s0] =	ssyncadd.s32 @!p0 s1  }
0x29e: {  	[bflag:$0x3] =	sbarrier.arrive $0xFFFF  }
0x29f: {  	_ =	shalt  }

</sc_bundles>
